<compile_context>
chip_gen: v7x
topology: tpu7x:2x2x1
jax: 0.10.2.dev20260603
libtpu: 0.0.44.dev20260713+nightly
codegen_flags: <defaults>
</compile_context>

<pallas_src>
import functools

import jax
import jax.numpy as jnp
from jax import lax
from jax.experimental import pallas as pl
from jax.experimental.pallas import tpu as pltpu
from jax.experimental.pallas import tpu_sc as plsc

N_TX = 4
N_EL = 128
N_AX = 2048
N_CH = 2
NZ = 256
NX = 128
NPIX = NZ * NX
FS = 25e6
FC = 6.25e6
C = 1540.0
F_NUMBER = 1.0

NC = 2
NS = 16
NW = NC * NS
PPW = NPIX // NW
L = 16
NG = PPW // L

_BP = 2048
_NBLK = NPIX // _BP
NCOL = NX // NW
_TPB = _BP // PPW



def _cos_sin_quarter(rx):
    k = jnp.floor(rx + 0.5)
    t = (rx - k) * (jnp.pi / 2)
    x = t * t
    c = 1.0 + x * (-0.5 + x * (1.0 / 24.0 + x * (-1.0 / 720.0)))
    s = t * (1.0 + x * (-1.0 / 6.0 + x * (1.0 / 120.0 - x * (1.0 / 5040.0))))
    ki = k.astype(jnp.int32)
    swap = (ki & 1) != 0
    negc = ((ki + 1) & 2) != 0
    negs = (ki & 2) != 0
    cr = jnp.where(swap, s, c)
    sr = jnp.where(swap, c, s)
    return jnp.where(negc, -cr, cr), jnp.where(negs, -sr, sr)


def _pre_body(gx_ref, gy_ref, gz_ref, p_ref, t0c_ref, itfs_ref,
              rx_ref, cb_ref, sb_ref, txd_ref, ca_ref, sa_ref):
    gx = gx_ref[0, 0, :]
    gz = gz_ref[0, 0, :]
    px = p_ref[0, :][:, None]

    dx = gx[None, :] - px
    dist = jnp.sqrt(dx * dx + (gz * gz)[None, :])
    rx = dist * (FS / C)
    rx_ref[:, :] = rx

    mask = (jnp.abs(dx) <= gz[None, :] * (0.5 / F_NUMBER)).astype(jnp.float32)
    cbv, sbv = _cos_sin_quarter(rx)
    cb_ref[:, :] = cbv * mask
    sb_ref[:, :] = sbv * mask

    t0c = t0c_ref[:, :]
    itfs = itfs_ref[:, 0][:, None]
    rows = []
    for t in range(N_TX):
        v = t0c[t, :][:, None] + dist
        h = N_EL
        while h > 8:
            h //= 2
            v = jnp.minimum(v[:h, :], v[h:2 * h, :])
        rows.append(jnp.min(v, axis=0))
    txdist = jnp.stack(rows, axis=0)
    txdel = txdist * (FS / C) - itfs
    txd_ref[:, :] = txdel
    cav, sav = _cos_sin_quarter(txdel - gz[None, :] * (8 * FC / C))
    ca_ref[:, :] = cav
    sa_ref[:, :] = sav


def _precompute(gx, gy, gz, p, t0c, itfs):
    f32 = jnp.float32
    return pl.pallas_call(
        _pre_body,
        grid=(_NBLK,),
        in_specs=[
            pl.BlockSpec((1, 1, _BP), lambda i: (i, 0, 0)),
            pl.BlockSpec((1, 1, _BP), lambda i: (i, 0, 0)),
            pl.BlockSpec((1, 1, _BP), lambda i: (i, 0, 0)),
            pl.BlockSpec((3, N_EL), lambda i: (0, 0)),
            pl.BlockSpec((N_TX, N_EL), lambda i: (0, 0)),
            pl.BlockSpec((N_TX, N_EL), lambda i: (0, 0)),
        ],
        out_specs=[
            pl.BlockSpec((N_EL, _BP), lambda i: (0, i)),
            pl.BlockSpec((N_EL, _BP), lambda i: (0, i)),
            pl.BlockSpec((N_EL, _BP), lambda i: (0, i)),
            pl.BlockSpec((N_TX, _BP), lambda i: (0, i)),
            pl.BlockSpec((N_TX, _BP), lambda i: (0, i)),
            pl.BlockSpec((N_TX, _BP), lambda i: (0, i)),
        ],
        out_shape=[
            jax.ShapeDtypeStruct((N_EL, NPIX), f32),
            jax.ShapeDtypeStruct((N_EL, NPIX), f32),
            jax.ShapeDtypeStruct((N_EL, NPIX), f32),
            jax.ShapeDtypeStruct((N_TX, NPIX), f32),
            jax.ShapeDtypeStruct((N_TX, NPIX), f32),
            jax.ShapeDtypeStruct((N_TX, NPIX), f32),
        ],
    )(gx, gy, gz, p, t0c, itfs)



def _sc_body(data_h, rx_h, cb_h, sb_h, txd_h, ca_h, sa_h, bnd_h, out_h,
             dat_v0, dat_v1, rx_v, cb_v, sb_v, txd_v, ca_v, sa_v, au_v, av_v, out_v,
             bnd_v, sem_d0, sem_d1, sem_s0, sem_s1):
    dat_v = (dat_v0, dat_v1)
    cid = lax.axis_index("c")
    sid = lax.axis_index("s")
    wid = sid * NC + cid
    base = wid * PPW

    sem_d = (sem_d0, sem_d1)
    sem_s = (sem_s0, sem_s1)

    pltpu.sync_copy(txd_h.at[:, pl.ds(base, PPW)], txd_v)
    pltpu.sync_copy(ca_h.at[:, pl.ds(base, PPW)], ca_v)
    pltpu.sync_copy(sa_h.at[:, pl.ds(base, PPW)], sa_v)
    pltpu.sync_copy(bnd_h.at[wid], bnd_v)

    zero = jnp.zeros((L,), jnp.float32)

    def zbody(g, c):
        sl = pl.ds(g * L, L)
        for t in range(N_TX):
            au_v[t, sl] = zero
            av_v[t, sl] = zero
        return c
    lax.fori_loop(0, NG, zbody, 0)

    def start(el, slot):
        for t in range(N_TX):
            pltpu.async_copy(data_h.at[t, el],
                             dat_v[slot].at[pl.ds(t * N_AX, N_AX)],
                             sem_d[slot])
        pltpu.async_copy(rx_h.at[el, pl.ds(base, PPW)], rx_v.at[slot], sem_s[slot])
        pltpu.async_copy(cb_h.at[el, pl.ds(base, PPW)], cb_v.at[slot], sem_s[slot])
        pltpu.async_copy(sb_h.at[el, pl.ds(base, PPW)], sb_v.at[slot], sem_s[slot])

    def wait(el, slot):
        for t in range(N_TX):
            pltpu.make_async_copy(data_h.at[t, el],
                                  dat_v[slot].at[pl.ds(t * N_AX, N_AX)],
                                  sem_d[slot]).wait()
        pltpu.make_async_copy(rx_h.at[el, pl.ds(base, PPW)], rx_v.at[slot], sem_s[slot]).wait()
        pltpu.make_async_copy(cb_h.at[el, pl.ds(base, PPW)], cb_v.at[slot], sem_s[slot]).wait()
        pltpu.make_async_copy(sb_h.at[el, pl.ds(base, PPW)], sb_v.at[slot], sem_s[slot]).wait()

    himask = jnp.full((L,), -65536, jnp.int32)

    def _inner(slot, sl, rx, cb, sb):
        for t in range(N_TX):
            d = txd_v[t, sl] + rx
            d0i = d.astype(jnp.int32)
            w1 = d - d0i.astype(jnp.float32)
            f0 = d0i + (t * N_AX)
            g0 = plsc.load_gather(dat_v[slot], [f0])
            g1 = plsc.load_gather(dat_v[slot], [f0 + 1])
            i0 = plsc.bitcast(g0 << 16, jnp.float32)
            q0 = plsc.bitcast(g0 & himask, jnp.float32)
            i1 = plsc.bitcast(g1 << 16, jnp.float32)
            q1 = plsc.bitcast(g1 & himask, jnp.float32)
            ii = i0 + w1 * (i1 - i0)
            qq = q0 + w1 * (q1 - q0)
            au_v[t, sl] += ii * cb - qq * sb
            av_v[t, sl] += qq * cb + ii * sb

    iota = jax.lax.broadcasted_iota(jnp.int32, (L,), 0)

    def compute(slot, el):
        chunk = (el >> 4) << 4
        lane = el & (L - 1)
        bvec = bnd_v[pl.ds(chunk, L)]
        glo = jnp.max(jnp.where(iota == lane, bvec, 0)) * NCOL

        @plsc.parallel_loop(glo, NG, unroll=2)
        def gbody(g):
            sl = pl.ds(g * L, L)
            cb = cb_v[slot, sl]
            sb = sb_v[slot, sl]
            rx = rx_v[slot, sl]
            _inner(slot, sl, rx, cb, sb)

    start(0, 0)

    def pair(i2, c):
        el0 = 2 * i2
        start(el0 + 1, 1)
        wait(el0, 0)
        compute(0, el0)

        @pl.when(el0 + 2 < N_EL)
        def _():
            start(el0 + 2, 0)

        wait(el0 + 1, 1)
        compute(1, el0 + 1)
        return c
    lax.fori_loop(0, N_EL // 2, pair, 0)

    def fbody(g, c):
        sl = pl.ds(g * L, L)
        oi = jnp.zeros((L,), jnp.float32)
        oq = jnp.zeros((L,), jnp.float32)
        for t in range(N_TX):
            u = au_v[t, sl]
            v = av_v[t, sl]
            cav = ca_v[t, sl]
            sav = sa_v[t, sl]
            oi = oi + (u * cav - v * sav)
            oq = oq + (v * cav + u * sav)
        out_v[0, sl] = oi
        out_v[1, sl] = oq
        return c
    lax.fori_loop(0, NG, fbody, 0)

    pltpu.sync_copy(out_v, out_h.at[:, pl.ds(base, PPW)])


def _das_sc(data, rx, cb, sb, txd, ca, sa, bnd):
    f32 = jnp.float32
    mesh = plsc.VectorSubcoreMesh(core_axis_name="c", subcore_axis_name="s",
                                  num_cores=NC, num_subcores=NS)
    fn = pl.kernel(
        _sc_body,
        out_type=jax.ShapeDtypeStruct((N_CH, NPIX), f32),
        mesh=mesh,
        compiler_params=pltpu.CompilerParams(needs_layout_passes=False),
        scratch_types=[
            pltpu.VMEM((N_TX * N_AX,), jnp.int32),
            pltpu.VMEM((N_TX * N_AX,), jnp.int32),
            pltpu.VMEM((2, PPW), f32),
            pltpu.VMEM((2, PPW), f32),
            pltpu.VMEM((2, PPW), f32),
            pltpu.VMEM((N_TX, PPW), f32),
            pltpu.VMEM((N_TX, PPW), f32),
            pltpu.VMEM((N_TX, PPW), f32),
            pltpu.VMEM((N_TX, PPW), f32),
            pltpu.VMEM((N_TX, PPW), f32),
            pltpu.VMEM((N_CH, PPW), f32),
            pltpu.VMEM((N_EL,), jnp.int32),
            pltpu.SemaphoreType.DMA,
            pltpu.SemaphoreType.DMA,
            pltpu.SemaphoreType.DMA,
            pltpu.SemaphoreType.DMA,
        ],
    )
    return fn(data, rx, cb, sb, txd, ca, sa, bnd)


def kernel(data, grid, probe_geometry, t0_delays, initial_times):
    gperm = jnp.transpose(
        grid.reshape(NZ // L, L, NW, NCOL, 3),
        (2, 0, 3, 1, 4)).reshape(NPIX, 3)
    gx = gperm[:, 0].reshape(_NBLK, 1, _BP)
    gy = gperm[:, 1].reshape(_NBLK, 1, _BP)
    gz = gperm[:, 2].reshape(_NBLK, 1, _BP)
    p = probe_geometry.T
    t0c = t0_delays * C
    itfs = jnp.broadcast_to((initial_times * FS)[:, None], (N_TX, N_EL))

    rx, cb, sb, txd, ca, sa = _precompute(gx, gy, gz, p, t0c, itfs)
    xcol = grid.reshape(NZ, NX, 3)[0, :, 0]
    zax = grid.reshape(NZ, NX, 3)[:, 0, 2]
    z0 = zax[0]
    dz = (zax[NZ - 1] - z0) / (NZ - 1)
    dxm = jnp.abs(xcol[None, :] - probe_geometry[:, 0][:, None])
    k0 = jnp.ceil((dxm * (2.0 * F_NUMBER) - z0) / dz)
    glo_col = jnp.clip(jnp.floor((k0 - 1.0) / L), 0, NZ // L).astype(jnp.int32)
    bnd2 = jnp.transpose(
        jnp.min(glo_col.reshape(N_EL, NW, NCOL), axis=-1)).astype(jnp.int32)
    data_packed = jax.lax.bitcast_convert_type(
        data.astype(jnp.bfloat16), jnp.int32)
    out = _das_sc(data_packed, rx, cb, sb, txd, ca, sa, bnd2)
    return jnp.transpose(
        out.reshape(N_CH, NW, NZ // L, NCOL, L),
        (2, 4, 1, 3, 0)).reshape(NZ, NX, N_CH)

# --- scband reference (transcript-rebuilt; emitter-appended) ---
"""Pipeline reference for scband-beamformer-53077205844753 (READ-ONLY COPY).

The authoritative reference and input builder live on the scoring server;
editing this copy changes nothing except your own understanding.
"""

import jax, jax.numpy as jnp
import numpy as np

N_TX = 4
N_EL = 128
N_AX = 2048
N_CH = 2
NZ = 256
NX = 128
FS = 25e6
FC = 6.25e6
FDEMOD = 6.25e6
C = 1540.0
F_NUMBER = 1.0


def setup_inputs(seed: int = 0) -> dict:
    key = jax.random.key(seed)
    data = jax.random.normal(jax.random.fold_in(key, 0), (N_TX, N_EL, N_AX, N_CH), dtype=jnp.float32)
    # Imaging grid: z-major (row = depth), x inner, y = 0 (linear array plane)
    x = jnp.linspace(-19.05e-3, 19.05e-3, NX)
    z = jnp.linspace(1e-3, 40e-3, NZ)
    xg, zg = jnp.meshgrid(x, z)  # (NZ, NX)
    grid = jnp.stack([xg.ravel(), jnp.zeros(NZ * NX), zg.ravel()], axis=-1).astype(jnp.float32)
    # Linear probe, 128 elements
    px = jnp.linspace(-19.05e-3, 19.05e-3, N_EL)
    probe_geometry = jnp.stack([px, jnp.zeros(N_EL), jnp.zeros(N_EL)], axis=-1).astype(jnp.float32)
    # Plane-wave t0 delays (shifted so min is 0)
    angles = jnp.deg2rad(jnp.array([-6.0, -2.0, 2.0, 6.0]))
    t0 = px[None, :] * jnp.sin(angles)[:, None] / C
    t0_delays = (t0 - jnp.min(t0, axis=1, keepdims=True)).astype(jnp.float32)
    initial_times = jnp.zeros((N_TX,), dtype=jnp.float32)
    return {
        "data": data,
        "grid": grid,
        "probe_geometry": probe_geometry,
        "t0_delays": t0_delays,
        "initial_times": initial_times,
    }


def _compute_delays(grid, probe_geometry, t0_delays, initial_times):
    diff = grid[None, :, :] - probe_geometry[:, None, :]  # (n_el, n_pix, 3)
    el_dist = jnp.linalg.norm(diff, axis=-1)  # (n_el, n_pix)
    # distance_tx_generic, vectorized over tx
    tx_dist = jnp.min(t0_delays[:, :, None] * C + el_dist[None, :, :], axis=1)  # (n_tx, n_pix)
    rx_dist = el_dist  # (n_el, n_pix)
    tx_delays = (tx_dist / C - initial_times[:, None]) * FS
    rx_delays = rx_dist / C * FS
    return tx_delays, rx_delays


def _compute_mask(grid, probe_geometry):
    if F_NUMBER == 0:
        return jnp.ones((probe_geometry.shape[0], grid.shape[0], 1), dtype=jnp.float32)
    aperture = grid[:, 2] / F_NUMBER  # (n_pix,)
    distance = jnp.abs(grid[:, 0][:, None] - probe_geometry[:, 0][None, :])  # (n_pix, n_el)
    mask = (distance <= aperture[:, None] / 2).astype(jnp.float32)
    return jnp.transpose(mask)[:, :, None]  # (n_el, n_pix, 1)


def _apply_delays(iq, d):
    # iq: (n_el, n_ax, n_ch), d: (n_el, n_pix, 1)
    d0 = jnp.floor(d).astype(jnp.int32)
    d1 = d0 + 1
    d0 = jnp.clip(d0, 0, N_AX - 1)
    d1 = jnp.clip(d1, 0, N_AX - 1)
    iq0 = jnp.take_along_axis(iq, d0, axis=1)  # (n_el, n_pix, n_ch)
    iq1 = jnp.take_along_axis(iq, d1, axis=1)
    d0f = d0.astype(jnp.float32)
    d1f = d1.astype(jnp.float32)
    return (d1f - d) * iq0 + (d - d0f) * iq1


def _tof_tx(data_tx, txdel_tx, rxdel, grid, mask):
    delays = txdel_tx[None, :] + rxdel  # (n_el, n_pix)
    d = delays[:, :, None]
    tof = _apply_delays(data_tx, d) * mask  # (n_el, n_pix, n_ch)
    if N_CH == 2 and FDEMOD != 0:
        tshift = d[:, :, 0] / FS
        tdemod = grid[:, 2][None, :] * 2 / C
        theta = 2 * jnp.pi * FC * (tshift - tdemod)
        i = tof[:, :, 0]
        q = tof[:, :, -1]
        ir = i * jnp.cos(theta) - q * jnp.sin(theta)
        qr = q * jnp.cos(theta) + i * jnp.sin(theta)
        tof = jnp.stack([ir, qr], axis=-1)
    tof = jnp.transpose(tof, (1, 0, 2)).reshape(NZ, NX, N_EL, N_CH)
    return tof


def reference(data, grid, probe_geometry, t0_delays, initial_times):
    txdel, rxdel = _compute_delays(grid, probe_geometry, t0_delays, initial_times)
    mask = _compute_mask(grid, probe_geometry)
    tof = jax.vmap(lambda dtx, ttx: _tof_tx(dtx, ttx, rxdel, grid, mask))(data, txdel)
    # DAS: coherent compound over transmits and sum over receive elements
    bf = jnp.sum(tof, axis=(0, 3))  # (NZ, NX, N_CH)
    return bf

if __name__ == "__main__":
    import jax
    _d = setup_inputs()
    print(jax.jit(kernel)(*tuple(_d.values())))

</pallas_src>

<mosaic_0001>
#map = affine_map<(d0, d1) -> (0, 0, 0)>
#map1 = affine_map<(d0, d1) -> (0, 0)>
module attributes {stable_mosaic.version = 14 : i64} {
  func.func @_sc_body(%arg0: i32, %arg1: i32, %arg2: memref<4x128x2048xi32, #tpu.memory_space<hbm>>, %arg3: memref<128x32768xf32, #tpu.memory_space<hbm>>, %arg4: memref<128x32768xf32, #tpu.memory_space<hbm>>, %arg5: memref<128x32768xf32, #tpu.memory_space<hbm>>, %arg6: memref<4x32768xf32, #tpu.memory_space<hbm>>, %arg7: memref<4x32768xf32, #tpu.memory_space<hbm>>, %arg8: memref<4x32768xf32, #tpu.memory_space<hbm>>, %arg9: memref<32x128xi32, #tpu.memory_space<hbm>>, %arg10: memref<2x32768xf32, #tpu.memory_space<hbm>>, %arg11: memref<8192xi32, #tpu.memory_space<vmem>>, %arg12: memref<8192xi32, #tpu.memory_space<vmem>>, %arg13: memref<2x1024xf32, #tpu.memory_space<vmem>>, %arg14: memref<2x1024xf32, #tpu.memory_space<vmem>>, %arg15: memref<2x1024xf32, #tpu.memory_space<vmem>>, %arg16: memref<4x1024xf32, #tpu.memory_space<vmem>>, %arg17: memref<4x1024xf32, #tpu.memory_space<vmem>>, %arg18: memref<4x1024xf32, #tpu.memory_space<vmem>>, %arg19: memref<4x1024xf32, #tpu.memory_space<vmem>>, %arg20: memref<4x1024xf32, #tpu.memory_space<vmem>>, %arg21: memref<2x1024xf32, #tpu.memory_space<vmem>>, %arg22: memref<128xi32, #tpu.memory_space<vmem>>, %arg23: memref<!tpu.dma_semaphore, #tpu.memory_space<semaphore_mem>>, %arg24: memref<!tpu.dma_semaphore, #tpu.memory_space<semaphore_mem>>, %arg25: memref<!tpu.dma_semaphore, #tpu.memory_space<semaphore_mem>>, %arg26: memref<!tpu.dma_semaphore, #tpu.memory_space<semaphore_mem>>) attributes {dimension_semantics = [#tpu.dimension_semantics<core_parallel>, #tpu.dimension_semantics<subcore_parallel>], iteration_bounds = array<i64: 2, 16>, scalar_prefetch = 0 : i64, scratch_operands = 16 : i64, tpu.core_type = #tpu.core_type<sc_vector_subcore>, window_params = [{transform_indices = #map}, {transform_indices = #map1}, {transform_indices = #map1}, {transform_indices = #map1}, {transform_indices = #map1}, {transform_indices = #map1}, {transform_indices = #map1}, {transform_indices = #map1}, {transform_indices = #map1}]} {
    %mul3A = arith.constant 2 : i32
    %mul3A_0 = arith.muli %arg1, %mul3A : i32
    %add3A = arith.addi %mul3A_0, %arg0 : i32
    %mul3A_1 = arith.constant 1024 : i32
    %mul3A_2 = arith.muli %add3A, %mul3A_1 : i32
    "tpu.region"() ({
      %run_scoped3A = tpu.sem_alloc : memref<!tpu.dma_semaphore, #tpu.memory_space<semaphore_mem>>
      %dma_start3A_106 = arith.constant 0 : i32
      %dma_start3A_107 = tpu.memref_slice %arg6[%dma_start3A_106, %mul3A_2] : memref<4x32768xf32, #tpu.memory_space<hbm>> -> memref<4x1024xf32, #tpu.memory_space<hbm>>
      %dma_start3A_108 = arith.constant 0 : i32
      %dma_start3A_109 = tpu.memref_slice %arg6[%dma_start3A_108, %mul3A_2] : memref<4x32768xf32, #tpu.memory_space<hbm>> -> memref<4x1024xf32, #tpu.memory_space<hbm>>
      tpu.enqueue_dma source(%dma_start3A_109 : memref<4x1024xf32, #tpu.memory_space<hbm>>) target(%arg16 : memref<4x1024xf32, #tpu.memory_space<vmem>>) target_semaphore(%run_scoped3A : memref<!tpu.dma_semaphore, #tpu.memory_space<semaphore_mem>>)
      %dma_wait3A = arith.constant 0 : i32
      %dma_wait3A_110 = tpu.memref_slice %arg6[%dma_wait3A, %mul3A_2] : memref<4x32768xf32, #tpu.memory_space<hbm>> -> memref<4x1024xf32, #tpu.memory_space<hbm>>
      %dma_wait3A_111 = arith.constant 0 : i32
      %dma_wait3A_112 = tpu.memref_slice %arg6[%dma_wait3A_111, %mul3A_2] : memref<4x32768xf32, #tpu.memory_space<hbm>> -> memref<4x1024xf32, #tpu.memory_space<hbm>>
      tpu.wait_dma2 semaphore(%run_scoped3A : memref<!tpu.dma_semaphore, #tpu.memory_space<semaphore_mem>>) src(%dma_wait3A_112 : memref<4x1024xf32, #tpu.memory_space<hbm>>) dst(%arg16 : memref<4x1024xf32, #tpu.memory_space<vmem>>)
      tpu.yield
    }) : () -> ()
    "tpu.region"() ({
      %run_scoped3A = tpu.sem_alloc : memref<!tpu.dma_semaphore, #tpu.memory_space<semaphore_mem>>
      %dma_start3A_106 = arith.constant 0 : i32
      %dma_start3A_107 = tpu.memref_slice %arg7[%dma_start3A_106, %mul3A_2] : memref<4x32768xf32, #tpu.memory_space<hbm>> -> memref<4x1024xf32, #tpu.memory_space<hbm>>
      %dma_start3A_108 = arith.constant 0 : i32
      %dma_start3A_109 = tpu.memref_slice %arg7[%dma_start3A_108, %mul3A_2] : memref<4x32768xf32, #tpu.memory_space<hbm>> -> memref<4x1024xf32, #tpu.memory_space<hbm>>
      tpu.enqueue_dma source(%dma_start3A_109 : memref<4x1024xf32, #tpu.memory_space<hbm>>) target(%arg17 : memref<4x1024xf32, #tpu.memory_space<vmem>>) target_semaphore(%run_scoped3A : memref<!tpu.dma_semaphore, #tpu.memory_space<semaphore_mem>>)
      %dma_wait3A = arith.constant 0 : i32
      %dma_wait3A_110 = tpu.memref_slice %arg7[%dma_wait3A, %mul3A_2] : memref<4x32768xf32, #tpu.memory_space<hbm>> -> memref<4x1024xf32, #tpu.memory_space<hbm>>
      %dma_wait3A_111 = arith.constant 0 : i32
      %dma_wait3A_112 = tpu.memref_slice %arg7[%dma_wait3A_111, %mul3A_2] : memref<4x32768xf32, #tpu.memory_space<hbm>> -> memref<4x1024xf32, #tpu.memory_space<hbm>>
      tpu.wait_dma2 semaphore(%run_scoped3A : memref<!tpu.dma_semaphore, #tpu.memory_space<semaphore_mem>>) src(%dma_wait3A_112 : memref<4x1024xf32, #tpu.memory_space<hbm>>) dst(%arg17 : memref<4x1024xf32, #tpu.memory_space<vmem>>)
      tpu.yield
    }) : () -> ()
    "tpu.region"() ({
      %run_scoped3A = tpu.sem_alloc : memref<!tpu.dma_semaphore, #tpu.memory_space<semaphore_mem>>
      %dma_start3A_106 = arith.constant 0 : i32
      %dma_start3A_107 = tpu.memref_slice %arg8[%dma_start3A_106, %mul3A_2] : memref<4x32768xf32, #tpu.memory_space<hbm>> -> memref<4x1024xf32, #tpu.memory_space<hbm>>
      %dma_start3A_108 = arith.constant 0 : i32
      %dma_start3A_109 = tpu.memref_slice %arg8[%dma_start3A_108, %mul3A_2] : memref<4x32768xf32, #tpu.memory_space<hbm>> -> memref<4x1024xf32, #tpu.memory_space<hbm>>
      tpu.enqueue_dma source(%dma_start3A_109 : memref<4x1024xf32, #tpu.memory_space<hbm>>) target(%arg18 : memref<4x1024xf32, #tpu.memory_space<vmem>>) target_semaphore(%run_scoped3A : memref<!tpu.dma_semaphore, #tpu.memory_space<semaphore_mem>>)
      %dma_wait3A = arith.constant 0 : i32
      %dma_wait3A_110 = tpu.memref_slice %arg8[%dma_wait3A, %mul3A_2] : memref<4x32768xf32, #tpu.memory_space<hbm>> -> memref<4x1024xf32, #tpu.memory_space<hbm>>
      %dma_wait3A_111 = arith.constant 0 : i32
      %dma_wait3A_112 = tpu.memref_slice %arg8[%dma_wait3A_111, %mul3A_2] : memref<4x32768xf32, #tpu.memory_space<hbm>> -> memref<4x1024xf32, #tpu.memory_space<hbm>>
      tpu.wait_dma2 semaphore(%run_scoped3A : memref<!tpu.dma_semaphore, #tpu.memory_space<semaphore_mem>>) src(%dma_wait3A_112 : memref<4x1024xf32, #tpu.memory_space<hbm>>) dst(%arg18 : memref<4x1024xf32, #tpu.memory_space<vmem>>)
      tpu.yield
    }) : () -> ()
    "tpu.region"() ({
      %run_scoped3A = tpu.sem_alloc : memref<!tpu.dma_semaphore, #tpu.memory_space<semaphore_mem>>
      %dma_start3A_106 = arith.constant 0 : i32
      %dma_start3A_107 = tpu.memref_slice %arg9[%add3A, %dma_start3A_106] : memref<32x128xi32, #tpu.memory_space<hbm>> -> memref<1x128xi32, #tpu.memory_space<hbm>>
      %dma_start3A_108 = tpu.memref_squeeze %dma_start3A_107 : memref<1x128xi32, #tpu.memory_space<hbm>> -> memref<128xi32, #tpu.memory_space<hbm>>
      %dma_start3A_109 = arith.constant 0 : i32
      %dma_start3A_110 = tpu.memref_slice %arg9[%add3A, %dma_start3A_109] : memref<32x128xi32, #tpu.memory_space<hbm>> -> memref<1x128xi32, #tpu.memory_space<hbm>>
      %dma_start3A_111 = tpu.memref_squeeze %dma_start3A_110 : memref<1x128xi32, #tpu.memory_space<hbm>> -> memref<128xi32, #tpu.memory_space<hbm>>
      tpu.enqueue_dma source(%dma_start3A_111 : memref<128xi32, #tpu.memory_space<hbm>>) target(%arg22 : memref<128xi32, #tpu.memory_space<vmem>>) target_semaphore(%run_scoped3A : memref<!tpu.dma_semaphore, #tpu.memory_space<semaphore_mem>>)
      %dma_wait3A = arith.constant 0 : i32
      %dma_wait3A_112 = tpu.memref_slice %arg9[%add3A, %dma_wait3A] : memref<32x128xi32, #tpu.memory_space<hbm>> -> memref<1x128xi32, #tpu.memory_space<hbm>>
      %dma_wait3A_113 = tpu.memref_squeeze %dma_wait3A_112 : memref<1x128xi32, #tpu.memory_space<hbm>> -> memref<128xi32, #tpu.memory_space<hbm>>
      %dma_wait3A_114 = arith.constant 0 : i32
      %dma_wait3A_115 = tpu.memref_slice %arg9[%add3A, %dma_wait3A_114] : memref<32x128xi32, #tpu.memory_space<hbm>> -> memref<1x128xi32, #tpu.memory_space<hbm>>
      %dma_wait3A_116 = tpu.memref_squeeze %dma_wait3A_115 : memref<1x128xi32, #tpu.memory_space<hbm>> -> memref<128xi32, #tpu.memory_space<hbm>>
      tpu.wait_dma2 semaphore(%run_scoped3A : memref<!tpu.dma_semaphore, #tpu.memory_space<semaphore_mem>>) src(%dma_wait3A_116 : memref<128xi32, #tpu.memory_space<hbm>>) dst(%arg22 : memref<128xi32, #tpu.memory_space<vmem>>)
      tpu.yield
    }) : () -> ()
    %broadcast_in_dim3A = arith.constant 0.000000e+00 : f32
    %broadcast_in_dim3A_3 = vector.broadcast %broadcast_in_dim3A : f32 to vector<16xf32>
    %scan3A = arith.constant 0 : i32
    %scan3A_4 = arith.constant 0 : i32
    %scan3A_5 = arith.constant 64 : i32
    %scan3A_6 = arith.addi %scan3A_4, %scan3A_5 : i32
    %scan3A_7 = arith.constant 1 : i32
    scf.for %scan3A_106 = %scan3A_4 to %scan3A_6 step %scan3A_7  : i32 {
      %mul3A_107 = arith.constant 16 : i32
      %mul3A_108 = arith.muli %scan3A_106, %mul3A_107 : i32
      %swap3A = arith.constant 0 : i32
      %swap3A_109 = arith.index_cast %swap3A : i32 to index
      %swap3A_110 = arith.index_cast %mul3A_108 : i32 to index
      %swap3A_111 = tpu.vector_load %arg19[%swap3A_109, %swap3A_110] {strides = array<i32>} : memref<4x1024xf32, #tpu.memory_space<vmem>>, vector<16xf32>,
      tpu.vector_store %arg19[%swap3A_109, %swap3A_110], %broadcast_in_dim3A_3 {strides = array<i32>} : memref<4x1024xf32, #tpu.memory_space<vmem>>, vector<16xf32>,
      %swap3A_112 = arith.constant 0 : i32
      %swap3A_113 = arith.index_cast %swap3A_112 : i32 to index
      %swap3A_114 = arith.index_cast %mul3A_108 : i32 to index
      %swap3A_115 = tpu.vector_load %arg20[%swap3A_113, %swap3A_114] {strides = array<i32>} : memref<4x1024xf32, #tpu.memory_space<vmem>>, vector<16xf32>,
      tpu.vector_store %arg20[%swap3A_113, %swap3A_114], %broadcast_in_dim3A_3 {strides = array<i32>} : memref<4x1024xf32, #tpu.memory_space<vmem>>, vector<16xf32>,
      %swap3A_116 = arith.constant 1 : i32
      %swap3A_117 = arith.index_cast %swap3A_116 : i32 to index
      %swap3A_118 = arith.index_cast %mul3A_108 : i32 to index
      %swap3A_119 = tpu.vector_load %arg19[%swap3A_117, %swap3A_118] {strides = array<i32>} : memref<4x1024xf32, #tpu.memory_space<vmem>>, vector<16xf32>,
      tpu.vector_store %arg19[%swap3A_117, %swap3A_118], %broadcast_in_dim3A_3 {strides = array<i32>} : memref<4x1024xf32, #tpu.memory_space<vmem>>, vector<16xf32>,
      %swap3A_120 = arith.constant 1 : i32
      %swap3A_121 = arith.index_cast %swap3A_120 : i32 to index
      %swap3A_122 = arith.index_cast %mul3A_108 : i32 to index
      %swap3A_123 = tpu.vector_load %arg20[%swap3A_121, %swap3A_122] {strides = array<i32>} : memref<4x1024xf32, #tpu.memory_space<vmem>>, vector<16xf32>,
      tpu.vector_store %arg20[%swap3A_121, %swap3A_122], %broadcast_in_dim3A_3 {strides = array<i32>} : memref<4x1024xf32, #tpu.memory_space<vmem>>, vector<16xf32>,
      %swap3A_124 = arith.constant 2 : i32
      %swap3A_125 = arith.index_cast %swap3A_124 : i32 to index
      %swap3A_126 = arith.index_cast %mul3A_108 : i32 to index
      %swap3A_127 = tpu.vector_load %arg19[%swap3A_125, %swap3A_126] {strides = array<i32>} : memref<4x1024xf32, #tpu.memory_space<vmem>>, vector<16xf32>,
      tpu.vector_store %arg19[%swap3A_125, %swap3A_126], %broadcast_in_dim3A_3 {strides = array<i32>} : memref<4x1024xf32, #tpu.memory_space<vmem>>, vector<16xf32>,
      %swap3A_128 = arith.constant 2 : i32
      %swap3A_129 = arith.index_cast %swap3A_128 : i32 to index
      %swap3A_130 = arith.index_cast %mul3A_108 : i32 to index
      %swap3A_131 = tpu.vector_load %arg20[%swap3A_129, %swap3A_130] {strides = array<i32>} : memref<4x1024xf32, #tpu.memory_space<vmem>>, vector<16xf32>,
      tpu.vector_store %arg20[%swap3A_129, %swap3A_130], %broadcast_in_dim3A_3 {strides = array<i32>} : memref<4x1024xf32, #tpu.memory_space<vmem>>, vector<16xf32>,
      %swap3A_132 = arith.constant 3 : i32
      %swap3A_133 = arith.index_cast %swap3A_132 : i32 to index
      %swap3A_134 = arith.index_cast %mul3A_108 : i32 to index
      %swap3A_135 = tpu.vector_load %arg19[%swap3A_133, %swap3A_134] {strides = array<i32>} : memref<4x1024xf32, #tpu.memory_space<vmem>>, vector<16xf32>,
      tpu.vector_store %arg19[%swap3A_133, %swap3A_134], %broadcast_in_dim3A_3 {strides = array<i32>} : memref<4x1024xf32, #tpu.memory_space<vmem>>, vector<16xf32>,
      %swap3A_136 = arith.constant 3 : i32
      %swap3A_137 = arith.index_cast %swap3A_136 : i32 to index
      %swap3A_138 = arith.index_cast %mul3A_108 : i32 to index
      %swap3A_139 = tpu.vector_load %arg20[%swap3A_137, %swap3A_138] {strides = array<i32>} : memref<4x1024xf32, #tpu.memory_space<vmem>>, vector<16xf32>,
      tpu.vector_store %arg20[%swap3A_137, %swap3A_138], %broadcast_in_dim3A_3 {strides = array<i32>} : memref<4x1024xf32, #tpu.memory_space<vmem>>, vector<16xf32>,
    }
    %scan3A_8 = arith.constant 64 : i32
    %broadcast_in_dim3A_9 = arith.constant -65536 : i32
    %broadcast_in_dim3A_10 = vector.broadcast %broadcast_in_dim3A_9 : i32 to vector<16xi32>
    %iota3A = tpu.iota {dimensions = array<i32: 0>} : vector<16xi32>
    %dma_start3A = arith.constant 0 : i32
    %dma_start3A_11 = arith.constant 0 : i32
    %dma_start3A_12 = arith.constant 0 : i32
    %dma_start3A_13 = tpu.memref_slice %arg11[%dma_start3A_12] : memref<8192xi32, #tpu.memory_space<vmem>> -> memref<2048xi32, #tpu.memory_space<vmem>>
    %dma_start3A_14 = arith.constant 0 : i32
    %dma_start3A_15 = tpu.memref_slice %arg2[%dma_start3A, %dma_start3A_11, %dma_start3A_14] : memref<4x128x2048xi32, #tpu.memory_space<hbm>> -> memref<1x1x2048xi32, #tpu.memory_space<hbm>>
    %dma_start3A_16 = tpu.memref_squeeze %dma_start3A_15 : memref<1x1x2048xi32, #tpu.memory_space<hbm>> -> memref<2048xi32, #tpu.memory_space<hbm>>
    %dma_start3A_17 = arith.constant 0 : i32
    %dma_start3A_18 = tpu.memref_slice %arg11[%dma_start3A_17] : memref<8192xi32, #tpu.memory_space<vmem>> -> memref<2048xi32, #tpu.memory_space<vmem>>
    %dma_start3A_19 = arith.constant 0 : i32
    %dma_start3A_20 = tpu.memref_slice %arg2[%dma_start3A, %dma_start3A_11, %dma_start3A_19] : memref<4x128x2048xi32, #tpu.memory_space<hbm>> -> memref<1x1x2048xi32, #tpu.memory_space<hbm>>
    %dma_start3A_21 = tpu.memref_squeeze %dma_start3A_20 : memref<1x1x2048xi32, #tpu.memory_space<hbm>> -> memref<2048xi32, #tpu.memory_space<hbm>>
    tpu.enqueue_dma source(%dma_start3A_21 : memref<2048xi32, #tpu.memory_space<hbm>>) target(%dma_start3A_18 : memref<2048xi32, #tpu.memory_space<vmem>>) target_semaphore(%arg23 : memref<!tpu.dma_semaphore, #tpu.memory_space<semaphore_mem>>)
    %dma_start3A_22 = arith.constant 1 : i32
    %dma_start3A_23 = arith.constant 0 : i32
    %dma_start3A_24 = arith.constant 2048 : i32
    %dma_start3A_25 = tpu.memref_slice %arg11[%dma_start3A_24] : memref<8192xi32, #tpu.memory_space<vmem>> -> memref<2048xi32, #tpu.memory_space<vmem>>
    %dma_start3A_26 = arith.constant 0 : i32
    %dma_start3A_27 = tpu.memref_slice %arg2[%dma_start3A_22, %dma_start3A_23, %dma_start3A_26] : memref<4x128x2048xi32, #tpu.memory_space<hbm>> -> memref<1x1x2048xi32, #tpu.memory_space<hbm>>
    %dma_start3A_28 = tpu.memref_squeeze %dma_start3A_27 : memref<1x1x2048xi32, #tpu.memory_space<hbm>> -> memref<2048xi32, #tpu.memory_space<hbm>>
    %dma_start3A_29 = arith.constant 2048 : i32
    %dma_start3A_30 = tpu.memref_slice %arg11[%dma_start3A_29] : memref<8192xi32, #tpu.memory_space<vmem>> -> memref<2048xi32, #tpu.memory_space<vmem>>
    %dma_start3A_31 = arith.constant 0 : i32
    %dma_start3A_32 = tpu.memref_slice %arg2[%dma_start3A_22, %dma_start3A_23, %dma_start3A_31] : memref<4x128x2048xi32, #tpu.memory_space<hbm>> -> memref<1x1x2048xi32, #tpu.memory_space<hbm>>
    %dma_start3A_33 = tpu.memref_squeeze %dma_start3A_32 : memref<1x1x2048xi32, #tpu.memory_space<hbm>> -> memref<2048xi32, #tpu.memory_space<hbm>>
    tpu.enqueue_dma source(%dma_start3A_33 : memref<2048xi32, #tpu.memory_space<hbm>>) target(%dma_start3A_30 : memref<2048xi32, #tpu.memory_space<vmem>>) target_semaphore(%arg23 : memref<!tpu.dma_semaphore, #tpu.memory_space<semaphore_mem>>)
    %dma_start3A_34 = arith.constant 2 : i32
    %dma_start3A_35 = arith.constant 0 : i32
    %dma_start3A_36 = arith.constant 4096 : i32
    %dma_start3A_37 = tpu.memref_slice %arg11[%dma_start3A_36] : memref<8192xi32, #tpu.memory_space<vmem>> -> memref<2048xi32, #tpu.memory_space<vmem>>
    %dma_start3A_38 = arith.constant 0 : i32
    %dma_start3A_39 = tpu.memref_slice %arg2[%dma_start3A_34, %dma_start3A_35, %dma_start3A_38] : memref<4x128x2048xi32, #tpu.memory_space<hbm>> -> memref<1x1x2048xi32, #tpu.memory_space<hbm>>
    %dma_start3A_40 = tpu.memref_squeeze %dma_start3A_39 : memref<1x1x2048xi32, #tpu.memory_space<hbm>> -> memref<2048xi32, #tpu.memory_space<hbm>>
    %dma_start3A_41 = arith.constant 4096 : i32
    %dma_start3A_42 = tpu.memref_slice %arg11[%dma_start3A_41] : memref<8192xi32, #tpu.memory_space<vmem>> -> memref<2048xi32, #tpu.memory_space<vmem>>
    %dma_start3A_43 = arith.constant 0 : i32
    %dma_start3A_44 = tpu.memref_slice %arg2[%dma_start3A_34, %dma_start3A_35, %dma_start3A_43] : memref<4x128x2048xi32, #tpu.memory_space<hbm>> -> memref<1x1x2048xi32, #tpu.memory_space<hbm>>
    %dma_start3A_45 = tpu.memref_squeeze %dma_start3A_44 : memref<1x1x2048xi32, #tpu.memory_space<hbm>> -> memref<2048xi32, #tpu.memory_space<hbm>>
    tpu.enqueue_dma source(%dma_start3A_45 : memref<2048xi32, #tpu.memory_space<hbm>>) target(%dma_start3A_42 : memref<2048xi32, #tpu.memory_space<vmem>>) target_semaphore(%arg23 : memref<!tpu.dma_semaphore, #tpu.memory_space<semaphore_mem>>)
    %dma_start3A_46 = arith.constant 3 : i32
    %dma_start3A_47 = arith.constant 0 : i32
    %dma_start3A_48 = arith.constant 6144 : i32
    %dma_start3A_49 = tpu.memref_slice %arg11[%dma_start3A_48] : memref<8192xi32, #tpu.memory_space<vmem>> -> memref<2048xi32, #tpu.memory_space<vmem>>
    %dma_start3A_50 = arith.constant 0 : i32
    %dma_start3A_51 = tpu.memref_slice %arg2[%dma_start3A_46, %dma_start3A_47, %dma_start3A_50] : memref<4x128x2048xi32, #tpu.memory_space<hbm>> -> memref<1x1x2048xi32, #tpu.memory_space<hbm>>
    %dma_start3A_52 = tpu.memref_squeeze %dma_start3A_51 : memref<1x1x2048xi32, #tpu.memory_space<hbm>> -> memref<2048xi32, #tpu.memory_space<hbm>>
    %dma_start3A_53 = arith.constant 6144 : i32
    %dma_start3A_54 = tpu.memref_slice %arg11[%dma_start3A_53] : memref<8192xi32, #tpu.memory_space<vmem>> -> memref<2048xi32, #tpu.memory_space<vmem>>
    %dma_start3A_55 = arith.constant 0 : i32
    %dma_start3A_56 = tpu.memref_slice %arg2[%dma_start3A_46, %dma_start3A_47, %dma_start3A_55] : memref<4x128x2048xi32, #tpu.memory_space<hbm>> -> memref<1x1x2048xi32, #tpu.memory_space<hbm>>
    %dma_start3A_57 = tpu.memref_squeeze %dma_start3A_56 : memref<1x1x2048xi32, #tpu.memory_space<hbm>> -> memref<2048xi32, #tpu.memory_space<hbm>>
    tpu.enqueue_dma source(%dma_start3A_57 : memref<2048xi32, #tpu.memory_space<hbm>>) target(%dma_start3A_54 : memref<2048xi32, #tpu.memory_space<vmem>>) target_semaphore(%arg23 : memref<!tpu.dma_semaphore, #tpu.memory_space<semaphore_mem>>)
    %dma_start3A_58 = arith.constant 0 : i32
    %dma_start3A_59 = arith.constant 0 : i32
    %dma_start3A_60 = arith.constant 0 : i32
    %dma_start3A_61 = tpu.memref_slice %arg13[%dma_start3A_59, %dma_start3A_60] : memref<2x1024xf32, #tpu.memory_space<vmem>> -> memref<1x1024xf32, #tpu.memory_space<vmem>>
    %dma_start3A_62 = tpu.memref_squeeze %dma_start3A_61 : memref<1x1024xf32, #tpu.memory_space<vmem>> -> memref<1024xf32, #tpu.memory_space<vmem>>
    %dma_start3A_63 = tpu.memref_slice %arg3[%dma_start3A_58, %mul3A_2] : memref<128x32768xf32, #tpu.memory_space<hbm>> -> memref<1x1024xf32, #tpu.memory_space<hbm>>
    %dma_start3A_64 = tpu.memref_squeeze %dma_start3A_63 : memref<1x1024xf32, #tpu.memory_space<hbm>> -> memref<1024xf32, #tpu.memory_space<hbm>>
    %dma_start3A_65 = arith.constant 0 : i32
    %dma_start3A_66 = tpu.memref_slice %arg13[%dma_start3A_59, %dma_start3A_65] : memref<2x1024xf32, #tpu.memory_space<vmem>> -> memref<1x1024xf32, #tpu.memory_space<vmem>>
    %dma_start3A_67 = tpu.memref_squeeze %dma_start3A_66 : memref<1x1024xf32, #tpu.memory_space<vmem>> -> memref<1024xf32, #tpu.memory_space<vmem>>
    %dma_start3A_68 = tpu.memref_slice %arg3[%dma_start3A_58, %mul3A_2] : memref<128x32768xf32, #tpu.memory_space<hbm>> -> memref<1x1024xf32, #tpu.memory_space<hbm>>
    %dma_start3A_69 = tpu.memref_squeeze %dma_start3A_68 : memref<1x1024xf32, #tpu.memory_space<hbm>> -> memref<1024xf32, #tpu.memory_space<hbm>>
    tpu.enqueue_dma source(%dma_start3A_69 : memref<1024xf32, #tpu.memory_space<hbm>>) target(%dma_start3A_67 : memref<1024xf32, #tpu.memory_space<vmem>>) target_semaphore(%arg25 : memref<!tpu.dma_semaphore, #tpu.memory_space<semaphore_mem>>)
    %dma_start3A_70 = arith.constant 0 : i32
    %dma_start3A_71 = arith.constant 0 : i32
    %dma_start3A_72 = arith.constant 0 : i32
    %dma_start3A_73 = tpu.memref_slice %arg14[%dma_start3A_71, %dma_start3A_72] : memref<2x1024xf32, #tpu.memory_space<vmem>> -> memref<1x1024xf32, #tpu.memory_space<vmem>>
    %dma_start3A_74 = tpu.memref_squeeze %dma_start3A_73 : memref<1x1024xf32, #tpu.memory_space<vmem>> -> memref<1024xf32, #tpu.memory_space<vmem>>
    %dma_start3A_75 = tpu.memref_slice %arg4[%dma_start3A_70, %mul3A_2] : memref<128x32768xf32, #tpu.memory_space<hbm>> -> memref<1x1024xf32, #tpu.memory_space<hbm>>
    %dma_start3A_76 = tpu.memref_squeeze %dma_start3A_75 : memref<1x1024xf32, #tpu.memory_space<hbm>> -> memref<1024xf32, #tpu.memory_space<hbm>>
    %dma_start3A_77 = arith.constant 0 : i32
    %dma_start3A_78 = tpu.memref_slice %arg14[%dma_start3A_71, %dma_start3A_77] : memref<2x1024xf32, #tpu.memory_space<vmem>> -> memref<1x1024xf32, #tpu.memory_space<vmem>>
    %dma_start3A_79 = tpu.memref_squeeze %dma_start3A_78 : memref<1x1024xf32, #tpu.memory_space<vmem>> -> memref<1024xf32, #tpu.memory_space<vmem>>
    %dma_start3A_80 = tpu.memref_slice %arg4[%dma_start3A_70, %mul3A_2] : memref<128x32768xf32, #tpu.memory_space<hbm>> -> memref<1x1024xf32, #tpu.memory_space<hbm>>
    %dma_start3A_81 = tpu.memref_squeeze %dma_start3A_80 : memref<1x1024xf32, #tpu.memory_space<hbm>> -> memref<1024xf32, #tpu.memory_space<hbm>>
    tpu.enqueue_dma source(%dma_start3A_81 : memref<1024xf32, #tpu.memory_space<hbm>>) target(%dma_start3A_79 : memref<1024xf32, #tpu.memory_space<vmem>>) target_semaphore(%arg25 : memref<!tpu.dma_semaphore, #tpu.memory_space<semaphore_mem>>)
    %dma_start3A_82 = arith.constant 0 : i32
    %dma_start3A_83 = arith.constant 0 : i32
    %dma_start3A_84 = arith.constant 0 : i32
    %dma_start3A_85 = tpu.memref_slice %arg15[%dma_start3A_83, %dma_start3A_84] : memref<2x1024xf32, #tpu.memory_space<vmem>> -> memref<1x1024xf32, #tpu.memory_space<vmem>>
    %dma_start3A_86 = tpu.memref_squeeze %dma_start3A_85 : memref<1x1024xf32, #tpu.memory_space<vmem>> -> memref<1024xf32, #tpu.memory_space<vmem>>
    %dma_start3A_87 = tpu.memref_slice %arg5[%dma_start3A_82, %mul3A_2] : memref<128x32768xf32, #tpu.memory_space<hbm>> -> memref<1x1024xf32, #tpu.memory_space<hbm>>
    %dma_start3A_88 = tpu.memref_squeeze %dma_start3A_87 : memref<1x1024xf32, #tpu.memory_space<hbm>> -> memref<1024xf32, #tpu.memory_space<hbm>>
    %dma_start3A_89 = arith.constant 0 : i32
    %dma_start3A_90 = tpu.memref_slice %arg15[%dma_start3A_83, %dma_start3A_89] : memref<2x1024xf32, #tpu.memory_space<vmem>> -> memref<1x1024xf32, #tpu.memory_space<vmem>>
    %dma_start3A_91 = tpu.memref_squeeze %dma_start3A_90 : memref<1x1024xf32, #tpu.memory_space<vmem>> -> memref<1024xf32, #tpu.memory_space<vmem>>
    %dma_start3A_92 = tpu.memref_slice %arg5[%dma_start3A_82, %mul3A_2] : memref<128x32768xf32, #tpu.memory_space<hbm>> -> memref<1x1024xf32, #tpu.memory_space<hbm>>
    %dma_start3A_93 = tpu.memref_squeeze %dma_start3A_92 : memref<1x1024xf32, #tpu.memory_space<hbm>> -> memref<1024xf32, #tpu.memory_space<hbm>>
    tpu.enqueue_dma source(%dma_start3A_93 : memref<1024xf32, #tpu.memory_space<hbm>>) target(%dma_start3A_91 : memref<1024xf32, #tpu.memory_space<vmem>>) target_semaphore(%arg25 : memref<!tpu.dma_semaphore, #tpu.memory_space<semaphore_mem>>)
    %scan3A_94 = arith.constant 0 : i32
    %scan3A_95 = arith.constant 0 : i32
    %scan3A_96 = arith.constant 64 : i32
    %scan3A_97 = arith.addi %scan3A_95, %scan3A_96 : i32
    %scan3A_98 = arith.constant 1 : i32
    scf.for %scan3A_106 = %scan3A_95 to %scan3A_97 step %scan3A_98  : i32 {
      %mul3A_107 = arith.constant 2 : i32
      %mul3A_108 = arith.muli %mul3A_107, %scan3A_106 : i32
      %add3A_109 = arith.constant 1 : i32
      %add3A_110 = arith.addi %mul3A_108, %add3A_109 : i32
      %dma_start3A_111 = arith.constant 0 : i32
      %dma_start3A_112 = arith.constant 0 : i32
      %dma_start3A_113 = tpu.memref_slice %arg12[%dma_start3A_112] : memref<8192xi32, #tpu.memory_space<vmem>> -> memref<2048xi32, #tpu.memory_space<vmem>>
      %dma_start3A_114 = arith.constant 0 : i32
      %dma_start3A_115 = tpu.memref_slice %arg2[%dma_start3A_111, %add3A_110, %dma_start3A_114] : memref<4x128x2048xi32, #tpu.memory_space<hbm>> -> memref<1x1x2048xi32, #tpu.memory_space<hbm>>
      %dma_start3A_116 = tpu.memref_squeeze %dma_start3A_115 : memref<1x1x2048xi32, #tpu.memory_space<hbm>> -> memref<2048xi32, #tpu.memory_space<hbm>>
      %dma_start3A_117 = arith.constant 0 : i32
      %dma_start3A_118 = tpu.memref_slice %arg12[%dma_start3A_117] : memref<8192xi32, #tpu.memory_space<vmem>> -> memref<2048xi32, #tpu.memory_space<vmem>>
      %dma_start3A_119 = arith.constant 0 : i32
      %dma_start3A_120 = tpu.memref_slice %arg2[%dma_start3A_111, %add3A_110, %dma_start3A_119] : memref<4x128x2048xi32, #tpu.memory_space<hbm>> -> memref<1x1x2048xi32, #tpu.memory_space<hbm>>
      %dma_start3A_121 = tpu.memref_squeeze %dma_start3A_120 : memref<1x1x2048xi32, #tpu.memory_space<hbm>> -> memref<2048xi32, #tpu.memory_space<hbm>>
      tpu.enqueue_dma source(%dma_start3A_121 : memref<2048xi32, #tpu.memory_space<hbm>>) target(%dma_start3A_118 : memref<2048xi32, #tpu.memory_space<vmem>>) target_semaphore(%arg24 : memref<!tpu.dma_semaphore, #tpu.memory_space<semaphore_mem>>)
      %dma_start3A_122 = arith.constant 1 : i32
      %dma_start3A_123 = arith.constant 2048 : i32
      %dma_start3A_124 = tpu.memref_slice %arg12[%dma_start3A_123] : memref<8192xi32, #tpu.memory_space<vmem>> -> memref<2048xi32, #tpu.memory_space<vmem>>
      %dma_start3A_125 = arith.constant 0 : i32
      %dma_start3A_126 = tpu.memref_slice %arg2[%dma_start3A_122, %add3A_110, %dma_start3A_125] : memref<4x128x2048xi32, #tpu.memory_space<hbm>> -> memref<1x1x2048xi32, #tpu.memory_space<hbm>>
      %dma_start3A_127 = tpu.memref_squeeze %dma_start3A_126 : memref<1x1x2048xi32, #tpu.memory_space<hbm>> -> memref<2048xi32, #tpu.memory_space<hbm>>
      %dma_start3A_128 = arith.constant 2048 : i32
      %dma_start3A_129 = tpu.memref_slice %arg12[%dma_start3A_128] : memref<8192xi32, #tpu.memory_space<vmem>> -> memref<2048xi32, #tpu.memory_space<vmem>>
      %dma_start3A_130 = arith.constant 0 : i32
      %dma_start3A_131 = tpu.memref_slice %arg2[%dma_start3A_122, %add3A_110, %dma_start3A_130] : memref<4x128x2048xi32, #tpu.memory_space<hbm>> -> memref<1x1x2048xi32, #tpu.memory_space<hbm>>
      %dma_start3A_132 = tpu.memref_squeeze %dma_start3A_131 : memref<1x1x2048xi32, #tpu.memory_space<hbm>> -> memref<2048xi32, #tpu.memory_space<hbm>>
      tpu.enqueue_dma source(%dma_start3A_132 : memref<2048xi32, #tpu.memory_space<hbm>>) target(%dma_start3A_129 : memref<2048xi32, #tpu.memory_space<vmem>>) target_semaphore(%arg24 : memref<!tpu.dma_semaphore, #tpu.memory_space<semaphore_mem>>)
      %dma_start3A_133 = arith.constant 2 : i32
      %dma_start3A_134 = arith.constant 4096 : i32
      %dma_start3A_135 = tpu.memref_slice %arg12[%dma_start3A_134] : memref<8192xi32, #tpu.memory_space<vmem>> -> memref<2048xi32, #tpu.memory_space<vmem>>
      %dma_start3A_136 = arith.constant 0 : i32
      %dma_start3A_137 = tpu.memref_slice %arg2[%dma_start3A_133, %add3A_110, %dma_start3A_136] : memref<4x128x2048xi32, #tpu.memory_space<hbm>> -> memref<1x1x2048xi32, #tpu.memory_space<hbm>>
      %dma_start3A_138 = tpu.memref_squeeze %dma_start3A_137 : memref<1x1x2048xi32, #tpu.memory_space<hbm>> -> memref<2048xi32, #tpu.memory_space<hbm>>
      %dma_start3A_139 = arith.constant 4096 : i32
      %dma_start3A_140 = tpu.memref_slice %arg12[%dma_start3A_139] : memref<8192xi32, #tpu.memory_space<vmem>> -> memref<2048xi32, #tpu.memory_space<vmem>>
      %dma_start3A_141 = arith.constant 0 : i32
      %dma_start3A_142 = tpu.memref_slice %arg2[%dma_start3A_133, %add3A_110, %dma_start3A_141] : memref<4x128x2048xi32, #tpu.memory_space<hbm>> -> memref<1x1x2048xi32, #tpu.memory_space<hbm>>
      %dma_start3A_143 = tpu.memref_squeeze %dma_start3A_142 : memref<1x1x2048xi32, #tpu.memory_space<hbm>> -> memref<2048xi32, #tpu.memory_space<hbm>>
      tpu.enqueue_dma source(%dma_start3A_143 : memref<2048xi32, #tpu.memory_space<hbm>>) target(%dma_start3A_140 : memref<2048xi32, #tpu.memory_space<vmem>>) target_semaphore(%arg24 : memref<!tpu.dma_semaphore, #tpu.memory_space<semaphore_mem>>)
      %dma_start3A_144 = arith.constant 3 : i32
      %dma_start3A_145 = arith.constant 6144 : i32
      %dma_start3A_146 = tpu.memref_slice %arg12[%dma_start3A_145] : memref<8192xi32, #tpu.memory_space<vmem>> -> memref<2048xi32, #tpu.memory_space<vmem>>
      %dma_start3A_147 = arith.constant 0 : i32
      %dma_start3A_148 = tpu.memref_slice %arg2[%dma_start3A_144, %add3A_110, %dma_start3A_147] : memref<4x128x2048xi32, #tpu.memory_space<hbm>> -> memref<1x1x2048xi32, #tpu.memory_space<hbm>>
      %dma_start3A_149 = tpu.memref_squeeze %dma_start3A_148 : memref<1x1x2048xi32, #tpu.memory_space<hbm>> -> memref<2048xi32, #tpu.memory_space<hbm>>
      %dma_start3A_150 = arith.constant 6144 : i32
      %dma_start3A_151 = tpu.memref_slice %arg12[%dma_start3A_150] : memref<8192xi32, #tpu.memory_space<vmem>> -> memref<2048xi32, #tpu.memory_space<vmem>>
      %dma_start3A_152 = arith.constant 0 : i32
      %dma_start3A_153 = tpu.memref_slice %arg2[%dma_start3A_144, %add3A_110, %dma_start3A_152] : memref<4x128x2048xi32, #tpu.memory_space<hbm>> -> memref<1x1x2048xi32, #tpu.memory_space<hbm>>
      %dma_start3A_154 = tpu.memref_squeeze %dma_start3A_153 : memref<1x1x2048xi32, #tpu.memory_space<hbm>> -> memref<2048xi32, #tpu.memory_space<hbm>>
      tpu.enqueue_dma source(%dma_start3A_154 : memref<2048xi32, #tpu.memory_space<hbm>>) target(%dma_start3A_151 : memref<2048xi32, #tpu.memory_space<vmem>>) target_semaphore(%arg24 : memref<!tpu.dma_semaphore, #tpu.memory_space<semaphore_mem>>)
      %dma_start3A_155 = arith.constant 1 : i32
      %dma_start3A_156 = arith.constant 0 : i32
      %dma_start3A_157 = tpu.memref_slice %arg13[%dma_start3A_155, %dma_start3A_156] : memref<2x1024xf32, #tpu.memory_space<vmem>> -> memref<1x1024xf32, #tpu.memory_space<vmem>>
      %dma_start3A_158 = tpu.memref_squeeze %dma_start3A_157 : memref<1x1024xf32, #tpu.memory_space<vmem>> -> memref<1024xf32, #tpu.memory_space<vmem>>
      %dma_start3A_159 = tpu.memref_slice %arg3[%add3A_110, %mul3A_2] : memref<128x32768xf32, #tpu.memory_space<hbm>> -> memref<1x1024xf32, #tpu.memory_space<hbm>>
      %dma_start3A_160 = tpu.memref_squeeze %dma_start3A_159 : memref<1x1024xf32, #tpu.memory_space<hbm>> -> memref<1024xf32, #tpu.memory_space<hbm>>
      %dma_start3A_161 = arith.constant 0 : i32
      %dma_start3A_162 = tpu.memref_slice %arg13[%dma_start3A_155, %dma_start3A_161] : memref<2x1024xf32, #tpu.memory_space<vmem>> -> memref<1x1024xf32, #tpu.memory_space<vmem>>
      %dma_start3A_163 = tpu.memref_squeeze %dma_start3A_162 : memref<1x1024xf32, #tpu.memory_space<vmem>> -> memref<1024xf32, #tpu.memory_space<vmem>>
      %dma_start3A_164 = tpu.memref_slice %arg3[%add3A_110, %mul3A_2] : memref<128x32768xf32, #tpu.memory_space<hbm>> -> memref<1x1024xf32, #tpu.memory_space<hbm>>
      %dma_start3A_165 = tpu.memref_squeeze %dma_start3A_164 : memref<1x1024xf32, #tpu.memory_space<hbm>> -> memref<1024xf32, #tpu.memory_space<hbm>>
      tpu.enqueue_dma source(%dma_start3A_165 : memref<1024xf32, #tpu.memory_space<hbm>>) target(%dma_start3A_163 : memref<1024xf32, #tpu.memory_space<vmem>>) target_semaphore(%arg26 : memref<!tpu.dma_semaphore, #tpu.memory_space<semaphore_mem>>)
      %dma_start3A_166 = arith.constant 1 : i32
      %dma_start3A_167 = arith.constant 0 : i32
      %dma_start3A_168 = tpu.memref_slice %arg14[%dma_start3A_166, %dma_start3A_167] : memref<2x1024xf32, #tpu.memory_space<vmem>> -> memref<1x1024xf32, #tpu.memory_space<vmem>>
      %dma_start3A_169 = tpu.memref_squeeze %dma_start3A_168 : memref<1x1024xf32, #tpu.memory_space<vmem>> -> memref<1024xf32, #tpu.memory_space<vmem>>
      %dma_start3A_170 = tpu.memref_slice %arg4[%add3A_110, %mul3A_2] : memref<128x32768xf32, #tpu.memory_space<hbm>> -> memref<1x1024xf32, #tpu.memory_space<hbm>>
      %dma_start3A_171 = tpu.memref_squeeze %dma_start3A_170 : memref<1x1024xf32, #tpu.memory_space<hbm>> -> memref<1024xf32, #tpu.memory_space<hbm>>
      %dma_start3A_172 = arith.constant 0 : i32
      %dma_start3A_173 = tpu.memref_slice %arg14[%dma_start3A_166, %dma_start3A_172] : memref<2x1024xf32, #tpu.memory_space<vmem>> -> memref<1x1024xf32, #tpu.memory_space<vmem>>
      %dma_start3A_174 = tpu.memref_squeeze %dma_start3A_173 : memref<1x1024xf32, #tpu.memory_space<vmem>> -> memref<1024xf32, #tpu.memory_space<vmem>>
      %dma_start3A_175 = tpu.memref_slice %arg4[%add3A_110, %mul3A_2] : memref<128x32768xf32, #tpu.memory_space<hbm>> -> memref<1x1024xf32, #tpu.memory_space<hbm>>
      %dma_start3A_176 = tpu.memref_squeeze %dma_start3A_175 : memref<1x1024xf32, #tpu.memory_space<hbm>> -> memref<1024xf32, #tpu.memory_space<hbm>>
      tpu.enqueue_dma source(%dma_start3A_176 : memref<1024xf32, #tpu.memory_space<hbm>>) target(%dma_start3A_174 : memref<1024xf32, #tpu.memory_space<vmem>>) target_semaphore(%arg26 : memref<!tpu.dma_semaphore, #tpu.memory_space<semaphore_mem>>)
      %dma_start3A_177 = arith.constant 1 : i32
      %dma_start3A_178 = arith.constant 0 : i32
      %dma_start3A_179 = tpu.memref_slice %arg15[%dma_start3A_177, %dma_start3A_178] : memref<2x1024xf32, #tpu.memory_space<vmem>> -> memref<1x1024xf32, #tpu.memory_space<vmem>>
      %dma_start3A_180 = tpu.memref_squeeze %dma_start3A_179 : memref<1x1024xf32, #tpu.memory_space<vmem>> -> memref<1024xf32, #tpu.memory_space<vmem>>
      %dma_start3A_181 = tpu.memref_slice %arg5[%add3A_110, %mul3A_2] : memref<128x32768xf32, #tpu.memory_space<hbm>> -> memref<1x1024xf32, #tpu.memory_space<hbm>>
      %dma_start3A_182 = tpu.memref_squeeze %dma_start3A_181 : memref<1x1024xf32, #tpu.memory_space<hbm>> -> memref<1024xf32, #tpu.memory_space<hbm>>
      %dma_start3A_183 = arith.constant 0 : i32
      %dma_start3A_184 = tpu.memref_slice %arg15[%dma_start3A_177, %dma_start3A_183] : memref<2x1024xf32, #tpu.memory_space<vmem>> -> memref<1x1024xf32, #tpu.memory_space<vmem>>
      %dma_start3A_185 = tpu.memref_squeeze %dma_start3A_184 : memref<1x1024xf32, #tpu.memory_space<vmem>> -> memref<1024xf32, #tpu.memory_space<vmem>>
      %dma_start3A_186 = tpu.memref_slice %arg5[%add3A_110, %mul3A_2] : memref<128x32768xf32, #tpu.memory_space<hbm>> -> memref<1x1024xf32, #tpu.memory_space<hbm>>
      %dma_start3A_187 = tpu.memref_squeeze %dma_start3A_186 : memref<1x1024xf32, #tpu.memory_space<hbm>> -> memref<1024xf32, #tpu.memory_space<hbm>>
      tpu.enqueue_dma source(%dma_start3A_187 : memref<1024xf32, #tpu.memory_space<hbm>>) target(%dma_start3A_185 : memref<1024xf32, #tpu.memory_space<vmem>>) target_semaphore(%arg26 : memref<!tpu.dma_semaphore, #tpu.memory_space<semaphore_mem>>)
      %dma_wait3A = arith.constant 0 : i32
      %dma_wait3A_188 = arith.constant 0 : i32
      %dma_wait3A_189 = tpu.memref_slice %arg11[%dma_wait3A_188] : memref<8192xi32, #tpu.memory_space<vmem>> -> memref<2048xi32, #tpu.memory_space<vmem>>
      %dma_wait3A_190 = arith.constant 0 : i32
      %dma_wait3A_191 = tpu.memref_slice %arg2[%dma_wait3A, %mul3A_108, %dma_wait3A_190] : memref<4x128x2048xi32, #tpu.memory_space<hbm>> -> memref<1x1x2048xi32, #tpu.memory_space<hbm>>
      %dma_wait3A_192 = tpu.memref_squeeze %dma_wait3A_191 : memref<1x1x2048xi32, #tpu.memory_space<hbm>> -> memref<2048xi32, #tpu.memory_space<hbm>>
      %dma_wait3A_193 = arith.constant 0 : i32
      %dma_wait3A_194 = tpu.memref_slice %arg11[%dma_wait3A_193] : memref<8192xi32, #tpu.memory_space<vmem>> -> memref<2048xi32, #tpu.memory_space<vmem>>
      %dma_wait3A_195 = arith.constant 0 : i32
      %dma_wait3A_196 = tpu.memref_slice %arg2[%dma_wait3A, %mul3A_108, %dma_wait3A_195] : memref<4x128x2048xi32, #tpu.memory_space<hbm>> -> memref<1x1x2048xi32, #tpu.memory_space<hbm>>
      %dma_wait3A_197 = tpu.memref_squeeze %dma_wait3A_196 : memref<1x1x2048xi32, #tpu.memory_space<hbm>> -> memref<2048xi32, #tpu.memory_space<hbm>>
      tpu.wait_dma2 semaphore(%arg23 : memref<!tpu.dma_semaphore, #tpu.memory_space<semaphore_mem>>) src(%dma_wait3A_197 : memref<2048xi32, #tpu.memory_space<hbm>>) dst(%dma_wait3A_194 : memref<2048xi32, #tpu.memory_space<vmem>>)
      %dma_wait3A_198 = arith.constant 1 : i32
      %dma_wait3A_199 = arith.constant 2048 : i32
      %dma_wait3A_200 = tpu.memref_slice %arg11[%dma_wait3A_199] : memref<8192xi32, #tpu.memory_space<vmem>> -> memref<2048xi32, #tpu.memory_space<vmem>>
      %dma_wait3A_201 = arith.constant 0 : i32
      %dma_wait3A_202 = tpu.memref_slice %arg2[%dma_wait3A_198, %mul3A_108, %dma_wait3A_201] : memref<4x128x2048xi32, #tpu.memory_space<hbm>> -> memref<1x1x2048xi32, #tpu.memory_space<hbm>>
      %dma_wait3A_203 = tpu.memref_squeeze %dma_wait3A_202 : memref<1x1x2048xi32, #tpu.memory_space<hbm>> -> memref<2048xi32, #tpu.memory_space<hbm>>
      %dma_wait3A_204 = arith.constant 2048 : i32
      %dma_wait3A_205 = tpu.memref_slice %arg11[%dma_wait3A_204] : memref<8192xi32, #tpu.memory_space<vmem>> -> memref<2048xi32, #tpu.memory_space<vmem>>
      %dma_wait3A_206 = arith.constant 0 : i32
      %dma_wait3A_207 = tpu.memref_slice %arg2[%dma_wait3A_198, %mul3A_108, %dma_wait3A_206] : memref<4x128x2048xi32, #tpu.memory_space<hbm>> -> memref<1x1x2048xi32, #tpu.memory_space<hbm>>
      %dma_wait3A_208 = tpu.memref_squeeze %dma_wait3A_207 : memref<1x1x2048xi32, #tpu.memory_space<hbm>> -> memref<2048xi32, #tpu.memory_space<hbm>>
      tpu.wait_dma2 semaphore(%arg23 : memref<!tpu.dma_semaphore, #tpu.memory_space<semaphore_mem>>) src(%dma_wait3A_208 : memref<2048xi32, #tpu.memory_space<hbm>>) dst(%dma_wait3A_205 : memref<2048xi32, #tpu.memory_space<vmem>>)
      %dma_wait3A_209 = arith.constant 2 : i32
      %dma_wait3A_210 = arith.constant 4096 : i32
      %dma_wait3A_211 = tpu.memref_slice %arg11[%dma_wait3A_210] : memref<8192xi32, #tpu.memory_space<vmem>> -> memref<2048xi32, #tpu.memory_space<vmem>>
      %dma_wait3A_212 = arith.constant 0 : i32
      %dma_wait3A_213 = tpu.memref_slice %arg2[%dma_wait3A_209, %mul3A_108, %dma_wait3A_212] : memref<4x128x2048xi32, #tpu.memory_space<hbm>> -> memref<1x1x2048xi32, #tpu.memory_space<hbm>>
      %dma_wait3A_214 = tpu.memref_squeeze %dma_wait3A_213 : memref<1x1x2048xi32, #tpu.memory_space<hbm>> -> memref<2048xi32, #tpu.memory_space<hbm>>
      %dma_wait3A_215 = arith.constant 4096 : i32
      %dma_wait3A_216 = tpu.memref_slice %arg11[%dma_wait3A_215] : memref<8192xi32, #tpu.memory_space<vmem>> -> memref<2048xi32, #tpu.memory_space<vmem>>
      %dma_wait3A_217 = arith.constant 0 : i32
      %dma_wait3A_218 = tpu.memref_slice %arg2[%dma_wait3A_209, %mul3A_108, %dma_wait3A_217] : memref<4x128x2048xi32, #tpu.memory_space<hbm>> -> memref<1x1x2048xi32, #tpu.memory_space<hbm>>
      %dma_wait3A_219 = tpu.memref_squeeze %dma_wait3A_218 : memref<1x1x2048xi32, #tpu.memory_space<hbm>> -> memref<2048xi32, #tpu.memory_space<hbm>>
      tpu.wait_dma2 semaphore(%arg23 : memref<!tpu.dma_semaphore, #tpu.memory_space<semaphore_mem>>) src(%dma_wait3A_219 : memref<2048xi32, #tpu.memory_space<hbm>>) dst(%dma_wait3A_216 : memref<2048xi32, #tpu.memory_space<vmem>>)
      %dma_wait3A_220 = arith.constant 3 : i32
      %dma_wait3A_221 = arith.constant 6144 : i32
      %dma_wait3A_222 = tpu.memref_slice %arg11[%dma_wait3A_221] : memref<8192xi32, #tpu.memory_space<vmem>> -> memref<2048xi32, #tpu.memory_space<vmem>>
      %dma_wait3A_223 = arith.constant 0 : i32
      %dma_wait3A_224 = tpu.memref_slice %arg2[%dma_wait3A_220, %mul3A_108, %dma_wait3A_223] : memref<4x128x2048xi32, #tpu.memory_space<hbm>> -> memref<1x1x2048xi32, #tpu.memory_space<hbm>>
      %dma_wait3A_225 = tpu.memref_squeeze %dma_wait3A_224 : memref<1x1x2048xi32, #tpu.memory_space<hbm>> -> memref<2048xi32, #tpu.memory_space<hbm>>
      %dma_wait3A_226 = arith.constant 6144 : i32
      %dma_wait3A_227 = tpu.memref_slice %arg11[%dma_wait3A_226] : memref<8192xi32, #tpu.memory_space<vmem>> -> memref<2048xi32, #tpu.memory_space<vmem>>
      %dma_wait3A_228 = arith.constant 0 : i32
      %dma_wait3A_229 = tpu.memref_slice %arg2[%dma_wait3A_220, %mul3A_108, %dma_wait3A_228] : memref<4x128x2048xi32, #tpu.memory_space<hbm>> -> memref<1x1x2048xi32, #tpu.memory_space<hbm>>
      %dma_wait3A_230 = tpu.memref_squeeze %dma_wait3A_229 : memref<1x1x2048xi32, #tpu.memory_space<hbm>> -> memref<2048xi32, #tpu.memory_space<hbm>>
      tpu.wait_dma2 semaphore(%arg23 : memref<!tpu.dma_semaphore, #tpu.memory_space<semaphore_mem>>) src(%dma_wait3A_230 : memref<2048xi32, #tpu.memory_space<hbm>>) dst(%dma_wait3A_227 : memref<2048xi32, #tpu.memory_space<vmem>>)
      %dma_wait3A_231 = arith.constant 0 : i32
      %dma_wait3A_232 = arith.constant 0 : i32
      %dma_wait3A_233 = tpu.memref_slice %arg13[%dma_wait3A_231, %dma_wait3A_232] : memref<2x1024xf32, #tpu.memory_space<vmem>> -> memref<1x1024xf32, #tpu.memory_space<vmem>>
      %dma_wait3A_234 = tpu.memref_squeeze %dma_wait3A_233 : memref<1x1024xf32, #tpu.memory_space<vmem>> -> memref<1024xf32, #tpu.memory_space<vmem>>
      %dma_wait3A_235 = tpu.memref_slice %arg3[%mul3A_108, %mul3A_2] : memref<128x32768xf32, #tpu.memory_space<hbm>> -> memref<1x1024xf32, #tpu.memory_space<hbm>>
      %dma_wait3A_236 = tpu.memref_squeeze %dma_wait3A_235 : memref<1x1024xf32, #tpu.memory_space<hbm>> -> memref<1024xf32, #tpu.memory_space<hbm>>
      %dma_wait3A_237 = arith.constant 0 : i32
      %dma_wait3A_238 = tpu.memref_slice %arg13[%dma_wait3A_231, %dma_wait3A_237] : memref<2x1024xf32, #tpu.memory_space<vmem>> -> memref<1x1024xf32, #tpu.memory_space<vmem>>
      %dma_wait3A_239 = tpu.memref_squeeze %dma_wait3A_238 : memref<1x1024xf32, #tpu.memory_space<vmem>> -> memref<1024xf32, #tpu.memory_space<vmem>>
      %dma_wait3A_240 = tpu.memref_slice %arg3[%mul3A_108, %mul3A_2] : memref<128x32768xf32, #tpu.memory_space<hbm>> -> memref<1x1024xf32, #tpu.memory_space<hbm>>
      %dma_wait3A_241 = tpu.memref_squeeze %dma_wait3A_240 : memref<1x1024xf32, #tpu.memory_space<hbm>> -> memref<1024xf32, #tpu.memory_space<hbm>>
      tpu.wait_dma2 semaphore(%arg25 : memref<!tpu.dma_semaphore, #tpu.memory_space<semaphore_mem>>) src(%dma_wait3A_241 : memref<1024xf32, #tpu.memory_space<hbm>>) dst(%dma_wait3A_239 : memref<1024xf32, #tpu.memory_space<vmem>>)
      %dma_wait3A_242 = arith.constant 0 : i32
      %dma_wait3A_243 = arith.constant 0 : i32
      %dma_wait3A_244 = tpu.memref_slice %arg14[%dma_wait3A_242, %dma_wait3A_243] : memref<2x1024xf32, #tpu.memory_space<vmem>> -> memref<1x1024xf32, #tpu.memory_space<vmem>>
      %dma_wait3A_245 = tpu.memref_squeeze %dma_wait3A_244 : memref<1x1024xf32, #tpu.memory_space<vmem>> -> memref<1024xf32, #tpu.memory_space<vmem>>
      %dma_wait3A_246 = tpu.memref_slice %arg4[%mul3A_108, %mul3A_2] : memref<128x32768xf32, #tpu.memory_space<hbm>> -> memref<1x1024xf32, #tpu.memory_space<hbm>>
      %dma_wait3A_247 = tpu.memref_squeeze %dma_wait3A_246 : memref<1x1024xf32, #tpu.memory_space<hbm>> -> memref<1024xf32, #tpu.memory_space<hbm>>
      %dma_wait3A_248 = arith.constant 0 : i32
      %dma_wait3A_249 = tpu.memref_slice %arg14[%dma_wait3A_242, %dma_wait3A_248] : memref<2x1024xf32, #tpu.memory_space<vmem>> -> memref<1x1024xf32, #tpu.memory_space<vmem>>
      %dma_wait3A_250 = tpu.memref_squeeze %dma_wait3A_249 : memref<1x1024xf32, #tpu.memory_space<vmem>> -> memref<1024xf32, #tpu.memory_space<vmem>>
      %dma_wait3A_251 = tpu.memref_slice %arg4[%mul3A_108, %mul3A_2] : memref<128x32768xf32, #tpu.memory_space<hbm>> -> memref<1x1024xf32, #tpu.memory_space<hbm>>
      %dma_wait3A_252 = tpu.memref_squeeze %dma_wait3A_251 : memref<1x1024xf32, #tpu.memory_space<hbm>> -> memref<1024xf32, #tpu.memory_space<hbm>>
      tpu.wait_dma2 semaphore(%arg25 : memref<!tpu.dma_semaphore, #tpu.memory_space<semaphore_mem>>) src(%dma_wait3A_252 : memref<1024xf32, #tpu.memory_space<hbm>>) dst(%dma_wait3A_250 : memref<1024xf32, #tpu.memory_space<vmem>>)
      %dma_wait3A_253 = arith.constant 0 : i32
      %dma_wait3A_254 = arith.constant 0 : i32
      %dma_wait3A_255 = tpu.memref_slice %arg15[%dma_wait3A_253, %dma_wait3A_254] : memref<2x1024xf32, #tpu.memory_space<vmem>> -> memref<1x1024xf32, #tpu.memory_space<vmem>>
      %dma_wait3A_256 = tpu.memref_squeeze %dma_wait3A_255 : memref<1x1024xf32, #tpu.memory_space<vmem>> -> memref<1024xf32, #tpu.memory_space<vmem>>
      %dma_wait3A_257 = tpu.memref_slice %arg5[%mul3A_108, %mul3A_2] : memref<128x32768xf32, #tpu.memory_space<hbm>> -> memref<1x1024xf32, #tpu.memory_space<hbm>>
      %dma_wait3A_258 = tpu.memref_squeeze %dma_wait3A_257 : memref<1x1024xf32, #tpu.memory_space<hbm>> -> memref<1024xf32, #tpu.memory_space<hbm>>
      %dma_wait3A_259 = arith.constant 0 : i32
      %dma_wait3A_260 = tpu.memref_slice %arg15[%dma_wait3A_253, %dma_wait3A_259] : memref<2x1024xf32, #tpu.memory_space<vmem>> -> memref<1x1024xf32, #tpu.memory_space<vmem>>
      %dma_wait3A_261 = tpu.memref_squeeze %dma_wait3A_260 : memref<1x1024xf32, #tpu.memory_space<vmem>> -> memref<1024xf32, #tpu.memory_space<vmem>>
      %dma_wait3A_262 = tpu.memref_slice %arg5[%mul3A_108, %mul3A_2] : memref<128x32768xf32, #tpu.memory_space<hbm>> -> memref<1x1024xf32, #tpu.memory_space<hbm>>
      %dma_wait3A_263 = tpu.memref_squeeze %dma_wait3A_262 : memref<1x1024xf32, #tpu.memory_space<hbm>> -> memref<1024xf32, #tpu.memory_space<hbm>>
      tpu.wait_dma2 semaphore(%arg25 : memref<!tpu.dma_semaphore, #tpu.memory_space<semaphore_mem>>) src(%dma_wait3A_263 : memref<1024xf32, #tpu.memory_space<hbm>>) dst(%dma_wait3A_261 : memref<1024xf32, #tpu.memory_space<vmem>>)
      %shift_right_arithmetic3A = arith.constant 4 : i32
      %shift_right_arithmetic3A_264 = arith.shrsi %mul3A_108, %shift_right_arithmetic3A : i32
      %shift_left3A = arith.constant 4 : i32
      %shift_left3A_265 = arith.shli %shift_right_arithmetic3A_264, %shift_left3A : i32
      %and3A = arith.constant 15 : i32
      %and3A_266 = arith.andi %mul3A_108, %and3A : i32
      %get3A = arith.index_cast %shift_left3A_265 : i32 to index
      %get3A_267 = tpu.vector_load %arg22[%get3A] {strides = array<i32>} : memref<128xi32, #tpu.memory_space<vmem>>, vector<16xi32>,
      %eq3A = vector.broadcast %and3A_266 : i32 to vector<16xi32>
      %eq3A_268 = arith.cmpi eq, %iota3A, %eq3A : vector<16xi32>
      %jit3A = arith.constant 0 : i32
      %broadcast_in_dim3A_269 = vector.broadcast %jit3A : i32 to vector<16xi32>
      %select_n3A = arith.select %eq3A_268, %get3A_267, %broadcast_in_dim3A_269 : vector<16xi1>, vector<16xi32>
      %reduce_max3A = arith.constant true
      %reduce_max3A_270 = vector.broadcast %reduce_max3A : i1 to vector<16xi1>
      %reduce_max3A_271 = arith.constant -2147483648 : i32
      %reduce_max3A_272 = vector.broadcast %reduce_max3A_271 : i32 to vector<16xi32>
      %reduce_max3A_273 = arith.xori %select_n3A, %reduce_max3A_272 : vector<16xi32>
      %reduce_max3A_274 = tpu.scan <max>, %reduce_max3A_273 masked %reduce_max3A_270 : vector<16xi32>, vector<16xi1> -> vector<16xi32>
      %reduce_max3A_275 = arith.xori %reduce_max3A_274, %reduce_max3A_272 : vector<16xi32>
      %reduce_max3A_276 = vector.extract %reduce_max3A_275[15] : i32 from vector<16xi32>
      %mul3A_277 = arith.constant 4 : i32
      %mul3A_278 = arith.muli %reduce_max3A_276, %mul3A_277 : i32
      %parallel_loop3A = arith.constant 64 : i32
      %parallel_loop3A_279 = arith.constant 1 : i32
      scf.for %parallel_loop3A_390 = %mul3A_278 to %parallel_loop3A step %parallel_loop3A_279  : i32 {
        %parallel_loop3A_391 = arith.constant 16 : i32
        %parallel_loop3A_392 = arith.muli %parallel_loop3A_390, %parallel_loop3A_391 : i32
        %parallel_loop3A_393 = arith.constant 0 : i32
        %parallel_loop3A_394 = arith.index_cast %parallel_loop3A_393 : i32 to index
        %parallel_loop3A_395 = arith.index_cast %parallel_loop3A_392 : i32 to index
        %parallel_loop3A_396 = tpu.vector_load %arg14[%parallel_loop3A_394, %parallel_loop3A_395] {strides = array<i32>} : memref<2x1024xf32, #tpu.memory_space<vmem>>, vector<16xf32>,
        %parallel_loop3A_397 = arith.constant 0 : i32
        %parallel_loop3A_398 = arith.index_cast %parallel_loop3A_397 : i32 to index
        %parallel_loop3A_399 = arith.index_cast %parallel_loop3A_392 : i32 to index
        %parallel_loop3A_400 = tpu.vector_load %arg15[%parallel_loop3A_398, %parallel_loop3A_399] {strides = array<i32>} : memref<2x1024xf32, #tpu.memory_space<vmem>>, vector<16xf32>,
        %parallel_loop3A_401 = arith.constant 0 : i32
        %parallel_loop3A_402 = arith.index_cast %parallel_loop3A_401 : i32 to index
        %parallel_loop3A_403 = arith.index_cast %parallel_loop3A_392 : i32 to index
        %parallel_loop3A_404 = tpu.vector_load %arg13[%parallel_loop3A_402, %parallel_loop3A_403] {strides = array<i32>} : memref<2x1024xf32, #tpu.memory_space<vmem>>, vector<16xf32>,
        %parallel_loop3A_405 = arith.constant 0 : i32
        %parallel_loop3A_406 = arith.index_cast %parallel_loop3A_405 : i32 to index
        %parallel_loop3A_407 = arith.index_cast %parallel_loop3A_392 : i32 to index
        %parallel_loop3A_408 = tpu.vector_load %arg16[%parallel_loop3A_406, %parallel_loop3A_407] {strides = array<i32>} : memref<4x1024xf32, #tpu.memory_space<vmem>>, vector<16xf32>,
        %parallel_loop3A_409 = arith.addf %parallel_loop3A_408, %parallel_loop3A_404 : vector<16xf32>
        %parallel_loop3A_410 = arith.fptosi %parallel_loop3A_409 : vector<16xf32> to vector<16xi32>
        %parallel_loop3A_411 = arith.sitofp %parallel_loop3A_410 : vector<16xi32> to vector<16xf32>
        %parallel_loop3A_412 = arith.subf %parallel_loop3A_409, %parallel_loop3A_411 : vector<16xf32>
        %parallel_loop3A_413 = arith.constant 0 : i32
        %parallel_loop3A_414 = vector.broadcast %parallel_loop3A_413 : i32 to vector<16xi32>
        %parallel_loop3A_415 = arith.addi %parallel_loop3A_410, %parallel_loop3A_414 : vector<16xi32>
        %parallel_loop3A_416 = tpu.vector_load_idx %arg11[%parallel_loop3A_415] : memref<8192xi32, #tpu.memory_space<vmem>>[vector<16xi32>], vector<16xi32>,
        %parallel_loop3A_417 = arith.constant 1 : i32
        %parallel_loop3A_418 = vector.broadcast %parallel_loop3A_417 : i32 to vector<16xi32>
        %parallel_loop3A_419 = arith.addi %parallel_loop3A_415, %parallel_loop3A_418 : vector<16xi32>
        %parallel_loop3A_420 = tpu.vector_load_idx %arg11[%parallel_loop3A_419] : memref<8192xi32, #tpu.memory_space<vmem>>[vector<16xi32>], vector<16xi32>,
        %parallel_loop3A_421 = arith.constant 16 : i32
        %parallel_loop3A_422 = vector.broadcast %parallel_loop3A_421 : i32 to vector<16xi32>
        %parallel_loop3A_423 = arith.shli %parallel_loop3A_416, %parallel_loop3A_422 : vector<16xi32>
        %parallel_loop3A_424 = vector.bitcast %parallel_loop3A_423 : vector<16xi32> to vector<16xf32>
        %parallel_loop3A_425 = arith.andi %parallel_loop3A_416, %broadcast_in_dim3A_10 : vector<16xi32>
        %parallel_loop3A_426 = vector.bitcast %parallel_loop3A_425 : vector<16xi32> to vector<16xf32>
        %parallel_loop3A_427 = arith.constant 16 : i32
        %parallel_loop3A_428 = vector.broadcast %parallel_loop3A_427 : i32 to vector<16xi32>
        %parallel_loop3A_429 = arith.shli %parallel_loop3A_420, %parallel_loop3A_428 : vector<16xi32>
        %parallel_loop3A_430 = vector.bitcast %parallel_loop3A_429 : vector<16xi32> to vector<16xf32>
        %parallel_loop3A_431 = arith.andi %parallel_loop3A_420, %broadcast_in_dim3A_10 : vector<16xi32>
        %parallel_loop3A_432 = vector.bitcast %parallel_loop3A_431 : vector<16xi32> to vector<16xf32>
        %parallel_loop3A_433 = arith.subf %parallel_loop3A_430, %parallel_loop3A_424 : vector<16xf32>
        %parallel_loop3A_434 = arith.mulf %parallel_loop3A_412, %parallel_loop3A_433 : vector<16xf32>
        %parallel_loop3A_435 = arith.addf %parallel_loop3A_424, %parallel_loop3A_434 : vector<16xf32>
        %parallel_loop3A_436 = arith.subf %parallel_loop3A_432, %parallel_loop3A_426 : vector<16xf32>
        %parallel_loop3A_437 = arith.mulf %parallel_loop3A_412, %parallel_loop3A_436 : vector<16xf32>
        %parallel_loop3A_438 = arith.addf %parallel_loop3A_426, %parallel_loop3A_437 : vector<16xf32>
        %parallel_loop3A_439 = arith.constant 0 : i32
        %parallel_loop3A_440 = arith.index_cast %parallel_loop3A_439 : i32 to index
        %parallel_loop3A_441 = arith.index_cast %parallel_loop3A_392 : i32 to index
        %parallel_loop3A_442 = tpu.vector_load %arg19[%parallel_loop3A_440, %parallel_loop3A_441] {strides = array<i32>} : memref<4x1024xf32, #tpu.memory_space<vmem>>, vector<16xf32>,
        %parallel_loop3A_443 = arith.mulf %parallel_loop3A_435, %parallel_loop3A_396 : vector<16xf32>
        %parallel_loop3A_444 = arith.mulf %parallel_loop3A_438, %parallel_loop3A_400 : vector<16xf32>
        %parallel_loop3A_445 = arith.subf %parallel_loop3A_443, %parallel_loop3A_444 : vector<16xf32>
        %parallel_loop3A_446 = arith.addf %parallel_loop3A_442, %parallel_loop3A_445 : vector<16xf32>
        %parallel_loop3A_447 = arith.constant 0 : i32
        %parallel_loop3A_448 = arith.index_cast %parallel_loop3A_447 : i32 to index
        %parallel_loop3A_449 = arith.index_cast %parallel_loop3A_392 : i32 to index
        %parallel_loop3A_450 = tpu.vector_load %arg19[%parallel_loop3A_448, %parallel_loop3A_449] {strides = array<i32>} : memref<4x1024xf32, #tpu.memory_space<vmem>>, vector<16xf32>,
        tpu.vector_store %arg19[%parallel_loop3A_448, %parallel_loop3A_449], %parallel_loop3A_446 {strides = array<i32>} : memref<4x1024xf32, #tpu.memory_space<vmem>>, vector<16xf32>,
        %parallel_loop3A_451 = arith.constant 0 : i32
        %parallel_loop3A_452 = arith.index_cast %parallel_loop3A_451 : i32 to index
        %parallel_loop3A_453 = arith.index_cast %parallel_loop3A_392 : i32 to index
        %parallel_loop3A_454 = tpu.vector_load %arg20[%parallel_loop3A_452, %parallel_loop3A_453] {strides = array<i32>} : memref<4x1024xf32, #tpu.memory_space<vmem>>, vector<16xf32>,
        %parallel_loop3A_455 = arith.mulf %parallel_loop3A_438, %parallel_loop3A_396 : vector<16xf32>
        %parallel_loop3A_456 = arith.mulf %parallel_loop3A_435, %parallel_loop3A_400 : vector<16xf32>
        %parallel_loop3A_457 = arith.addf %parallel_loop3A_455, %parallel_loop3A_456 : vector<16xf32>
        %parallel_loop3A_458 = arith.addf %parallel_loop3A_454, %parallel_loop3A_457 : vector<16xf32>
        %parallel_loop3A_459 = arith.constant 0 : i32
        %parallel_loop3A_460 = arith.index_cast %parallel_loop3A_459 : i32 to index
        %parallel_loop3A_461 = arith.index_cast %parallel_loop3A_392 : i32 to index
        %parallel_loop3A_462 = tpu.vector_load %arg20[%parallel_loop3A_460, %parallel_loop3A_461] {strides = array<i32>} : memref<4x1024xf32, #tpu.memory_space<vmem>>, vector<16xf32>,
        tpu.vector_store %arg20[%parallel_loop3A_460, %parallel_loop3A_461], %parallel_loop3A_458 {strides = array<i32>} : memref<4x1024xf32, #tpu.memory_space<vmem>>, vector<16xf32>,
        %parallel_loop3A_463 = arith.constant 1 : i32
        %parallel_loop3A_464 = arith.index_cast %parallel_loop3A_463 : i32 to index
        %parallel_loop3A_465 = arith.index_cast %parallel_loop3A_392 : i32 to index
        %parallel_loop3A_466 = tpu.vector_load %arg16[%parallel_loop3A_464, %parallel_loop3A_465] {strides = array<i32>} : memref<4x1024xf32, #tpu.memory_space<vmem>>, vector<16xf32>,
        %parallel_loop3A_467 = arith.addf %parallel_loop3A_466, %parallel_loop3A_404 : vector<16xf32>
        %parallel_loop3A_468 = arith.fptosi %parallel_loop3A_467 : vector<16xf32> to vector<16xi32>
        %parallel_loop3A_469 = arith.sitofp %parallel_loop3A_468 : vector<16xi32> to vector<16xf32>
        %parallel_loop3A_470 = arith.subf %parallel_loop3A_467, %parallel_loop3A_469 : vector<16xf32>
        %parallel_loop3A_471 = arith.constant 2048 : i32
        %parallel_loop3A_472 = vector.broadcast %parallel_loop3A_471 : i32 to vector<16xi32>
        %parallel_loop3A_473 = arith.addi %parallel_loop3A_468, %parallel_loop3A_472 : vector<16xi32>
        %parallel_loop3A_474 = tpu.vector_load_idx %arg11[%parallel_loop3A_473] : memref<8192xi32, #tpu.memory_space<vmem>>[vector<16xi32>], vector<16xi32>,
        %parallel_loop3A_475 = arith.constant 1 : i32
        %parallel_loop3A_476 = vector.broadcast %parallel_loop3A_475 : i32 to vector<16xi32>
        %parallel_loop3A_477 = arith.addi %parallel_loop3A_473, %parallel_loop3A_476 : vector<16xi32>
        %parallel_loop3A_478 = tpu.vector_load_idx %arg11[%parallel_loop3A_477] : memref<8192xi32, #tpu.memory_space<vmem>>[vector<16xi32>], vector<16xi32>,
        %parallel_loop3A_479 = arith.constant 16 : i32
        %parallel_loop3A_480 = vector.broadcast %parallel_loop3A_479 : i32 to vector<16xi32>
        %parallel_loop3A_481 = arith.shli %parallel_loop3A_474, %parallel_loop3A_480 : vector<16xi32>
        %parallel_loop3A_482 = vector.bitcast %parallel_loop3A_481 : vector<16xi32> to vector<16xf32>
        %parallel_loop3A_483 = arith.andi %parallel_loop3A_474, %broadcast_in_dim3A_10 : vector<16xi32>
        %parallel_loop3A_484 = vector.bitcast %parallel_loop3A_483 : vector<16xi32> to vector<16xf32>
        %parallel_loop3A_485 = arith.constant 16 : i32
        %parallel_loop3A_486 = vector.broadcast %parallel_loop3A_485 : i32 to vector<16xi32>
        %parallel_loop3A_487 = arith.shli %parallel_loop3A_478, %parallel_loop3A_486 : vector<16xi32>
        %parallel_loop3A_488 = vector.bitcast %parallel_loop3A_487 : vector<16xi32> to vector<16xf32>
        %parallel_loop3A_489 = arith.andi %parallel_loop3A_478, %broadcast_in_dim3A_10 : vector<16xi32>
        %parallel_loop3A_490 = vector.bitcast %parallel_loop3A_489 : vector<16xi32> to vector<16xf32>
        %parallel_loop3A_491 = arith.subf %parallel_loop3A_488, %parallel_loop3A_482 : vector<16xf32>
        %parallel_loop3A_492 = arith.mulf %parallel_loop3A_470, %parallel_loop3A_491 : vector<16xf32>
        %parallel_loop3A_493 = arith.addf %parallel_loop3A_482, %parallel_loop3A_492 : vector<16xf32>
        %parallel_loop3A_494 = arith.subf %parallel_loop3A_490, %parallel_loop3A_484 : vector<16xf32>
        %parallel_loop3A_495 = arith.mulf %parallel_loop3A_470, %parallel_loop3A_494 : vector<16xf32>
        %parallel_loop3A_496 = arith.addf %parallel_loop3A_484, %parallel_loop3A_495 : vector<16xf32>
        %parallel_loop3A_497 = arith.constant 1 : i32
        %parallel_loop3A_498 = arith.index_cast %parallel_loop3A_497 : i32 to index
        %parallel_loop3A_499 = arith.index_cast %parallel_loop3A_392 : i32 to index
        %parallel_loop3A_500 = tpu.vector_load %arg19[%parallel_loop3A_498, %parallel_loop3A_499] {strides = array<i32>} : memref<4x1024xf32, #tpu.memory_space<vmem>>, vector<16xf32>,
        %parallel_loop3A_501 = arith.mulf %parallel_loop3A_493, %parallel_loop3A_396 : vector<16xf32>
        %parallel_loop3A_502 = arith.mulf %parallel_loop3A_496, %parallel_loop3A_400 : vector<16xf32>
        %parallel_loop3A_503 = arith.subf %parallel_loop3A_501, %parallel_loop3A_502 : vector<16xf32>
        %parallel_loop3A_504 = arith.addf %parallel_loop3A_500, %parallel_loop3A_503 : vector<16xf32>
        %parallel_loop3A_505 = arith.constant 1 : i32
        %parallel_loop3A_506 = arith.index_cast %parallel_loop3A_505 : i32 to index
        %parallel_loop3A_507 = arith.index_cast %parallel_loop3A_392 : i32 to index
        %parallel_loop3A_508 = tpu.vector_load %arg19[%parallel_loop3A_506, %parallel_loop3A_507] {strides = array<i32>} : memref<4x1024xf32, #tpu.memory_space<vmem>>, vector<16xf32>,
        tpu.vector_store %arg19[%parallel_loop3A_506, %parallel_loop3A_507], %parallel_loop3A_504 {strides = array<i32>} : memref<4x1024xf32, #tpu.memory_space<vmem>>, vector<16xf32>,
        %parallel_loop3A_509 = arith.constant 1 : i32
        %parallel_loop3A_510 = arith.index_cast %parallel_loop3A_509 : i32 to index
        %parallel_loop3A_511 = arith.index_cast %parallel_loop3A_392 : i32 to index
        %parallel_loop3A_512 = tpu.vector_load %arg20[%parallel_loop3A_510, %parallel_loop3A_511] {strides = array<i32>} : memref<4x1024xf32, #tpu.memory_space<vmem>>, vector<16xf32>,
        %parallel_loop3A_513 = arith.mulf %parallel_loop3A_496, %parallel_loop3A_396 : vector<16xf32>
        %parallel_loop3A_514 = arith.mulf %parallel_loop3A_493, %parallel_loop3A_400 : vector<16xf32>
        %parallel_loop3A_515 = arith.addf %parallel_loop3A_513, %parallel_loop3A_514 : vector<16xf32>
        %parallel_loop3A_516 = arith.addf %parallel_loop3A_512, %parallel_loop3A_515 : vector<16xf32>
        %parallel_loop3A_517 = arith.constant 1 : i32
        %parallel_loop3A_518 = arith.index_cast %parallel_loop3A_517 : i32 to index
        %parallel_loop3A_519 = arith.index_cast %parallel_loop3A_392 : i32 to index
        %parallel_loop3A_520 = tpu.vector_load %arg20[%parallel_loop3A_518, %parallel_loop3A_519] {strides = array<i32>} : memref<4x1024xf32, #tpu.memory_space<vmem>>, vector<16xf32>,
        tpu.vector_store %arg20[%parallel_loop3A_518, %parallel_loop3A_519], %parallel_loop3A_516 {strides = array<i32>} : memref<4x1024xf32, #tpu.memory_space<vmem>>, vector<16xf32>,
        %parallel_loop3A_521 = arith.constant 2 : i32
        %parallel_loop3A_522 = arith.index_cast %parallel_loop3A_521 : i32 to index
        %parallel_loop3A_523 = arith.index_cast %parallel_loop3A_392 : i32 to index
        %parallel_loop3A_524 = tpu.vector_load %arg16[%parallel_loop3A_522, %parallel_loop3A_523] {strides = array<i32>} : memref<4x1024xf32, #tpu.memory_space<vmem>>, vector<16xf32>,
        %parallel_loop3A_525 = arith.addf %parallel_loop3A_524, %parallel_loop3A_404 : vector<16xf32>
        %parallel_loop3A_526 = arith.fptosi %parallel_loop3A_525 : vector<16xf32> to vector<16xi32>
        %parallel_loop3A_527 = arith.sitofp %parallel_loop3A_526 : vector<16xi32> to vector<16xf32>
        %parallel_loop3A_528 = arith.subf %parallel_loop3A_525, %parallel_loop3A_527 : vector<16xf32>
        %parallel_loop3A_529 = arith.constant 4096 : i32
        %parallel_loop3A_530 = vector.broadcast %parallel_loop3A_529 : i32 to vector<16xi32>
        %parallel_loop3A_531 = arith.addi %parallel_loop3A_526, %parallel_loop3A_530 : vector<16xi32>
        %parallel_loop3A_532 = tpu.vector_load_idx %arg11[%parallel_loop3A_531] : memref<8192xi32, #tpu.memory_space<vmem>>[vector<16xi32>], vector<16xi32>,
        %parallel_loop3A_533 = arith.constant 1 : i32
        %parallel_loop3A_534 = vector.broadcast %parallel_loop3A_533 : i32 to vector<16xi32>
        %parallel_loop3A_535 = arith.addi %parallel_loop3A_531, %parallel_loop3A_534 : vector<16xi32>
        %parallel_loop3A_536 = tpu.vector_load_idx %arg11[%parallel_loop3A_535] : memref<8192xi32, #tpu.memory_space<vmem>>[vector<16xi32>], vector<16xi32>,
        %parallel_loop3A_537 = arith.constant 16 : i32
        %parallel_loop3A_538 = vector.broadcast %parallel_loop3A_537 : i32 to vector<16xi32>
        %parallel_loop3A_539 = arith.shli %parallel_loop3A_532, %parallel_loop3A_538 : vector<16xi32>
        %parallel_loop3A_540 = vector.bitcast %parallel_loop3A_539 : vector<16xi32> to vector<16xf32>
        %parallel_loop3A_541 = arith.andi %parallel_loop3A_532, %broadcast_in_dim3A_10 : vector<16xi32>
        %parallel_loop3A_542 = vector.bitcast %parallel_loop3A_541 : vector<16xi32> to vector<16xf32>
        %parallel_loop3A_543 = arith.constant 16 : i32
        %parallel_loop3A_544 = vector.broadcast %parallel_loop3A_543 : i32 to vector<16xi32>
        %parallel_loop3A_545 = arith.shli %parallel_loop3A_536, %parallel_loop3A_544 : vector<16xi32>
        %parallel_loop3A_546 = vector.bitcast %parallel_loop3A_545 : vector<16xi32> to vector<16xf32>
        %parallel_loop3A_547 = arith.andi %parallel_loop3A_536, %broadcast_in_dim3A_10 : vector<16xi32>
        %parallel_loop3A_548 = vector.bitcast %parallel_loop3A_547 : vector<16xi32> to vector<16xf32>
        %parallel_loop3A_549 = arith.subf %parallel_loop3A_546, %parallel_loop3A_540 : vector<16xf32>
        %parallel_loop3A_550 = arith.mulf %parallel_loop3A_528, %parallel_loop3A_549 : vector<16xf32>
        %parallel_loop3A_551 = arith.addf %parallel_loop3A_540, %parallel_loop3A_550 : vector<16xf32>
        %parallel_loop3A_552 = arith.subf %parallel_loop3A_548, %parallel_loop3A_542 : vector<16xf32>
        %parallel_loop3A_553 = arith.mulf %parallel_loop3A_528, %parallel_loop3A_552 : vector<16xf32>
        %parallel_loop3A_554 = arith.addf %parallel_loop3A_542, %parallel_loop3A_553 : vector<16xf32>
        %parallel_loop3A_555 = arith.constant 2 : i32
        %parallel_loop3A_556 = arith.index_cast %parallel_loop3A_555 : i32 to index
        %parallel_loop3A_557 = arith.index_cast %parallel_loop3A_392 : i32 to index
        %parallel_loop3A_558 = tpu.vector_load %arg19[%parallel_loop3A_556, %parallel_loop3A_557] {strides = array<i32>} : memref<4x1024xf32, #tpu.memory_space<vmem>>, vector<16xf32>,
        %parallel_loop3A_559 = arith.mulf %parallel_loop3A_551, %parallel_loop3A_396 : vector<16xf32>
        %parallel_loop3A_560 = arith.mulf %parallel_loop3A_554, %parallel_loop3A_400 : vector<16xf32>
        %parallel_loop3A_561 = arith.subf %parallel_loop3A_559, %parallel_loop3A_560 : vector<16xf32>
        %parallel_loop3A_562 = arith.addf %parallel_loop3A_558, %parallel_loop3A_561 : vector<16xf32>
        %parallel_loop3A_563 = arith.constant 2 : i32
        %parallel_loop3A_564 = arith.index_cast %parallel_loop3A_563 : i32 to index
        %parallel_loop3A_565 = arith.index_cast %parallel_loop3A_392 : i32 to index
        %parallel_loop3A_566 = tpu.vector_load %arg19[%parallel_loop3A_564, %parallel_loop3A_565] {strides = array<i32>} : memref<4x1024xf32, #tpu.memory_space<vmem>>, vector<16xf32>,
        tpu.vector_store %arg19[%parallel_loop3A_564, %parallel_loop3A_565], %parallel_loop3A_562 {strides = array<i32>} : memref<4x1024xf32, #tpu.memory_space<vmem>>, vector<16xf32>,
        %parallel_loop3A_567 = arith.constant 2 : i32
        %parallel_loop3A_568 = arith.index_cast %parallel_loop3A_567 : i32 to index
        %parallel_loop3A_569 = arith.index_cast %parallel_loop3A_392 : i32 to index
        %parallel_loop3A_570 = tpu.vector_load %arg20[%parallel_loop3A_568, %parallel_loop3A_569] {strides = array<i32>} : memref<4x1024xf32, #tpu.memory_space<vmem>>, vector<16xf32>,
        %parallel_loop3A_571 = arith.mulf %parallel_loop3A_554, %parallel_loop3A_396 : vector<16xf32>
        %parallel_loop3A_572 = arith.mulf %parallel_loop3A_551, %parallel_loop3A_400 : vector<16xf32>
        %parallel_loop3A_573 = arith.addf %parallel_loop3A_571, %parallel_loop3A_572 : vector<16xf32>
        %parallel_loop3A_574 = arith.addf %parallel_loop3A_570, %parallel_loop3A_573 : vector<16xf32>
        %parallel_loop3A_575 = arith.constant 2 : i32
        %parallel_loop3A_576 = arith.index_cast %parallel_loop3A_575 : i32 to index
        %parallel_loop3A_577 = arith.index_cast %parallel_loop3A_392 : i32 to index
        %parallel_loop3A_578 = tpu.vector_load %arg20[%parallel_loop3A_576, %parallel_loop3A_577] {strides = array<i32>} : memref<4x1024xf32, #tpu.memory_space<vmem>>, vector<16xf32>,
        tpu.vector_store %arg20[%parallel_loop3A_576, %parallel_loop3A_577], %parallel_loop3A_574 {strides = array<i32>} : memref<4x1024xf32, #tpu.memory_space<vmem>>, vector<16xf32>,
        %parallel_loop3A_579 = arith.constant 3 : i32
        %parallel_loop3A_580 = arith.index_cast %parallel_loop3A_579 : i32 to index
        %parallel_loop3A_581 = arith.index_cast %parallel_loop3A_392 : i32 to index
        %parallel_loop3A_582 = tpu.vector_load %arg16[%parallel_loop3A_580, %parallel_loop3A_581] {strides = array<i32>} : memref<4x1024xf32, #tpu.memory_space<vmem>>, vector<16xf32>,
        %parallel_loop3A_583 = arith.addf %parallel_loop3A_582, %parallel_loop3A_404 : vector<16xf32>
        %parallel_loop3A_584 = arith.fptosi %parallel_loop3A_583 : vector<16xf32> to vector<16xi32>
        %parallel_loop3A_585 = arith.sitofp %parallel_loop3A_584 : vector<16xi32> to vector<16xf32>
        %parallel_loop3A_586 = arith.subf %parallel_loop3A_583, %parallel_loop3A_585 : vector<16xf32>
        %parallel_loop3A_587 = arith.constant 6144 : i32
        %parallel_loop3A_588 = vector.broadcast %parallel_loop3A_587 : i32 to vector<16xi32>
        %parallel_loop3A_589 = arith.addi %parallel_loop3A_584, %parallel_loop3A_588 : vector<16xi32>
        %parallel_loop3A_590 = tpu.vector_load_idx %arg11[%parallel_loop3A_589] : memref<8192xi32, #tpu.memory_space<vmem>>[vector<16xi32>], vector<16xi32>,
        %parallel_loop3A_591 = arith.constant 1 : i32
        %parallel_loop3A_592 = vector.broadcast %parallel_loop3A_591 : i32 to vector<16xi32>
        %parallel_loop3A_593 = arith.addi %parallel_loop3A_589, %parallel_loop3A_592 : vector<16xi32>
        %parallel_loop3A_594 = tpu.vector_load_idx %arg11[%parallel_loop3A_593] : memref<8192xi32, #tpu.memory_space<vmem>>[vector<16xi32>], vector<16xi32>,
        %parallel_loop3A_595 = arith.constant 16 : i32
        %parallel_loop3A_596 = vector.broadcast %parallel_loop3A_595 : i32 to vector<16xi32>
        %parallel_loop3A_597 = arith.shli %parallel_loop3A_590, %parallel_loop3A_596 : vector<16xi32>
        %parallel_loop3A_598 = vector.bitcast %parallel_loop3A_597 : vector<16xi32> to vector<16xf32>
        %parallel_loop3A_599 = arith.andi %parallel_loop3A_590, %broadcast_in_dim3A_10 : vector<16xi32>
        %parallel_loop3A_600 = vector.bitcast %parallel_loop3A_599 : vector<16xi32> to vector<16xf32>
        %parallel_loop3A_601 = arith.constant 16 : i32
        %parallel_loop3A_602 = vector.broadcast %parallel_loop3A_601 : i32 to vector<16xi32>
        %parallel_loop3A_603 = arith.shli %parallel_loop3A_594, %parallel_loop3A_602 : vector<16xi32>
        %parallel_loop3A_604 = vector.bitcast %parallel_loop3A_603 : vector<16xi32> to vector<16xf32>
        %parallel_loop3A_605 = arith.andi %parallel_loop3A_594, %broadcast_in_dim3A_10 : vector<16xi32>
        %parallel_loop3A_606 = vector.bitcast %parallel_loop3A_605 : vector<16xi32> to vector<16xf32>
        %parallel_loop3A_607 = arith.subf %parallel_loop3A_604, %parallel_loop3A_598 : vector<16xf32>
        %parallel_loop3A_608 = arith.mulf %parallel_loop3A_586, %parallel_loop3A_607 : vector<16xf32>
        %parallel_loop3A_609 = arith.addf %parallel_loop3A_598, %parallel_loop3A_608 : vector<16xf32>
        %parallel_loop3A_610 = arith.subf %parallel_loop3A_606, %parallel_loop3A_600 : vector<16xf32>
        %parallel_loop3A_611 = arith.mulf %parallel_loop3A_586, %parallel_loop3A_610 : vector<16xf32>
        %parallel_loop3A_612 = arith.addf %parallel_loop3A_600, %parallel_loop3A_611 : vector<16xf32>
        %parallel_loop3A_613 = arith.constant 3 : i32
        %parallel_loop3A_614 = arith.index_cast %parallel_loop3A_613 : i32 to index
        %parallel_loop3A_615 = arith.index_cast %parallel_loop3A_392 : i32 to index
        %parallel_loop3A_616 = tpu.vector_load %arg19[%parallel_loop3A_614, %parallel_loop3A_615] {strides = array<i32>} : memref<4x1024xf32, #tpu.memory_space<vmem>>, vector<16xf32>,
        %parallel_loop3A_617 = arith.mulf %parallel_loop3A_609, %parallel_loop3A_396 : vector<16xf32>
        %parallel_loop3A_618 = arith.mulf %parallel_loop3A_612, %parallel_loop3A_400 : vector<16xf32>
        %parallel_loop3A_619 = arith.subf %parallel_loop3A_617, %parallel_loop3A_618 : vector<16xf32>
        %parallel_loop3A_620 = arith.addf %parallel_loop3A_616, %parallel_loop3A_619 : vector<16xf32>
        %parallel_loop3A_621 = arith.constant 3 : i32
        %parallel_loop3A_622 = arith.index_cast %parallel_loop3A_621 : i32 to index
        %parallel_loop3A_623 = arith.index_cast %parallel_loop3A_392 : i32 to index
        %parallel_loop3A_624 = tpu.vector_load %arg19[%parallel_loop3A_622, %parallel_loop3A_623] {strides = array<i32>} : memref<4x1024xf32, #tpu.memory_space<vmem>>, vector<16xf32>,
        tpu.vector_store %arg19[%parallel_loop3A_622, %parallel_loop3A_623], %parallel_loop3A_620 {strides = array<i32>} : memref<4x1024xf32, #tpu.memory_space<vmem>>, vector<16xf32>,
        %parallel_loop3A_625 = arith.constant 3 : i32
        %parallel_loop3A_626 = arith.index_cast %parallel_loop3A_625 : i32 to index
        %parallel_loop3A_627 = arith.index_cast %parallel_loop3A_392 : i32 to index
        %parallel_loop3A_628 = tpu.vector_load %arg20[%parallel_loop3A_626, %parallel_loop3A_627] {strides = array<i32>} : memref<4x1024xf32, #tpu.memory_space<vmem>>, vector<16xf32>,
        %parallel_loop3A_629 = arith.mulf %parallel_loop3A_612, %parallel_loop3A_396 : vector<16xf32>
        %parallel_loop3A_630 = arith.mulf %parallel_loop3A_609, %parallel_loop3A_400 : vector<16xf32>
        %parallel_loop3A_631 = arith.addf %parallel_loop3A_629, %parallel_loop3A_630 : vector<16xf32>
        %parallel_loop3A_632 = arith.addf %parallel_loop3A_628, %parallel_loop3A_631 : vector<16xf32>
        %parallel_loop3A_633 = arith.constant 3 : i32
        %parallel_loop3A_634 = arith.index_cast %parallel_loop3A_633 : i32 to index
        %parallel_loop3A_635 = arith.index_cast %parallel_loop3A_392 : i32 to index
        %parallel_loop3A_636 = tpu.vector_load %arg20[%parallel_loop3A_634, %parallel_loop3A_635] {strides = array<i32>} : memref<4x1024xf32, #tpu.memory_space<vmem>>, vector<16xf32>,
        tpu.vector_store %arg20[%parallel_loop3A_634, %parallel_loop3A_635], %parallel_loop3A_632 {strides = array<i32>} : memref<4x1024xf32, #tpu.memory_space<vmem>>, vector<16xf32>,
      } {sc.loop_unroll_factor = 2 : i64, sc.parallel_access}
      %add3A_280 = arith.constant 2 : i32
      %add3A_281 = arith.addi %mul3A_108, %add3A_280 : i32
      %lt3A = arith.constant 128 : i32
      %lt3A_282 = arith.cmpi slt, %add3A_281, %lt3A : i32
      %convert_element_type3A = arith.extui %lt3A_282 : i1 to i32
      %cond3A = arith.constant 0 : i32
      %cond3A_283 = arith.cmpi ne, %convert_element_type3A, %cond3A : i32
      scf.if %cond3A_283 {
        %add3A_390 = arith.constant 2 : i32
        %add3A_391 = arith.addi %mul3A_108, %add3A_390 : i32
        %dma_start3A_392 = arith.constant 0 : i32
        %dma_start3A_393 = arith.constant 0 : i32
        %dma_start3A_394 = tpu.memref_slice %arg11[%dma_start3A_393] : memref<8192xi32, #tpu.memory_space<vmem>> -> memref<2048xi32, #tpu.memory_space<vmem>>
        %dma_start3A_395 = arith.constant 0 : i32
        %dma_start3A_396 = tpu.memref_slice %arg2[%dma_start3A_392, %add3A_391, %dma_start3A_395] : memref<4x128x2048xi32, #tpu.memory_space<hbm>> -> memref<1x1x2048xi32, #tpu.memory_space<hbm>>
        %dma_start3A_397 = tpu.memref_squeeze %dma_start3A_396 : memref<1x1x2048xi32, #tpu.memory_space<hbm>> -> memref<2048xi32, #tpu.memory_space<hbm>>
        %dma_start3A_398 = arith.constant 0 : i32
        %dma_start3A_399 = tpu.memref_slice %arg11[%dma_start3A_398] : memref<8192xi32, #tpu.memory_space<vmem>> -> memref<2048xi32, #tpu.memory_space<vmem>>
        %dma_start3A_400 = arith.constant 0 : i32
        %dma_start3A_401 = tpu.memref_slice %arg2[%dma_start3A_392, %add3A_391, %dma_start3A_400] : memref<4x128x2048xi32, #tpu.memory_space<hbm>> -> memref<1x1x2048xi32, #tpu.memory_space<hbm>>
        %dma_start3A_402 = tpu.memref_squeeze %dma_start3A_401 : memref<1x1x2048xi32, #tpu.memory_space<hbm>> -> memref<2048xi32, #tpu.memory_space<hbm>>
        tpu.enqueue_dma source(%dma_start3A_402 : memref<2048xi32, #tpu.memory_space<hbm>>) target(%dma_start3A_399 : memref<2048xi32, #tpu.memory_space<vmem>>) target_semaphore(%arg23 : memref<!tpu.dma_semaphore, #tpu.memory_space<semaphore_mem>>)
        %dma_start3A_403 = arith.constant 1 : i32
        %dma_start3A_404 = arith.constant 2048 : i32
        %dma_start3A_405 = tpu.memref_slice %arg11[%dma_start3A_404] : memref<8192xi32, #tpu.memory_space<vmem>> -> memref<2048xi32, #tpu.memory_space<vmem>>
        %dma_start3A_406 = arith.constant 0 : i32
        %dma_start3A_407 = tpu.memref_slice %arg2[%dma_start3A_403, %add3A_391, %dma_start3A_406] : memref<4x128x2048xi32, #tpu.memory_space<hbm>> -> memref<1x1x2048xi32, #tpu.memory_space<hbm>>
        %dma_start3A_408 = tpu.memref_squeeze %dma_start3A_407 : memref<1x1x2048xi32, #tpu.memory_space<hbm>> -> memref<2048xi32, #tpu.memory_space<hbm>>
        %dma_start3A_409 = arith.constant 2048 : i32
        %dma_start3A_410 = tpu.memref_slice %arg11[%dma_start3A_409] : memref<8192xi32, #tpu.memory_space<vmem>> -> memref<2048xi32, #tpu.memory_space<vmem>>
        %dma_start3A_411 = arith.constant 0 : i32
        %dma_start3A_412 = tpu.memref_slice %arg2[%dma_start3A_403, %add3A_391, %dma_start3A_411] : memref<4x128x2048xi32, #tpu.memory_space<hbm>> -> memref<1x1x2048xi32, #tpu.memory_space<hbm>>
        %dma_start3A_413 = tpu.memref_squeeze %dma_start3A_412 : memref<1x1x2048xi32, #tpu.memory_space<hbm>> -> memref<2048xi32, #tpu.memory_space<hbm>>
        tpu.enqueue_dma source(%dma_start3A_413 : memref<2048xi32, #tpu.memory_space<hbm>>) target(%dma_start3A_410 : memref<2048xi32, #tpu.memory_space<vmem>>) target_semaphore(%arg23 : memref<!tpu.dma_semaphore, #tpu.memory_space<semaphore_mem>>)
        %dma_start3A_414 = arith.constant 2 : i32
        %dma_start3A_415 = arith.constant 4096 : i32
        %dma_start3A_416 = tpu.memref_slice %arg11[%dma_start3A_415] : memref<8192xi32, #tpu.memory_space<vmem>> -> memref<2048xi32, #tpu.memory_space<vmem>>
        %dma_start3A_417 = arith.constant 0 : i32
        %dma_start3A_418 = tpu.memref_slice %arg2[%dma_start3A_414, %add3A_391, %dma_start3A_417] : memref<4x128x2048xi32, #tpu.memory_space<hbm>> -> memref<1x1x2048xi32, #tpu.memory_space<hbm>>
        %dma_start3A_419 = tpu.memref_squeeze %dma_start3A_418 : memref<1x1x2048xi32, #tpu.memory_space<hbm>> -> memref<2048xi32, #tpu.memory_space<hbm>>
        %dma_start3A_420 = arith.constant 4096 : i32
        %dma_start3A_421 = tpu.memref_slice %arg11[%dma_start3A_420] : memref<8192xi32, #tpu.memory_space<vmem>> -> memref<2048xi32, #tpu.memory_space<vmem>>
        %dma_start3A_422 = arith.constant 0 : i32
        %dma_start3A_423 = tpu.memref_slice %arg2[%dma_start3A_414, %add3A_391, %dma_start3A_422] : memref<4x128x2048xi32, #tpu.memory_space<hbm>> -> memref<1x1x2048xi32, #tpu.memory_space<hbm>>
        %dma_start3A_424 = tpu.memref_squeeze %dma_start3A_423 : memref<1x1x2048xi32, #tpu.memory_space<hbm>> -> memref<2048xi32, #tpu.memory_space<hbm>>
        tpu.enqueue_dma source(%dma_start3A_424 : memref<2048xi32, #tpu.memory_space<hbm>>) target(%dma_start3A_421 : memref<2048xi32, #tpu.memory_space<vmem>>) target_semaphore(%arg23 : memref<!tpu.dma_semaphore, #tpu.memory_space<semaphore_mem>>)
        %dma_start3A_425 = arith.constant 3 : i32
        %dma_start3A_426 = arith.constant 6144 : i32
        %dma_start3A_427 = tpu.memref_slice %arg11[%dma_start3A_426] : memref<8192xi32, #tpu.memory_space<vmem>> -> memref<2048xi32, #tpu.memory_space<vmem>>
        %dma_start3A_428 = arith.constant 0 : i32
        %dma_start3A_429 = tpu.memref_slice %arg2[%dma_start3A_425, %add3A_391, %dma_start3A_428] : memref<4x128x2048xi32, #tpu.memory_space<hbm>> -> memref<1x1x2048xi32, #tpu.memory_space<hbm>>
        %dma_start3A_430 = tpu.memref_squeeze %dma_start3A_429 : memref<1x1x2048xi32, #tpu.memory_space<hbm>> -> memref<2048xi32, #tpu.memory_space<hbm>>
        %dma_start3A_431 = arith.constant 6144 : i32
        %dma_start3A_432 = tpu.memref_slice %arg11[%dma_start3A_431] : memref<8192xi32, #tpu.memory_space<vmem>> -> memref<2048xi32, #tpu.memory_space<vmem>>
        %dma_start3A_433 = arith.constant 0 : i32
        %dma_start3A_434 = tpu.memref_slice %arg2[%dma_start3A_425, %add3A_391, %dma_start3A_433] : memref<4x128x2048xi32, #tpu.memory_space<hbm>> -> memref<1x1x2048xi32, #tpu.memory_space<hbm>>
        %dma_start3A_435 = tpu.memref_squeeze %dma_start3A_434 : memref<1x1x2048xi32, #tpu.memory_space<hbm>> -> memref<2048xi32, #tpu.memory_space<hbm>>
        tpu.enqueue_dma source(%dma_start3A_435 : memref<2048xi32, #tpu.memory_space<hbm>>) target(%dma_start3A_432 : memref<2048xi32, #tpu.memory_space<vmem>>) target_semaphore(%arg23 : memref<!tpu.dma_semaphore, #tpu.memory_space<semaphore_mem>>)
        %dma_start3A_436 = arith.constant 0 : i32
        %dma_start3A_437 = arith.constant 0 : i32
        %dma_start3A_438 = tpu.memref_slice %arg13[%dma_start3A_436, %dma_start3A_437] : memref<2x1024xf32, #tpu.memory_space<vmem>> -> memref<1x1024xf32, #tpu.memory_space<vmem>>
        %dma_start3A_439 = tpu.memref_squeeze %dma_start3A_438 : memref<1x1024xf32, #tpu.memory_space<vmem>> -> memref<1024xf32, #tpu.memory_space<vmem>>
        %dma_start3A_440 = tpu.memref_slice %arg3[%add3A_391, %mul3A_2] : memref<128x32768xf32, #tpu.memory_space<hbm>> -> memref<1x1024xf32, #tpu.memory_space<hbm>>
        %dma_start3A_441 = tpu.memref_squeeze %dma_start3A_440 : memref<1x1024xf32, #tpu.memory_space<hbm>> -> memref<1024xf32, #tpu.memory_space<hbm>>
        %dma_start3A_442 = arith.constant 0 : i32
        %dma_start3A_443 = tpu.memref_slice %arg13[%dma_start3A_436, %dma_start3A_442] : memref<2x1024xf32, #tpu.memory_space<vmem>> -> memref<1x1024xf32, #tpu.memory_space<vmem>>
        %dma_start3A_444 = tpu.memref_squeeze %dma_start3A_443 : memref<1x1024xf32, #tpu.memory_space<vmem>> -> memref<1024xf32, #tpu.memory_space<vmem>>
        %dma_start3A_445 = tpu.memref_slice %arg3[%add3A_391, %mul3A_2] : memref<128x32768xf32, #tpu.memory_space<hbm>> -> memref<1x1024xf32, #tpu.memory_space<hbm>>
        %dma_start3A_446 = tpu.memref_squeeze %dma_start3A_445 : memref<1x1024xf32, #tpu.memory_space<hbm>> -> memref<1024xf32, #tpu.memory_space<hbm>>
        tpu.enqueue_dma source(%dma_start3A_446 : memref<1024xf32, #tpu.memory_space<hbm>>) target(%dma_start3A_444 : memref<1024xf32, #tpu.memory_space<vmem>>) target_semaphore(%arg25 : memref<!tpu.dma_semaphore, #tpu.memory_space<semaphore_mem>>)
        %dma_start3A_447 = arith.constant 0 : i32
        %dma_start3A_448 = arith.constant 0 : i32
        %dma_start3A_449 = tpu.memref_slice %arg14[%dma_start3A_447, %dma_start3A_448] : memref<2x1024xf32, #tpu.memory_space<vmem>> -> memref<1x1024xf32, #tpu.memory_space<vmem>>
        %dma_start3A_450 = tpu.memref_squeeze %dma_start3A_449 : memref<1x1024xf32, #tpu.memory_space<vmem>> -> memref<1024xf32, #tpu.memory_space<vmem>>
        %dma_start3A_451 = tpu.memref_slice %arg4[%add3A_391, %mul3A_2] : memref<128x32768xf32, #tpu.memory_space<hbm>> -> memref<1x1024xf32, #tpu.memory_space<hbm>>
        %dma_start3A_452 = tpu.memref_squeeze %dma_start3A_451 : memref<1x1024xf32, #tpu.memory_space<hbm>> -> memref<1024xf32, #tpu.memory_space<hbm>>
        %dma_start3A_453 = arith.constant 0 : i32
        %dma_start3A_454 = tpu.memref_slice %arg14[%dma_start3A_447, %dma_start3A_453] : memref<2x1024xf32, #tpu.memory_space<vmem>> -> memref<1x1024xf32, #tpu.memory_space<vmem>>
        %dma_start3A_455 = tpu.memref_squeeze %dma_start3A_454 : memref<1x1024xf32, #tpu.memory_space<vmem>> -> memref<1024xf32, #tpu.memory_space<vmem>>
        %dma_start3A_456 = tpu.memref_slice %arg4[%add3A_391, %mul3A_2] : memref<128x32768xf32, #tpu.memory_space<hbm>> -> memref<1x1024xf32, #tpu.memory_space<hbm>>
        %dma_start3A_457 = tpu.memref_squeeze %dma_start3A_456 : memref<1x1024xf32, #tpu.memory_space<hbm>> -> memref<1024xf32, #tpu.memory_space<hbm>>
        tpu.enqueue_dma source(%dma_start3A_457 : memref<1024xf32, #tpu.memory_space<hbm>>) target(%dma_start3A_455 : memref<1024xf32, #tpu.memory_space<vmem>>) target_semaphore(%arg25 : memref<!tpu.dma_semaphore, #tpu.memory_space<semaphore_mem>>)
        %dma_start3A_458 = arith.constant 0 : i32
        %dma_start3A_459 = arith.constant 0 : i32
        %dma_start3A_460 = tpu.memref_slice %arg15[%dma_start3A_458, %dma_start3A_459] : memref<2x1024xf32, #tpu.memory_space<vmem>> -> memref<1x1024xf32, #tpu.memory_space<vmem>>
        %dma_start3A_461 = tpu.memref_squeeze %dma_start3A_460 : memref<1x1024xf32, #tpu.memory_space<vmem>> -> memref<1024xf32, #tpu.memory_space<vmem>>
        %dma_start3A_462 = tpu.memref_slice %arg5[%add3A_391, %mul3A_2] : memref<128x32768xf32, #tpu.memory_space<hbm>> -> memref<1x1024xf32, #tpu.memory_space<hbm>>
        %dma_start3A_463 = tpu.memref_squeeze %dma_start3A_462 : memref<1x1024xf32, #tpu.memory_space<hbm>> -> memref<1024xf32, #tpu.memory_space<hbm>>
        %dma_start3A_464 = arith.constant 0 : i32
        %dma_start3A_465 = tpu.memref_slice %arg15[%dma_start3A_458, %dma_start3A_464] : memref<2x1024xf32, #tpu.memory_space<vmem>> -> memref<1x1024xf32, #tpu.memory_space<vmem>>
        %dma_start3A_466 = tpu.memref_squeeze %dma_start3A_465 : memref<1x1024xf32, #tpu.memory_space<vmem>> -> memref<1024xf32, #tpu.memory_space<vmem>>
        %dma_start3A_467 = tpu.memref_slice %arg5[%add3A_391, %mul3A_2] : memref<128x32768xf32, #tpu.memory_space<hbm>> -> memref<1x1024xf32, #tpu.memory_space<hbm>>
        %dma_start3A_468 = tpu.memref_squeeze %dma_start3A_467 : memref<1x1024xf32, #tpu.memory_space<hbm>> -> memref<1024xf32, #tpu.memory_space<hbm>>
        tpu.enqueue_dma source(%dma_start3A_468 : memref<1024xf32, #tpu.memory_space<hbm>>) target(%dma_start3A_466 : memref<1024xf32, #tpu.memory_space<vmem>>) target_semaphore(%arg25 : memref<!tpu.dma_semaphore, #tpu.memory_space<semaphore_mem>>)
      } else {
      }
      %add3A_284 = arith.constant 1 : i32
      %add3A_285 = arith.addi %mul3A_108, %add3A_284 : i32
      %dma_wait3A_286 = arith.constant 0 : i32
      %dma_wait3A_287 = arith.constant 0 : i32
      %dma_wait3A_288 = tpu.memref_slice %arg12[%dma_wait3A_287] : memref<8192xi32, #tpu.memory_space<vmem>> -> memref<2048xi32, #tpu.memory_space<vmem>>
      %dma_wait3A_289 = arith.constant 0 : i32
      %dma_wait3A_290 = tpu.memref_slice %arg2[%dma_wait3A_286, %add3A_285, %dma_wait3A_289] : memref<4x128x2048xi32, #tpu.memory_space<hbm>> -> memref<1x1x2048xi32, #tpu.memory_space<hbm>>
      %dma_wait3A_291 = tpu.memref_squeeze %dma_wait3A_290 : memref<1x1x2048xi32, #tpu.memory_space<hbm>> -> memref<2048xi32, #tpu.memory_space<hbm>>
      %dma_wait3A_292 = arith.constant 0 : i32
      %dma_wait3A_293 = tpu.memref_slice %arg12[%dma_wait3A_292] : memref<8192xi32, #tpu.memory_space<vmem>> -> memref<2048xi32, #tpu.memory_space<vmem>>
      %dma_wait3A_294 = arith.constant 0 : i32
      %dma_wait3A_295 = tpu.memref_slice %arg2[%dma_wait3A_286, %add3A_285, %dma_wait3A_294] : memref<4x128x2048xi32, #tpu.memory_space<hbm>> -> memref<1x1x2048xi32, #tpu.memory_space<hbm>>
      %dma_wait3A_296 = tpu.memref_squeeze %dma_wait3A_295 : memref<1x1x2048xi32, #tpu.memory_space<hbm>> -> memref<2048xi32, #tpu.memory_space<hbm>>
      tpu.wait_dma2 semaphore(%arg24 : memref<!tpu.dma_semaphore, #tpu.memory_space<semaphore_mem>>) src(%dma_wait3A_296 : memref<2048xi32, #tpu.memory_space<hbm>>) dst(%dma_wait3A_293 : memref<2048xi32, #tpu.memory_space<vmem>>)
      %dma_wait3A_297 = arith.constant 1 : i32
      %dma_wait3A_298 = arith.constant 2048 : i32
      %dma_wait3A_299 = tpu.memref_slice %arg12[%dma_wait3A_298] : memref<8192xi32, #tpu.memory_space<vmem>> -> memref<2048xi32, #tpu.memory_space<vmem>>
      %dma_wait3A_300 = arith.constant 0 : i32
      %dma_wait3A_301 = tpu.memref_slice %arg2[%dma_wait3A_297, %add3A_285, %dma_wait3A_300] : memref<4x128x2048xi32, #tpu.memory_space<hbm>> -> memref<1x1x2048xi32, #tpu.memory_space<hbm>>
      %dma_wait3A_302 = tpu.memref_squeeze %dma_wait3A_301 : memref<1x1x2048xi32, #tpu.memory_space<hbm>> -> memref<2048xi32, #tpu.memory_space<hbm>>
      %dma_wait3A_303 = arith.constant 2048 : i32
      %dma_wait3A_304 = tpu.memref_slice %arg12[%dma_wait3A_303] : memref<8192xi32, #tpu.memory_space<vmem>> -> memref<2048xi32, #tpu.memory_space<vmem>>
      %dma_wait3A_305 = arith.constant 0 : i32
      %dma_wait3A_306 = tpu.memref_slice %arg2[%dma_wait3A_297, %add3A_285, %dma_wait3A_305] : memref<4x128x2048xi32, #tpu.memory_space<hbm>> -> memref<1x1x2048xi32, #tpu.memory_space<hbm>>
      %dma_wait3A_307 = tpu.memref_squeeze %dma_wait3A_306 : memref<1x1x2048xi32, #tpu.memory_space<hbm>> -> memref<2048xi32, #tpu.memory_space<hbm>>
      tpu.wait_dma2 semaphore(%arg24 : memref<!tpu.dma_semaphore, #tpu.memory_space<semaphore_mem>>) src(%dma_wait3A_307 : memref<2048xi32, #tpu.memory_space<hbm>>) dst(%dma_wait3A_304 : memref<2048xi32, #tpu.memory_space<vmem>>)
      %dma_wait3A_308 = arith.constant 2 : i32
      %dma_wait3A_309 = arith.constant 4096 : i32
      %dma_wait3A_310 = tpu.memref_slice %arg12[%dma_wait3A_309] : memref<8192xi32, #tpu.memory_space<vmem>> -> memref<2048xi32, #tpu.memory_space<vmem>>
      %dma_wait3A_311 = arith.constant 0 : i32
      %dma_wait3A_312 = tpu.memref_slice %arg2[%dma_wait3A_308, %add3A_285, %dma_wait3A_311] : memref<4x128x2048xi32, #tpu.memory_space<hbm>> -> memref<1x1x2048xi32, #tpu.memory_space<hbm>>
      %dma_wait3A_313 = tpu.memref_squeeze %dma_wait3A_312 : memref<1x1x2048xi32, #tpu.memory_space<hbm>> -> memref<2048xi32, #tpu.memory_space<hbm>>
      %dma_wait3A_314 = arith.constant 4096 : i32
      %dma_wait3A_315 = tpu.memref_slice %arg12[%dma_wait3A_314] : memref<8192xi32, #tpu.memory_space<vmem>> -> memref<2048xi32, #tpu.memory_space<vmem>>
      %dma_wait3A_316 = arith.constant 0 : i32
      %dma_wait3A_317 = tpu.memref_slice %arg2[%dma_wait3A_308, %add3A_285, %dma_wait3A_316] : memref<4x128x2048xi32, #tpu.memory_space<hbm>> -> memref<1x1x2048xi32, #tpu.memory_space<hbm>>
      %dma_wait3A_318 = tpu.memref_squeeze %dma_wait3A_317 : memref<1x1x2048xi32, #tpu.memory_space<hbm>> -> memref<2048xi32, #tpu.memory_space<hbm>>
      tpu.wait_dma2 semaphore(%arg24 : memref<!tpu.dma_semaphore, #tpu.memory_space<semaphore_mem>>) src(%dma_wait3A_318 : memref<2048xi32, #tpu.memory_space<hbm>>) dst(%dma_wait3A_315 : memref<2048xi32, #tpu.memory_space<vmem>>)
      %dma_wait3A_319 = arith.constant 3 : i32
      %dma_wait3A_320 = arith.constant 6144 : i32
      %dma_wait3A_321 = tpu.memref_slice %arg12[%dma_wait3A_320] : memref<8192xi32, #tpu.memory_space<vmem>> -> memref<2048xi32, #tpu.memory_space<vmem>>
      %dma_wait3A_322 = arith.constant 0 : i32
      %dma_wait3A_323 = tpu.memref_slice %arg2[%dma_wait3A_319, %add3A_285, %dma_wait3A_322] : memref<4x128x2048xi32, #tpu.memory_space<hbm>> -> memref<1x1x2048xi32, #tpu.memory_space<hbm>>
      %dma_wait3A_324 = tpu.memref_squeeze %dma_wait3A_323 : memref<1x1x2048xi32, #tpu.memory_space<hbm>> -> memref<2048xi32, #tpu.memory_space<hbm>>
      %dma_wait3A_325 = arith.constant 6144 : i32
      %dma_wait3A_326 = tpu.memref_slice %arg12[%dma_wait3A_325] : memref<8192xi32, #tpu.memory_space<vmem>> -> memref<2048xi32, #tpu.memory_space<vmem>>
      %dma_wait3A_327 = arith.constant 0 : i32
      %dma_wait3A_328 = tpu.memref_slice %arg2[%dma_wait3A_319, %add3A_285, %dma_wait3A_327] : memref<4x128x2048xi32, #tpu.memory_space<hbm>> -> memref<1x1x2048xi32, #tpu.memory_space<hbm>>
      %dma_wait3A_329 = tpu.memref_squeeze %dma_wait3A_328 : memref<1x1x2048xi32, #tpu.memory_space<hbm>> -> memref<2048xi32, #tpu.memory_space<hbm>>
      tpu.wait_dma2 semaphore(%arg24 : memref<!tpu.dma_semaphore, #tpu.memory_space<semaphore_mem>>) src(%dma_wait3A_329 : memref<2048xi32, #tpu.memory_space<hbm>>) dst(%dma_wait3A_326 : memref<2048xi32, #tpu.memory_space<vmem>>)
      %dma_wait3A_330 = arith.constant 1 : i32
      %dma_wait3A_331 = arith.constant 0 : i32
      %dma_wait3A_332 = tpu.memref_slice %arg13[%dma_wait3A_330, %dma_wait3A_331] : memref<2x1024xf32, #tpu.memory_space<vmem>> -> memref<1x1024xf32, #tpu.memory_space<vmem>>
      %dma_wait3A_333 = tpu.memref_squeeze %dma_wait3A_332 : memref<1x1024xf32, #tpu.memory_space<vmem>> -> memref<1024xf32, #tpu.memory_space<vmem>>
      %dma_wait3A_334 = tpu.memref_slice %arg3[%add3A_285, %mul3A_2] : memref<128x32768xf32, #tpu.memory_space<hbm>> -> memref<1x1024xf32, #tpu.memory_space<hbm>>
      %dma_wait3A_335 = tpu.memref_squeeze %dma_wait3A_334 : memref<1x1024xf32, #tpu.memory_space<hbm>> -> memref<1024xf32, #tpu.memory_space<hbm>>
      %dma_wait3A_336 = arith.constant 0 : i32
      %dma_wait3A_337 = tpu.memref_slice %arg13[%dma_wait3A_330, %dma_wait3A_336] : memref<2x1024xf32, #tpu.memory_space<vmem>> -> memref<1x1024xf32, #tpu.memory_space<vmem>>
      %dma_wait3A_338 = tpu.memref_squeeze %dma_wait3A_337 : memref<1x1024xf32, #tpu.memory_space<vmem>> -> memref<1024xf32, #tpu.memory_space<vmem>>
      %dma_wait3A_339 = tpu.memref_slice %arg3[%add3A_285, %mul3A_2] : memref<128x32768xf32, #tpu.memory_space<hbm>> -> memref<1x1024xf32, #tpu.memory_space<hbm>>
      %dma_wait3A_340 = tpu.memref_squeeze %dma_wait3A_339 : memref<1x1024xf32, #tpu.memory_space<hbm>> -> memref<1024xf32, #tpu.memory_space<hbm>>
      tpu.wait_dma2 semaphore(%arg26 : memref<!tpu.dma_semaphore, #tpu.memory_space<semaphore_mem>>) src(%dma_wait3A_340 : memref<1024xf32, #tpu.memory_space<hbm>>) dst(%dma_wait3A_338 : memref<1024xf32, #tpu.memory_space<vmem>>)
      %dma_wait3A_341 = arith.constant 1 : i32
      %dma_wait3A_342 = arith.constant 0 : i32
      %dma_wait3A_343 = tpu.memref_slice %arg14[%dma_wait3A_341, %dma_wait3A_342] : memref<2x1024xf32, #tpu.memory_space<vmem>> -> memref<1x1024xf32, #tpu.memory_space<vmem>>
      %dma_wait3A_344 = tpu.memref_squeeze %dma_wait3A_343 : memref<1x1024xf32, #tpu.memory_space<vmem>> -> memref<1024xf32, #tpu.memory_space<vmem>>
      %dma_wait3A_345 = tpu.memref_slice %arg4[%add3A_285, %mul3A_2] : memref<128x32768xf32, #tpu.memory_space<hbm>> -> memref<1x1024xf32, #tpu.memory_space<hbm>>
      %dma_wait3A_346 = tpu.memref_squeeze %dma_wait3A_345 : memref<1x1024xf32, #tpu.memory_space<hbm>> -> memref<1024xf32, #tpu.memory_space<hbm>>
      %dma_wait3A_347 = arith.constant 0 : i32
      %dma_wait3A_348 = tpu.memref_slice %arg14[%dma_wait3A_341, %dma_wait3A_347] : memref<2x1024xf32, #tpu.memory_space<vmem>> -> memref<1x1024xf32, #tpu.memory_space<vmem>>
      %dma_wait3A_349 = tpu.memref_squeeze %dma_wait3A_348 : memref<1x1024xf32, #tpu.memory_space<vmem>> -> memref<1024xf32, #tpu.memory_space<vmem>>
      %dma_wait3A_350 = tpu.memref_slice %arg4[%add3A_285, %mul3A_2] : memref<128x32768xf32, #tpu.memory_space<hbm>> -> memref<1x1024xf32, #tpu.memory_space<hbm>>
      %dma_wait3A_351 = tpu.memref_squeeze %dma_wait3A_350 : memref<1x1024xf32, #tpu.memory_space<hbm>> -> memref<1024xf32, #tpu.memory_space<hbm>>
      tpu.wait_dma2 semaphore(%arg26 : memref<!tpu.dma_semaphore, #tpu.memory_space<semaphore_mem>>) src(%dma_wait3A_351 : memref<1024xf32, #tpu.memory_space<hbm>>) dst(%dma_wait3A_349 : memref<1024xf32, #tpu.memory_space<vmem>>)
      %dma_wait3A_352 = arith.constant 1 : i32
      %dma_wait3A_353 = arith.constant 0 : i32
      %dma_wait3A_354 = tpu.memref_slice %arg15[%dma_wait3A_352, %dma_wait3A_353] : memref<2x1024xf32, #tpu.memory_space<vmem>> -> memref<1x1024xf32, #tpu.memory_space<vmem>>
      %dma_wait3A_355 = tpu.memref_squeeze %dma_wait3A_354 : memref<1x1024xf32, #tpu.memory_space<vmem>> -> memref<1024xf32, #tpu.memory_space<vmem>>
      %dma_wait3A_356 = tpu.memref_slice %arg5[%add3A_285, %mul3A_2] : memref<128x32768xf32, #tpu.memory_space<hbm>> -> memref<1x1024xf32, #tpu.memory_space<hbm>>
      %dma_wait3A_357 = tpu.memref_squeeze %dma_wait3A_356 : memref<1x1024xf32, #tpu.memory_space<hbm>> -> memref<1024xf32, #tpu.memory_space<hbm>>
      %dma_wait3A_358 = arith.constant 0 : i32
      %dma_wait3A_359 = tpu.memref_slice %arg15[%dma_wait3A_352, %dma_wait3A_358] : memref<2x1024xf32, #tpu.memory_space<vmem>> -> memref<1x1024xf32, #tpu.memory_space<vmem>>
      %dma_wait3A_360 = tpu.memref_squeeze %dma_wait3A_359 : memref<1x1024xf32, #tpu.memory_space<vmem>> -> memref<1024xf32, #tpu.memory_space<vmem>>
      %dma_wait3A_361 = tpu.memref_slice %arg5[%add3A_285, %mul3A_2] : memref<128x32768xf32, #tpu.memory_space<hbm>> -> memref<1x1024xf32, #tpu.memory_space<hbm>>
      %dma_wait3A_362 = tpu.memref_squeeze %dma_wait3A_361 : memref<1x1024xf32, #tpu.memory_space<hbm>> -> memref<1024xf32, #tpu.memory_space<hbm>>
      tpu.wait_dma2 semaphore(%arg26 : memref<!tpu.dma_semaphore, #tpu.memory_space<semaphore_mem>>) src(%dma_wait3A_362 : memref<1024xf32, #tpu.memory_space<hbm>>) dst(%dma_wait3A_360 : memref<1024xf32, #tpu.memory_space<vmem>>)
      %add3A_363 = arith.constant 1 : i32
      %add3A_364 = arith.addi %mul3A_108, %add3A_363 : i32
      %shift_right_arithmetic3A_365 = arith.constant 4 : i32
      %shift_right_arithmetic3A_366 = arith.shrsi %add3A_364, %shift_right_arithmetic3A_365 : i32
      %shift_left3A_367 = arith.constant 4 : i32
      %shift_left3A_368 = arith.shli %shift_right_arithmetic3A_366, %shift_left3A_367 : i32
      %and3A_369 = arith.constant 15 : i32
      %and3A_370 = arith.andi %add3A_364, %and3A_369 : i32
      %get3A_371 = arith.index_cast %shift_left3A_368 : i32 to index
      %get3A_372 = tpu.vector_load %arg22[%get3A_371] {strides = array<i32>} : memref<128xi32, #tpu.memory_space<vmem>>, vector<16xi32>,
      %eq3A_373 = vector.broadcast %and3A_370 : i32 to vector<16xi32>
      %eq3A_374 = arith.cmpi eq, %iota3A, %eq3A_373 : vector<16xi32>
      %jit3A_375 = arith.constant 0 : i32
      %broadcast_in_dim3A_376 = vector.broadcast %jit3A_375 : i32 to vector<16xi32>
      %select_n3A_377 = arith.select %eq3A_374, %get3A_372, %broadcast_in_dim3A_376 : vector<16xi1>, vector<16xi32>
      %reduce_max3A_378 = arith.constant true
      %reduce_max3A_379 = vector.broadcast %reduce_max3A_378 : i1 to vector<16xi1>
      %reduce_max3A_380 = arith.constant -2147483648 : i32
      %reduce_max3A_381 = vector.broadcast %reduce_max3A_380 : i32 to vector<16xi32>
      %reduce_max3A_382 = arith.xori %select_n3A_377, %reduce_max3A_381 : vector<16xi32>
      %reduce_max3A_383 = tpu.scan <max>, %reduce_max3A_382 masked %reduce_max3A_379 : vector<16xi32>, vector<16xi1> -> vector<16xi32>
      %reduce_max3A_384 = arith.xori %reduce_max3A_383, %reduce_max3A_381 : vector<16xi32>
      %reduce_max3A_385 = vector.extract %reduce_max3A_384[15] : i32 from vector<16xi32>
      %mul3A_386 = arith.constant 4 : i32
      %mul3A_387 = arith.muli %reduce_max3A_385, %mul3A_386 : i32
      %parallel_loop3A_388 = arith.constant 64 : i32
      %parallel_loop3A_389 = arith.constant 1 : i32
      scf.for %parallel_loop3A_390 = %mul3A_387 to %parallel_loop3A_388 step %parallel_loop3A_389  : i32 {
        %parallel_loop3A_391 = arith.constant 16 : i32
        %parallel_loop3A_392 = arith.muli %parallel_loop3A_390, %parallel_loop3A_391 : i32
        %parallel_loop3A_393 = arith.constant 1 : i32
        %parallel_loop3A_394 = arith.index_cast %parallel_loop3A_393 : i32 to index
        %parallel_loop3A_395 = arith.index_cast %parallel_loop3A_392 : i32 to index
        %parallel_loop3A_396 = tpu.vector_load %arg14[%parallel_loop3A_394, %parallel_loop3A_395] {strides = array<i32>} : memref<2x1024xf32, #tpu.memory_space<vmem>>, vector<16xf32>,
        %parallel_loop3A_397 = arith.constant 1 : i32
        %parallel_loop3A_398 = arith.index_cast %parallel_loop3A_397 : i32 to index
        %parallel_loop3A_399 = arith.index_cast %parallel_loop3A_392 : i32 to index
        %parallel_loop3A_400 = tpu.vector_load %arg15[%parallel_loop3A_398, %parallel_loop3A_399] {strides = array<i32>} : memref<2x1024xf32, #tpu.memory_space<vmem>>, vector<16xf32>,
        %parallel_loop3A_401 = arith.constant 1 : i32
        %parallel_loop3A_402 = arith.index_cast %parallel_loop3A_401 : i32 to index
        %parallel_loop3A_403 = arith.index_cast %parallel_loop3A_392 : i32 to index
        %parallel_loop3A_404 = tpu.vector_load %arg13[%parallel_loop3A_402, %parallel_loop3A_403] {strides = array<i32>} : memref<2x1024xf32, #tpu.memory_space<vmem>>, vector<16xf32>,
        %parallel_loop3A_405 = arith.constant 0 : i32
        %parallel_loop3A_406 = arith.index_cast %parallel_loop3A_405 : i32 to index
        %parallel_loop3A_407 = arith.index_cast %parallel_loop3A_392 : i32 to index
        %parallel_loop3A_408 = tpu.vector_load %arg16[%parallel_loop3A_406, %parallel_loop3A_407] {strides = array<i32>} : memref<4x1024xf32, #tpu.memory_space<vmem>>, vector<16xf32>,
        %parallel_loop3A_409 = arith.addf %parallel_loop3A_408, %parallel_loop3A_404 : vector<16xf32>
        %parallel_loop3A_410 = arith.fptosi %parallel_loop3A_409 : vector<16xf32> to vector<16xi32>
        %parallel_loop3A_411 = arith.sitofp %parallel_loop3A_410 : vector<16xi32> to vector<16xf32>
        %parallel_loop3A_412 = arith.subf %parallel_loop3A_409, %parallel_loop3A_411 : vector<16xf32>
        %parallel_loop3A_413 = arith.constant 0 : i32
        %parallel_loop3A_414 = vector.broadcast %parallel_loop3A_413 : i32 to vector<16xi32>
        %parallel_loop3A_415 = arith.addi %parallel_loop3A_410, %parallel_loop3A_414 : vector<16xi32>
        %parallel_loop3A_416 = tpu.vector_load_idx %arg12[%parallel_loop3A_415] : memref<8192xi32, #tpu.memory_space<vmem>>[vector<16xi32>], vector<16xi32>,
        %parallel_loop3A_417 = arith.constant 1 : i32
        %parallel_loop3A_418 = vector.broadcast %parallel_loop3A_417 : i32 to vector<16xi32>
        %parallel_loop3A_419 = arith.addi %parallel_loop3A_415, %parallel_loop3A_418 : vector<16xi32>
        %parallel_loop3A_420 = tpu.vector_load_idx %arg12[%parallel_loop3A_419] : memref<8192xi32, #tpu.memory_space<vmem>>[vector<16xi32>], vector<16xi32>,
        %parallel_loop3A_421 = arith.constant 16 : i32
        %parallel_loop3A_422 = vector.broadcast %parallel_loop3A_421 : i32 to vector<16xi32>
        %parallel_loop3A_423 = arith.shli %parallel_loop3A_416, %parallel_loop3A_422 : vector<16xi32>
        %parallel_loop3A_424 = vector.bitcast %parallel_loop3A_423 : vector<16xi32> to vector<16xf32>
        %parallel_loop3A_425 = arith.andi %parallel_loop3A_416, %broadcast_in_dim3A_10 : vector<16xi32>
        %parallel_loop3A_426 = vector.bitcast %parallel_loop3A_425 : vector<16xi32> to vector<16xf32>
        %parallel_loop3A_427 = arith.constant 16 : i32
        %parallel_loop3A_428 = vector.broadcast %parallel_loop3A_427 : i32 to vector<16xi32>
        %parallel_loop3A_429 = arith.shli %parallel_loop3A_420, %parallel_loop3A_428 : vector<16xi32>
        %parallel_loop3A_430 = vector.bitcast %parallel_loop3A_429 : vector<16xi32> to vector<16xf32>
        %parallel_loop3A_431 = arith.andi %parallel_loop3A_420, %broadcast_in_dim3A_10 : vector<16xi32>
        %parallel_loop3A_432 = vector.bitcast %parallel_loop3A_431 : vector<16xi32> to vector<16xf32>
        %parallel_loop3A_433 = arith.subf %parallel_loop3A_430, %parallel_loop3A_424 : vector<16xf32>
        %parallel_loop3A_434 = arith.mulf %parallel_loop3A_412, %parallel_loop3A_433 : vector<16xf32>
        %parallel_loop3A_435 = arith.addf %parallel_loop3A_424, %parallel_loop3A_434 : vector<16xf32>
        %parallel_loop3A_436 = arith.subf %parallel_loop3A_432, %parallel_loop3A_426 : vector<16xf32>
        %parallel_loop3A_437 = arith.mulf %parallel_loop3A_412, %parallel_loop3A_436 : vector<16xf32>
        %parallel_loop3A_438 = arith.addf %parallel_loop3A_426, %parallel_loop3A_437 : vector<16xf32>
        %parallel_loop3A_439 = arith.constant 0 : i32
        %parallel_loop3A_440 = arith.index_cast %parallel_loop3A_439 : i32 to index
        %parallel_loop3A_441 = arith.index_cast %parallel_loop3A_392 : i32 to index
        %parallel_loop3A_442 = tpu.vector_load %arg19[%parallel_loop3A_440, %parallel_loop3A_441] {strides = array<i32>} : memref<4x1024xf32, #tpu.memory_space<vmem>>, vector<16xf32>,
        %parallel_loop3A_443 = arith.mulf %parallel_loop3A_435, %parallel_loop3A_396 : vector<16xf32>
        %parallel_loop3A_444 = arith.mulf %parallel_loop3A_438, %parallel_loop3A_400 : vector<16xf32>
        %parallel_loop3A_445 = arith.subf %parallel_loop3A_443, %parallel_loop3A_444 : vector<16xf32>
        %parallel_loop3A_446 = arith.addf %parallel_loop3A_442, %parallel_loop3A_445 : vector<16xf32>
        %parallel_loop3A_447 = arith.constant 0 : i32
        %parallel_loop3A_448 = arith.index_cast %parallel_loop3A_447 : i32 to index
        %parallel_loop3A_449 = arith.index_cast %parallel_loop3A_392 : i32 to index
        %parallel_loop3A_450 = tpu.vector_load %arg19[%parallel_loop3A_448, %parallel_loop3A_449] {strides = array<i32>} : memref<4x1024xf32, #tpu.memory_space<vmem>>, vector<16xf32>,
        tpu.vector_store %arg19[%parallel_loop3A_448, %parallel_loop3A_449], %parallel_loop3A_446 {strides = array<i32>} : memref<4x1024xf32, #tpu.memory_space<vmem>>, vector<16xf32>,
        %parallel_loop3A_451 = arith.constant 0 : i32
        %parallel_loop3A_452 = arith.index_cast %parallel_loop3A_451 : i32 to index
        %parallel_loop3A_453 = arith.index_cast %parallel_loop3A_392 : i32 to index
        %parallel_loop3A_454 = tpu.vector_load %arg20[%parallel_loop3A_452, %parallel_loop3A_453] {strides = array<i32>} : memref<4x1024xf32, #tpu.memory_space<vmem>>, vector<16xf32>,
        %parallel_loop3A_455 = arith.mulf %parallel_loop3A_438, %parallel_loop3A_396 : vector<16xf32>
        %parallel_loop3A_456 = arith.mulf %parallel_loop3A_435, %parallel_loop3A_400 : vector<16xf32>
        %parallel_loop3A_457 = arith.addf %parallel_loop3A_455, %parallel_loop3A_456 : vector<16xf32>
        %parallel_loop3A_458 = arith.addf %parallel_loop3A_454, %parallel_loop3A_457 : vector<16xf32>
        %parallel_loop3A_459 = arith.constant 0 : i32
        %parallel_loop3A_460 = arith.index_cast %parallel_loop3A_459 : i32 to index
        %parallel_loop3A_461 = arith.index_cast %parallel_loop3A_392 : i32 to index
        %parallel_loop3A_462 = tpu.vector_load %arg20[%parallel_loop3A_460, %parallel_loop3A_461] {strides = array<i32>} : memref<4x1024xf32, #tpu.memory_space<vmem>>, vector<16xf32>,
        tpu.vector_store %arg20[%parallel_loop3A_460, %parallel_loop3A_461], %parallel_loop3A_458 {strides = array<i32>} : memref<4x1024xf32, #tpu.memory_space<vmem>>, vector<16xf32>,
        %parallel_loop3A_463 = arith.constant 1 : i32
        %parallel_loop3A_464 = arith.index_cast %parallel_loop3A_463 : i32 to index
        %parallel_loop3A_465 = arith.index_cast %parallel_loop3A_392 : i32 to index
        %parallel_loop3A_466 = tpu.vector_load %arg16[%parallel_loop3A_464, %parallel_loop3A_465] {strides = array<i32>} : memref<4x1024xf32, #tpu.memory_space<vmem>>, vector<16xf32>,
        %parallel_loop3A_467 = arith.addf %parallel_loop3A_466, %parallel_loop3A_404 : vector<16xf32>
        %parallel_loop3A_468 = arith.fptosi %parallel_loop3A_467 : vector<16xf32> to vector<16xi32>
        %parallel_loop3A_469 = arith.sitofp %parallel_loop3A_468 : vector<16xi32> to vector<16xf32>
        %parallel_loop3A_470 = arith.subf %parallel_loop3A_467, %parallel_loop3A_469 : vector<16xf32>
        %parallel_loop3A_471 = arith.constant 2048 : i32
        %parallel_loop3A_472 = vector.broadcast %parallel_loop3A_471 : i32 to vector<16xi32>
        %parallel_loop3A_473 = arith.addi %parallel_loop3A_468, %parallel_loop3A_472 : vector<16xi32>
        %parallel_loop3A_474 = tpu.vector_load_idx %arg12[%parallel_loop3A_473] : memref<8192xi32, #tpu.memory_space<vmem>>[vector<16xi32>], vector<16xi32>,
        %parallel_loop3A_475 = arith.constant 1 : i32
        %parallel_loop3A_476 = vector.broadcast %parallel_loop3A_475 : i32 to vector<16xi32>
        %parallel_loop3A_477 = arith.addi %parallel_loop3A_473, %parallel_loop3A_476 : vector<16xi32>
        %parallel_loop3A_478 = tpu.vector_load_idx %arg12[%parallel_loop3A_477] : memref<8192xi32, #tpu.memory_space<vmem>>[vector<16xi32>], vector<16xi32>,
        %parallel_loop3A_479 = arith.constant 16 : i32
        %parallel_loop3A_480 = vector.broadcast %parallel_loop3A_479 : i32 to vector<16xi32>
        %parallel_loop3A_481 = arith.shli %parallel_loop3A_474, %parallel_loop3A_480 : vector<16xi32>
        %parallel_loop3A_482 = vector.bitcast %parallel_loop3A_481 : vector<16xi32> to vector<16xf32>
        %parallel_loop3A_483 = arith.andi %parallel_loop3A_474, %broadcast_in_dim3A_10 : vector<16xi32>
        %parallel_loop3A_484 = vector.bitcast %parallel_loop3A_483 : vector<16xi32> to vector<16xf32>
        %parallel_loop3A_485 = arith.constant 16 : i32
        %parallel_loop3A_486 = vector.broadcast %parallel_loop3A_485 : i32 to vector<16xi32>
        %parallel_loop3A_487 = arith.shli %parallel_loop3A_478, %parallel_loop3A_486 : vector<16xi32>
        %parallel_loop3A_488 = vector.bitcast %parallel_loop3A_487 : vector<16xi32> to vector<16xf32>
        %parallel_loop3A_489 = arith.andi %parallel_loop3A_478, %broadcast_in_dim3A_10 : vector<16xi32>
        %parallel_loop3A_490 = vector.bitcast %parallel_loop3A_489 : vector<16xi32> to vector<16xf32>
        %parallel_loop3A_491 = arith.subf %parallel_loop3A_488, %parallel_loop3A_482 : vector<16xf32>
        %parallel_loop3A_492 = arith.mulf %parallel_loop3A_470, %parallel_loop3A_491 : vector<16xf32>
        %parallel_loop3A_493 = arith.addf %parallel_loop3A_482, %parallel_loop3A_492 : vector<16xf32>
        %parallel_loop3A_494 = arith.subf %parallel_loop3A_490, %parallel_loop3A_484 : vector<16xf32>
        %parallel_loop3A_495 = arith.mulf %parallel_loop3A_470, %parallel_loop3A_494 : vector<16xf32>
        %parallel_loop3A_496 = arith.addf %parallel_loop3A_484, %parallel_loop3A_495 : vector<16xf32>
        %parallel_loop3A_497 = arith.constant 1 : i32
        %parallel_loop3A_498 = arith.index_cast %parallel_loop3A_497 : i32 to index
        %parallel_loop3A_499 = arith.index_cast %parallel_loop3A_392 : i32 to index
        %parallel_loop3A_500 = tpu.vector_load %arg19[%parallel_loop3A_498, %parallel_loop3A_499] {strides = array<i32>} : memref<4x1024xf32, #tpu.memory_space<vmem>>, vector<16xf32>,
        %parallel_loop3A_501 = arith.mulf %parallel_loop3A_493, %parallel_loop3A_396 : vector<16xf32>
        %parallel_loop3A_502 = arith.mulf %parallel_loop3A_496, %parallel_loop3A_400 : vector<16xf32>
        %parallel_loop3A_503 = arith.subf %parallel_loop3A_501, %parallel_loop3A_502 : vector<16xf32>
        %parallel_loop3A_504 = arith.addf %parallel_loop3A_500, %parallel_loop3A_503 : vector<16xf32>
        %parallel_loop3A_505 = arith.constant 1 : i32
        %parallel_loop3A_506 = arith.index_cast %parallel_loop3A_505 : i32 to index
        %parallel_loop3A_507 = arith.index_cast %parallel_loop3A_392 : i32 to index
        %parallel_loop3A_508 = tpu.vector_load %arg19[%parallel_loop3A_506, %parallel_loop3A_507] {strides = array<i32>} : memref<4x1024xf32, #tpu.memory_space<vmem>>, vector<16xf32>,
        tpu.vector_store %arg19[%parallel_loop3A_506, %parallel_loop3A_507], %parallel_loop3A_504 {strides = array<i32>} : memref<4x1024xf32, #tpu.memory_space<vmem>>, vector<16xf32>,
        %parallel_loop3A_509 = arith.constant 1 : i32
        %parallel_loop3A_510 = arith.index_cast %parallel_loop3A_509 : i32 to index
        %parallel_loop3A_511 = arith.index_cast %parallel_loop3A_392 : i32 to index
        %parallel_loop3A_512 = tpu.vector_load %arg20[%parallel_loop3A_510, %parallel_loop3A_511] {strides = array<i32>} : memref<4x1024xf32, #tpu.memory_space<vmem>>, vector<16xf32>,
        %parallel_loop3A_513 = arith.mulf %parallel_loop3A_496, %parallel_loop3A_396 : vector<16xf32>
        %parallel_loop3A_514 = arith.mulf %parallel_loop3A_493, %parallel_loop3A_400 : vector<16xf32>
        %parallel_loop3A_515 = arith.addf %parallel_loop3A_513, %parallel_loop3A_514 : vector<16xf32>
        %parallel_loop3A_516 = arith.addf %parallel_loop3A_512, %parallel_loop3A_515 : vector<16xf32>
        %parallel_loop3A_517 = arith.constant 1 : i32
        %parallel_loop3A_518 = arith.index_cast %parallel_loop3A_517 : i32 to index
        %parallel_loop3A_519 = arith.index_cast %parallel_loop3A_392 : i32 to index
        %parallel_loop3A_520 = tpu.vector_load %arg20[%parallel_loop3A_518, %parallel_loop3A_519] {strides = array<i32>} : memref<4x1024xf32, #tpu.memory_space<vmem>>, vector<16xf32>,
        tpu.vector_store %arg20[%parallel_loop3A_518, %parallel_loop3A_519], %parallel_loop3A_516 {strides = array<i32>} : memref<4x1024xf32, #tpu.memory_space<vmem>>, vector<16xf32>,
        %parallel_loop3A_521 = arith.constant 2 : i32
        %parallel_loop3A_522 = arith.index_cast %parallel_loop3A_521 : i32 to index
        %parallel_loop3A_523 = arith.index_cast %parallel_loop3A_392 : i32 to index
        %parallel_loop3A_524 = tpu.vector_load %arg16[%parallel_loop3A_522, %parallel_loop3A_523] {strides = array<i32>} : memref<4x1024xf32, #tpu.memory_space<vmem>>, vector<16xf32>,
        %parallel_loop3A_525 = arith.addf %parallel_loop3A_524, %parallel_loop3A_404 : vector<16xf32>
        %parallel_loop3A_526 = arith.fptosi %parallel_loop3A_525 : vector<16xf32> to vector<16xi32>
        %parallel_loop3A_527 = arith.sitofp %parallel_loop3A_526 : vector<16xi32> to vector<16xf32>
        %parallel_loop3A_528 = arith.subf %parallel_loop3A_525, %parallel_loop3A_527 : vector<16xf32>
        %parallel_loop3A_529 = arith.constant 4096 : i32
        %parallel_loop3A_530 = vector.broadcast %parallel_loop3A_529 : i32 to vector<16xi32>
        %parallel_loop3A_531 = arith.addi %parallel_loop3A_526, %parallel_loop3A_530 : vector<16xi32>
        %parallel_loop3A_532 = tpu.vector_load_idx %arg12[%parallel_loop3A_531] : memref<8192xi32, #tpu.memory_space<vmem>>[vector<16xi32>], vector<16xi32>,
        %parallel_loop3A_533 = arith.constant 1 : i32
        %parallel_loop3A_534 = vector.broadcast %parallel_loop3A_533 : i32 to vector<16xi32>
        %parallel_loop3A_535 = arith.addi %parallel_loop3A_531, %parallel_loop3A_534 : vector<16xi32>
        %parallel_loop3A_536 = tpu.vector_load_idx %arg12[%parallel_loop3A_535] : memref<8192xi32, #tpu.memory_space<vmem>>[vector<16xi32>], vector<16xi32>,
        %parallel_loop3A_537 = arith.constant 16 : i32
        %parallel_loop3A_538 = vector.broadcast %parallel_loop3A_537 : i32 to vector<16xi32>
        %parallel_loop3A_539 = arith.shli %parallel_loop3A_532, %parallel_loop3A_538 : vector<16xi32>
        %parallel_loop3A_540 = vector.bitcast %parallel_loop3A_539 : vector<16xi32> to vector<16xf32>
        %parallel_loop3A_541 = arith.andi %parallel_loop3A_532, %broadcast_in_dim3A_10 : vector<16xi32>
        %parallel_loop3A_542 = vector.bitcast %parallel_loop3A_541 : vector<16xi32> to vector<16xf32>
        %parallel_loop3A_543 = arith.constant 16 : i32
        %parallel_loop3A_544 = vector.broadcast %parallel_loop3A_543 : i32 to vector<16xi32>
        %parallel_loop3A_545 = arith.shli %parallel_loop3A_536, %parallel_loop3A_544 : vector<16xi32>
        %parallel_loop3A_546 = vector.bitcast %parallel_loop3A_545 : vector<16xi32> to vector<16xf32>
        %parallel_loop3A_547 = arith.andi %parallel_loop3A_536, %broadcast_in_dim3A_10 : vector<16xi32>
        %parallel_loop3A_548 = vector.bitcast %parallel_loop3A_547 : vector<16xi32> to vector<16xf32>
        %parallel_loop3A_549 = arith.subf %parallel_loop3A_546, %parallel_loop3A_540 : vector<16xf32>
        %parallel_loop3A_550 = arith.mulf %parallel_loop3A_528, %parallel_loop3A_549 : vector<16xf32>
        %parallel_loop3A_551 = arith.addf %parallel_loop3A_540, %parallel_loop3A_550 : vector<16xf32>
        %parallel_loop3A_552 = arith.subf %parallel_loop3A_548, %parallel_loop3A_542 : vector<16xf32>
        %parallel_loop3A_553 = arith.mulf %parallel_loop3A_528, %parallel_loop3A_552 : vector<16xf32>
        %parallel_loop3A_554 = arith.addf %parallel_loop3A_542, %parallel_loop3A_553 : vector<16xf32>
        %parallel_loop3A_555 = arith.constant 2 : i32
        %parallel_loop3A_556 = arith.index_cast %parallel_loop3A_555 : i32 to index
        %parallel_loop3A_557 = arith.index_cast %parallel_loop3A_392 : i32 to index
        %parallel_loop3A_558 = tpu.vector_load %arg19[%parallel_loop3A_556, %parallel_loop3A_557] {strides = array<i32>} : memref<4x1024xf32, #tpu.memory_space<vmem>>, vector<16xf32>,
        %parallel_loop3A_559 = arith.mulf %parallel_loop3A_551, %parallel_loop3A_396 : vector<16xf32>
        %parallel_loop3A_560 = arith.mulf %parallel_loop3A_554, %parallel_loop3A_400 : vector<16xf32>
        %parallel_loop3A_561 = arith.subf %parallel_loop3A_559, %parallel_loop3A_560 : vector<16xf32>
        %parallel_loop3A_562 = arith.addf %parallel_loop3A_558, %parallel_loop3A_561 : vector<16xf32>
        %parallel_loop3A_563 = arith.constant 2 : i32
        %parallel_loop3A_564 = arith.index_cast %parallel_loop3A_563 : i32 to index
        %parallel_loop3A_565 = arith.index_cast %parallel_loop3A_392 : i32 to index
        %parallel_loop3A_566 = tpu.vector_load %arg19[%parallel_loop3A_564, %parallel_loop3A_565] {strides = array<i32>} : memref<4x1024xf32, #tpu.memory_space<vmem>>, vector<16xf32>,
        tpu.vector_store %arg19[%parallel_loop3A_564, %parallel_loop3A_565], %parallel_loop3A_562 {strides = array<i32>} : memref<4x1024xf32, #tpu.memory_space<vmem>>, vector<16xf32>,
        %parallel_loop3A_567 = arith.constant 2 : i32
        %parallel_loop3A_568 = arith.index_cast %parallel_loop3A_567 : i32 to index
        %parallel_loop3A_569 = arith.index_cast %parallel_loop3A_392 : i32 to index
        %parallel_loop3A_570 = tpu.vector_load %arg20[%parallel_loop3A_568, %parallel_loop3A_569] {strides = array<i32>} : memref<4x1024xf32, #tpu.memory_space<vmem>>, vector<16xf32>,
        %parallel_loop3A_571 = arith.mulf %parallel_loop3A_554, %parallel_loop3A_396 : vector<16xf32>
        %parallel_loop3A_572 = arith.mulf %parallel_loop3A_551, %parallel_loop3A_400 : vector<16xf32>
        %parallel_loop3A_573 = arith.addf %parallel_loop3A_571, %parallel_loop3A_572 : vector<16xf32>
        %parallel_loop3A_574 = arith.addf %parallel_loop3A_570, %parallel_loop3A_573 : vector<16xf32>
        %parallel_loop3A_575 = arith.constant 2 : i32
        %parallel_loop3A_576 = arith.index_cast %parallel_loop3A_575 : i32 to index
        %parallel_loop3A_577 = arith.index_cast %parallel_loop3A_392 : i32 to index
        %parallel_loop3A_578 = tpu.vector_load %arg20[%parallel_loop3A_576, %parallel_loop3A_577] {strides = array<i32>} : memref<4x1024xf32, #tpu.memory_space<vmem>>, vector<16xf32>,
        tpu.vector_store %arg20[%parallel_loop3A_576, %parallel_loop3A_577], %parallel_loop3A_574 {strides = array<i32>} : memref<4x1024xf32, #tpu.memory_space<vmem>>, vector<16xf32>,
        %parallel_loop3A_579 = arith.constant 3 : i32
        %parallel_loop3A_580 = arith.index_cast %parallel_loop3A_579 : i32 to index
        %parallel_loop3A_581 = arith.index_cast %parallel_loop3A_392 : i32 to index
        %parallel_loop3A_582 = tpu.vector_load %arg16[%parallel_loop3A_580, %parallel_loop3A_581] {strides = array<i32>} : memref<4x1024xf32, #tpu.memory_space<vmem>>, vector<16xf32>,
        %parallel_loop3A_583 = arith.addf %parallel_loop3A_582, %parallel_loop3A_404 : vector<16xf32>
        %parallel_loop3A_584 = arith.fptosi %parallel_loop3A_583 : vector<16xf32> to vector<16xi32>
        %parallel_loop3A_585 = arith.sitofp %parallel_loop3A_584 : vector<16xi32> to vector<16xf32>
        %parallel_loop3A_586 = arith.subf %parallel_loop3A_583, %parallel_loop3A_585 : vector<16xf32>
        %parallel_loop3A_587 = arith.constant 6144 : i32
        %parallel_loop3A_588 = vector.broadcast %parallel_loop3A_587 : i32 to vector<16xi32>
        %parallel_loop3A_589 = arith.addi %parallel_loop3A_584, %parallel_loop3A_588 : vector<16xi32>
        %parallel_loop3A_590 = tpu.vector_load_idx %arg12[%parallel_loop3A_589] : memref<8192xi32, #tpu.memory_space<vmem>>[vector<16xi32>], vector<16xi32>,
        %parallel_loop3A_591 = arith.constant 1 : i32
        %parallel_loop3A_592 = vector.broadcast %parallel_loop3A_591 : i32 to vector<16xi32>
        %parallel_loop3A_593 = arith.addi %parallel_loop3A_589, %parallel_loop3A_592 : vector<16xi32>
        %parallel_loop3A_594 = tpu.vector_load_idx %arg12[%parallel_loop3A_593] : memref<8192xi32, #tpu.memory_space<vmem>>[vector<16xi32>], vector<16xi32>,
        %parallel_loop3A_595 = arith.constant 16 : i32
        %parallel_loop3A_596 = vector.broadcast %parallel_loop3A_595 : i32 to vector<16xi32>
        %parallel_loop3A_597 = arith.shli %parallel_loop3A_590, %parallel_loop3A_596 : vector<16xi32>
        %parallel_loop3A_598 = vector.bitcast %parallel_loop3A_597 : vector<16xi32> to vector<16xf32>
        %parallel_loop3A_599 = arith.andi %parallel_loop3A_590, %broadcast_in_dim3A_10 : vector<16xi32>
        %parallel_loop3A_600 = vector.bitcast %parallel_loop3A_599 : vector<16xi32> to vector<16xf32>
        %parallel_loop3A_601 = arith.constant 16 : i32
        %parallel_loop3A_602 = vector.broadcast %parallel_loop3A_601 : i32 to vector<16xi32>
        %parallel_loop3A_603 = arith.shli %parallel_loop3A_594, %parallel_loop3A_602 : vector<16xi32>
        %parallel_loop3A_604 = vector.bitcast %parallel_loop3A_603 : vector<16xi32> to vector<16xf32>
        %parallel_loop3A_605 = arith.andi %parallel_loop3A_594, %broadcast_in_dim3A_10 : vector<16xi32>
        %parallel_loop3A_606 = vector.bitcast %parallel_loop3A_605 : vector<16xi32> to vector<16xf32>
        %parallel_loop3A_607 = arith.subf %parallel_loop3A_604, %parallel_loop3A_598 : vector<16xf32>
        %parallel_loop3A_608 = arith.mulf %parallel_loop3A_586, %parallel_loop3A_607 : vector<16xf32>
        %parallel_loop3A_609 = arith.addf %parallel_loop3A_598, %parallel_loop3A_608 : vector<16xf32>
        %parallel_loop3A_610 = arith.subf %parallel_loop3A_606, %parallel_loop3A_600 : vector<16xf32>
        %parallel_loop3A_611 = arith.mulf %parallel_loop3A_586, %parallel_loop3A_610 : vector<16xf32>
        %parallel_loop3A_612 = arith.addf %parallel_loop3A_600, %parallel_loop3A_611 : vector<16xf32>
        %parallel_loop3A_613 = arith.constant 3 : i32
        %parallel_loop3A_614 = arith.index_cast %parallel_loop3A_613 : i32 to index
        %parallel_loop3A_615 = arith.index_cast %parallel_loop3A_392 : i32 to index
        %parallel_loop3A_616 = tpu.vector_load %arg19[%parallel_loop3A_614, %parallel_loop3A_615] {strides = array<i32>} : memref<4x1024xf32, #tpu.memory_space<vmem>>, vector<16xf32>,
        %parallel_loop3A_617 = arith.mulf %parallel_loop3A_609, %parallel_loop3A_396 : vector<16xf32>
        %parallel_loop3A_618 = arith.mulf %parallel_loop3A_612, %parallel_loop3A_400 : vector<16xf32>
        %parallel_loop3A_619 = arith.subf %parallel_loop3A_617, %parallel_loop3A_618 : vector<16xf32>
        %parallel_loop3A_620 = arith.addf %parallel_loop3A_616, %parallel_loop3A_619 : vector<16xf32>
        %parallel_loop3A_621 = arith.constant 3 : i32
        %parallel_loop3A_622 = arith.index_cast %parallel_loop3A_621 : i32 to index
        %parallel_loop3A_623 = arith.index_cast %parallel_loop3A_392 : i32 to index
        %parallel_loop3A_624 = tpu.vector_load %arg19[%parallel_loop3A_622, %parallel_loop3A_623] {strides = array<i32>} : memref<4x1024xf32, #tpu.memory_space<vmem>>, vector<16xf32>,
        tpu.vector_store %arg19[%parallel_loop3A_622, %parallel_loop3A_623], %parallel_loop3A_620 {strides = array<i32>} : memref<4x1024xf32, #tpu.memory_space<vmem>>, vector<16xf32>,
        %parallel_loop3A_625 = arith.constant 3 : i32
        %parallel_loop3A_626 = arith.index_cast %parallel_loop3A_625 : i32 to index
        %parallel_loop3A_627 = arith.index_cast %parallel_loop3A_392 : i32 to index
        %parallel_loop3A_628 = tpu.vector_load %arg20[%parallel_loop3A_626, %parallel_loop3A_627] {strides = array<i32>} : memref<4x1024xf32, #tpu.memory_space<vmem>>, vector<16xf32>,
        %parallel_loop3A_629 = arith.mulf %parallel_loop3A_612, %parallel_loop3A_396 : vector<16xf32>
        %parallel_loop3A_630 = arith.mulf %parallel_loop3A_609, %parallel_loop3A_400 : vector<16xf32>
        %parallel_loop3A_631 = arith.addf %parallel_loop3A_629, %parallel_loop3A_630 : vector<16xf32>
        %parallel_loop3A_632 = arith.addf %parallel_loop3A_628, %parallel_loop3A_631 : vector<16xf32>
        %parallel_loop3A_633 = arith.constant 3 : i32
        %parallel_loop3A_634 = arith.index_cast %parallel_loop3A_633 : i32 to index
        %parallel_loop3A_635 = arith.index_cast %parallel_loop3A_392 : i32 to index
        %parallel_loop3A_636 = tpu.vector_load %arg20[%parallel_loop3A_634, %parallel_loop3A_635] {strides = array<i32>} : memref<4x1024xf32, #tpu.memory_space<vmem>>, vector<16xf32>,
        tpu.vector_store %arg20[%parallel_loop3A_634, %parallel_loop3A_635], %parallel_loop3A_632 {strides = array<i32>} : memref<4x1024xf32, #tpu.memory_space<vmem>>, vector<16xf32>,
      } {sc.loop_unroll_factor = 2 : i64, sc.parallel_access}
    }
    %scan3A_99 = arith.constant 64 : i32
    %scan3A_100 = arith.constant 0 : i32
    %scan3A_101 = arith.constant 0 : i32
    %scan3A_102 = arith.constant 64 : i32
    %scan3A_103 = arith.addi %scan3A_101, %scan3A_102 : i32
    %scan3A_104 = arith.constant 1 : i32
    scf.for %scan3A_106 = %scan3A_101 to %scan3A_103 step %scan3A_104  : i32 {
      %mul3A_107 = arith.constant 16 : i32
      %mul3A_108 = arith.muli %scan3A_106, %mul3A_107 : i32
      %broadcast_in_dim3A_109 = arith.constant 0.000000e+00 : f32
      %broadcast_in_dim3A_110 = vector.broadcast %broadcast_in_dim3A_109 : f32 to vector<16xf32>
      %broadcast_in_dim3A_111 = arith.constant 0.000000e+00 : f32
      %broadcast_in_dim3A_112 = vector.broadcast %broadcast_in_dim3A_111 : f32 to vector<16xf32>
      %get3A = arith.constant 0 : i32
      %get3A_113 = arith.index_cast %get3A : i32 to index
      %get3A_114 = arith.index_cast %mul3A_108 : i32 to index
      %get3A_115 = tpu.vector_load %arg19[%get3A_113, %get3A_114] {strides = array<i32>} : memref<4x1024xf32, #tpu.memory_space<vmem>>, vector<16xf32>,
      %get3A_116 = arith.constant 0 : i32
      %get3A_117 = arith.index_cast %get3A_116 : i32 to index
      %get3A_118 = arith.index_cast %mul3A_108 : i32 to index
      %get3A_119 = tpu.vector_load %arg20[%get3A_117, %get3A_118] {strides = array<i32>} : memref<4x1024xf32, #tpu.memory_space<vmem>>, vector<16xf32>,
      %get3A_120 = arith.constant 0 : i32
      %get3A_121 = arith.index_cast %get3A_120 : i32 to index
      %get3A_122 = arith.index_cast %mul3A_108 : i32 to index
      %get3A_123 = tpu.vector_load %arg17[%get3A_121, %get3A_122] {strides = array<i32>} : memref<4x1024xf32, #tpu.memory_space<vmem>>, vector<16xf32>,
      %get3A_124 = arith.constant 0 : i32
      %get3A_125 = arith.index_cast %get3A_124 : i32 to index
      %get3A_126 = arith.index_cast %mul3A_108 : i32 to index
      %get3A_127 = tpu.vector_load %arg18[%get3A_125, %get3A_126] {strides = array<i32>} : memref<4x1024xf32, #tpu.memory_space<vmem>>, vector<16xf32>,
      %mul3A_128 = arith.mulf %get3A_115, %get3A_123 : vector<16xf32>
      %mul3A_129 = arith.mulf %get3A_119, %get3A_127 : vector<16xf32>
      %sub3A = arith.subf %mul3A_128, %mul3A_129 : vector<16xf32>
      %add3A_130 = arith.addf %broadcast_in_dim3A_110, %sub3A : vector<16xf32>
      %mul3A_131 = arith.mulf %get3A_119, %get3A_123 : vector<16xf32>
      %mul3A_132 = arith.mulf %get3A_115, %get3A_127 : vector<16xf32>
      %add3A_133 = arith.addf %mul3A_131, %mul3A_132 : vector<16xf32>
      %add3A_134 = arith.addf %broadcast_in_dim3A_112, %add3A_133 : vector<16xf32>
      %get3A_135 = arith.constant 1 : i32
      %get3A_136 = arith.index_cast %get3A_135 : i32 to index
      %get3A_137 = arith.index_cast %mul3A_108 : i32 to index
      %get3A_138 = tpu.vector_load %arg19[%get3A_136, %get3A_137] {strides = array<i32>} : memref<4x1024xf32, #tpu.memory_space<vmem>>, vector<16xf32>,
      %get3A_139 = arith.constant 1 : i32
      %get3A_140 = arith.index_cast %get3A_139 : i32 to index
      %get3A_141 = arith.index_cast %mul3A_108 : i32 to index
      %get3A_142 = tpu.vector_load %arg20[%get3A_140, %get3A_141] {strides = array<i32>} : memref<4x1024xf32, #tpu.memory_space<vmem>>, vector<16xf32>,
      %get3A_143 = arith.constant 1 : i32
      %get3A_144 = arith.index_cast %get3A_143 : i32 to index
      %get3A_145 = arith.index_cast %mul3A_108 : i32 to index
      %get3A_146 = tpu.vector_load %arg17[%get3A_144, %get3A_145] {strides = array<i32>} : memref<4x1024xf32, #tpu.memory_space<vmem>>, vector<16xf32>,
      %get3A_147 = arith.constant 1 : i32
      %get3A_148 = arith.index_cast %get3A_147 : i32 to index
      %get3A_149 = arith.index_cast %mul3A_108 : i32 to index
      %get3A_150 = tpu.vector_load %arg18[%get3A_148, %get3A_149] {strides = array<i32>} : memref<4x1024xf32, #tpu.memory_space<vmem>>, vector<16xf32>,
      %mul3A_151 = arith.mulf %get3A_138, %get3A_146 : vector<16xf32>
      %mul3A_152 = arith.mulf %get3A_142, %get3A_150 : vector<16xf32>
      %sub3A_153 = arith.subf %mul3A_151, %mul3A_152 : vector<16xf32>
      %add3A_154 = arith.addf %add3A_130, %sub3A_153 : vector<16xf32>
      %mul3A_155 = arith.mulf %get3A_142, %get3A_146 : vector<16xf32>
      %mul3A_156 = arith.mulf %get3A_138, %get3A_150 : vector<16xf32>
      %add3A_157 = arith.addf %mul3A_155, %mul3A_156 : vector<16xf32>
      %add3A_158 = arith.addf %add3A_134, %add3A_157 : vector<16xf32>
      %get3A_159 = arith.constant 2 : i32
      %get3A_160 = arith.index_cast %get3A_159 : i32 to index
      %get3A_161 = arith.index_cast %mul3A_108 : i32 to index
      %get3A_162 = tpu.vector_load %arg19[%get3A_160, %get3A_161] {strides = array<i32>} : memref<4x1024xf32, #tpu.memory_space<vmem>>, vector<16xf32>,
      %get3A_163 = arith.constant 2 : i32
      %get3A_164 = arith.index_cast %get3A_163 : i32 to index
      %get3A_165 = arith.index_cast %mul3A_108 : i32 to index
      %get3A_166 = tpu.vector_load %arg20[%get3A_164, %get3A_165] {strides = array<i32>} : memref<4x1024xf32, #tpu.memory_space<vmem>>, vector<16xf32>,
      %get3A_167 = arith.constant 2 : i32
      %get3A_168 = arith.index_cast %get3A_167 : i32 to index
      %get3A_169 = arith.index_cast %mul3A_108 : i32 to index
      %get3A_170 = tpu.vector_load %arg17[%get3A_168, %get3A_169] {strides = array<i32>} : memref<4x1024xf32, #tpu.memory_space<vmem>>, vector<16xf32>,
      %get3A_171 = arith.constant 2 : i32
      %get3A_172 = arith.index_cast %get3A_171 : i32 to index
      %get3A_173 = arith.index_cast %mul3A_108 : i32 to index
      %get3A_174 = tpu.vector_load %arg18[%get3A_172, %get3A_173] {strides = array<i32>} : memref<4x1024xf32, #tpu.memory_space<vmem>>, vector<16xf32>,
      %mul3A_175 = arith.mulf %get3A_162, %get3A_170 : vector<16xf32>
      %mul3A_176 = arith.mulf %get3A_166, %get3A_174 : vector<16xf32>
      %sub3A_177 = arith.subf %mul3A_175, %mul3A_176 : vector<16xf32>
      %add3A_178 = arith.addf %add3A_154, %sub3A_177 : vector<16xf32>
      %mul3A_179 = arith.mulf %get3A_166, %get3A_170 : vector<16xf32>
      %mul3A_180 = arith.mulf %get3A_162, %get3A_174 : vector<16xf32>
      %add3A_181 = arith.addf %mul3A_179, %mul3A_180 : vector<16xf32>
      %add3A_182 = arith.addf %add3A_158, %add3A_181 : vector<16xf32>
      %get3A_183 = arith.constant 3 : i32
      %get3A_184 = arith.index_cast %get3A_183 : i32 to index
      %get3A_185 = arith.index_cast %mul3A_108 : i32 to index
      %get3A_186 = tpu.vector_load %arg19[%get3A_184, %get3A_185] {strides = array<i32>} : memref<4x1024xf32, #tpu.memory_space<vmem>>, vector<16xf32>,
      %get3A_187 = arith.constant 3 : i32
      %get3A_188 = arith.index_cast %get3A_187 : i32 to index
      %get3A_189 = arith.index_cast %mul3A_108 : i32 to index
      %get3A_190 = tpu.vector_load %arg20[%get3A_188, %get3A_189] {strides = array<i32>} : memref<4x1024xf32, #tpu.memory_space<vmem>>, vector<16xf32>,
      %get3A_191 = arith.constant 3 : i32
      %get3A_192 = arith.index_cast %get3A_191 : i32 to index
      %get3A_193 = arith.index_cast %mul3A_108 : i32 to index
      %get3A_194 = tpu.vector_load %arg17[%get3A_192, %get3A_193] {strides = array<i32>} : memref<4x1024xf32, #tpu.memory_space<vmem>>, vector<16xf32>,
      %get3A_195 = arith.constant 3 : i32
      %get3A_196 = arith.index_cast %get3A_195 : i32 to index
      %get3A_197 = arith.index_cast %mul3A_108 : i32 to index
      %get3A_198 = tpu.vector_load %arg18[%get3A_196, %get3A_197] {strides = array<i32>} : memref<4x1024xf32, #tpu.memory_space<vmem>>, vector<16xf32>,
      %mul3A_199 = arith.mulf %get3A_186, %get3A_194 : vector<16xf32>
      %mul3A_200 = arith.mulf %get3A_190, %get3A_198 : vector<16xf32>
      %sub3A_201 = arith.subf %mul3A_199, %mul3A_200 : vector<16xf32>
      %add3A_202 = arith.addf %add3A_178, %sub3A_201 : vector<16xf32>
      %mul3A_203 = arith.mulf %get3A_190, %get3A_194 : vector<16xf32>
      %mul3A_204 = arith.mulf %get3A_186, %get3A_198 : vector<16xf32>
      %add3A_205 = arith.addf %mul3A_203, %mul3A_204 : vector<16xf32>
      %add3A_206 = arith.addf %add3A_182, %add3A_205 : vector<16xf32>
      %swap3A = arith.constant 0 : i32
      %swap3A_207 = arith.index_cast %swap3A : i32 to index
      %swap3A_208 = arith.index_cast %mul3A_108 : i32 to index
      %swap3A_209 = tpu.vector_load %arg21[%swap3A_207, %swap3A_208] {strides = array<i32>} : memref<2x1024xf32, #tpu.memory_space<vmem>>, vector<16xf32>,
      tpu.vector_store %arg21[%swap3A_207, %swap3A_208], %add3A_202 {strides = array<i32>} : memref<2x1024xf32, #tpu.memory_space<vmem>>, vector<16xf32>,
      %swap3A_210 = arith.constant 1 : i32
      %swap3A_211 = arith.index_cast %swap3A_210 : i32 to index
      %swap3A_212 = arith.index_cast %mul3A_108 : i32 to index
      %swap3A_213 = tpu.vector_load %arg21[%swap3A_211, %swap3A_212] {strides = array<i32>} : memref<2x1024xf32, #tpu.memory_space<vmem>>, vector<16xf32>,
      tpu.vector_store %arg21[%swap3A_211, %swap3A_212], %add3A_206 {strides = array<i32>} : memref<2x1024xf32, #tpu.memory_space<vmem>>, vector<16xf32>,
    }
    %scan3A_105 = arith.constant 64 : i32
    "tpu.region"() ({
      %run_scoped3A = tpu.sem_alloc : memref<!tpu.dma_semaphore, #tpu.memory_space<semaphore_mem>>
      %dma_start3A_106 = arith.constant 0 : i32
      %dma_start3A_107 = tpu.memref_slice %arg10[%dma_start3A_106, %mul3A_2] : memref<2x32768xf32, #tpu.memory_space<hbm>> -> memref<2x1024xf32, #tpu.memory_space<hbm>>
      %dma_start3A_108 = arith.constant 0 : i32
      %dma_start3A_109 = tpu.memref_slice %arg10[%dma_start3A_108, %mul3A_2] : memref<2x32768xf32, #tpu.memory_space<hbm>> -> memref<2x1024xf32, #tpu.memory_space<hbm>>
      tpu.enqueue_dma source(%arg21 : memref<2x1024xf32, #tpu.memory_space<vmem>>) target(%dma_start3A_109 : memref<2x1024xf32, #tpu.memory_space<hbm>>) target_semaphore(%run_scoped3A : memref<!tpu.dma_semaphore, #tpu.memory_space<semaphore_mem>>)
      %dma_wait3A = arith.constant 0 : i32
      %dma_wait3A_110 = tpu.memref_slice %arg10[%dma_wait3A, %mul3A_2] : memref<2x32768xf32, #tpu.memory_space<hbm>> -> memref<2x1024xf32, #tpu.memory_space<hbm>>
      %dma_wait3A_111 = arith.constant 0 : i32
      %dma_wait3A_112 = tpu.memref_slice %arg10[%dma_wait3A_111, %mul3A_2] : memref<2x32768xf32, #tpu.memory_space<hbm>> -> memref<2x1024xf32, #tpu.memory_space<hbm>>
      tpu.wait_dma2 semaphore(%run_scoped3A : memref<!tpu.dma_semaphore, #tpu.memory_space<semaphore_mem>>) src(%arg21 : memref<2x1024xf32, #tpu.memory_space<vmem>>) dst(%dma_wait3A_112 : memref<2x1024xf32, #tpu.memory_space<hbm>>)
      tpu.yield
    }) : () -> ()
    return
  }
}

module attributes {stable_mosaic.version = 14 : i64} {
  func.func @_pre_body(%arg0: i32, %arg1: memref<1x1x2048xf32, #tpu.memory_space<vmem>>, %arg2: memref<1x1x2048xf32, #tpu.memory_space<vmem>>, %arg3: memref<1x1x2048xf32, #tpu.memory_space<vmem>>, %arg4: memref<3x128xf32, #tpu.memory_space<vmem>>, %arg5: memref<4x128xf32, #tpu.memory_space<vmem>>, %arg6: memref<4x128xf32, #tpu.memory_space<vmem>>, %arg7: memref<128x2048xf32, #tpu.memory_space<vmem>>, %arg8: memref<128x2048xf32, #tpu.memory_space<vmem>>, %arg9: memref<128x2048xf32, #tpu.memory_space<vmem>>, %arg10: memref<4x2048xf32, #tpu.memory_space<vmem>>, %arg11: memref<4x2048xf32, #tpu.memory_space<vmem>>, %arg12: memref<4x2048xf32, #tpu.memory_space<vmem>>) attributes {dimension_semantics = [#tpu.dimension_semantics<arbitrary>], iteration_bounds = array<i64: 16>, scalar_prefetch = 0 : i64, scratch_operands = 0 : i64, tpu.core_type = #tpu.core_type<tc>, window_params = [{transform_indices = @transform_0, window_bounds = array<i64: 1, 1, 2048>}, {transform_indices = @transform_1, window_bounds = array<i64: 1, 1, 2048>}, {transform_indices = @transform_2, window_bounds = array<i64: 1, 1, 2048>}, {pipeline_mode = #tpu.pipeline_mode<synchronous>, transform_indices = @transform_3, window_bounds = array<i64: 3, 128>}, {pipeline_mode = #tpu.pipeline_mode<synchronous>, transform_indices = @transform_4, window_bounds = array<i64: 4, 128>}, {pipeline_mode = #tpu.pipeline_mode<synchronous>, transform_indices = @transform_5, window_bounds = array<i64: 4, 128>}, {transform_indices = @transform_6, window_bounds = array<i64: 128, 2048>}, {transform_indices = @transform_7, window_bounds = array<i64: 128, 2048>}, {transform_indices = @transform_8, window_bounds = array<i64: 128, 2048>}, {transform_indices = @transform_9, window_bounds = array<i64: 4, 2048>}, {transform_indices = @transform_10, window_bounds = array<i64: 4, 2048>}, {transform_indices = @transform_11, window_bounds = array<i64: 4, 2048>}]} {
    %get3A = arith.constant 0 : index
    %get3A_0 = arith.constant 0 : index
    %get3A_1 = arith.constant 0 : index
    %get3A_2 = vector.load %arg1[%get3A, %get3A_0, %get3A_1] : memref<1x1x2048xf32, #tpu.memory_space<vmem>>, vector<1x1x2048xf32>
    %get3A_3 = vector.shape_cast %get3A_2 : vector<1x1x2048xf32> to vector<2048xf32>
    %get3A_4 = arith.constant 0 : index
    %get3A_5 = arith.constant 0 : index
    %get3A_6 = arith.constant 0 : index
    %get3A_7 = vector.load %arg3[%get3A_4, %get3A_5, %get3A_6] : memref<1x1x2048xf32, #tpu.memory_space<vmem>>, vector<1x1x2048xf32>
    %get3A_8 = vector.shape_cast %get3A_7 : vector<1x1x2048xf32> to vector<2048xf32>
    %get3A_9 = arith.constant 0 : index
    %get3A_10 = arith.constant 0 : index
    %get3A_11 = vector.load %arg4[%get3A_9, %get3A_10] : memref<3x128xf32, #tpu.memory_space<vmem>>, vector<1x128xf32>
    %get3A_12 = vector.shape_cast %get3A_11 : vector<1x128xf32> to vector<128xf32>
    %broadcast_in_dim3A = vector.shape_cast %get3A_12 : vector<128xf32> to vector<128x1xf32>
    %broadcast_in_dim3A_13 = vector.shape_cast %get3A_3 : vector<2048xf32> to vector<1x2048xf32>
    %sub3A = vector.broadcast %broadcast_in_dim3A_13 : vector<1x2048xf32> to vector<128x2048xf32>
    %sub3A_14 = vector.broadcast %broadcast_in_dim3A : vector<128x1xf32> to vector<128x2048xf32>
    %sub3A_15 = arith.subf %sub3A, %sub3A_14 : vector<128x2048xf32>
    %mul3A = arith.mulf %sub3A_15, %sub3A_15 : vector<128x2048xf32>
    %mul3A_16 = arith.mulf %get3A_8, %get3A_8 : vector<2048xf32>
    %broadcast_in_dim3A_17 = vector.shape_cast %mul3A_16 : vector<2048xf32> to vector<1x2048xf32>
    %add3A = vector.broadcast %broadcast_in_dim3A_17 : vector<1x2048xf32> to vector<128x2048xf32>
    %add3A_18 = arith.addf %mul3A, %add3A : vector<128x2048xf32>
    %sqrt3A = math.sqrt %add3A_18 : vector<128x2048xf32>
    %mul3A_19 = arith.constant 16233.7666 : f32
    %mul3A_20 = vector.broadcast %mul3A_19 : f32 to vector<128x2048xf32>
    %mul3A_21 = arith.mulf %sqrt3A, %mul3A_20 : vector<128x2048xf32>
    %swap3A = arith.constant 0 : index
    %swap3A_22 = arith.constant 0 : index
    %swap3A_23 = vector.load %arg7[%swap3A, %swap3A_22] : memref<128x2048xf32, #tpu.memory_space<vmem>>, vector<128x2048xf32>
    tpu.vector_store %arg7[%swap3A, %swap3A_22], %mul3A_21 {strides = array<i32>} : memref<128x2048xf32, #tpu.memory_space<vmem>>, vector<128x2048xf32>,
    %abs3A = math.absf %sub3A_15 : vector<128x2048xf32>
    %broadcast_in_dim3A_24 = vector.shape_cast %get3A_8 : vector<2048xf32> to vector<1x2048xf32>
    %mul3A_25 = arith.constant 5.000000e-01 : f32
    %mul3A_26 = vector.broadcast %mul3A_25 : f32 to vector<1x2048xf32>
    %mul3A_27 = arith.mulf %broadcast_in_dim3A_24, %mul3A_26 : vector<1x2048xf32>
    %le3A = vector.broadcast %mul3A_27 : vector<1x2048xf32> to vector<128x2048xf32>
    %le3A_28 = arith.cmpf ole, %abs3A, %le3A : vector<128x2048xf32>
    %convert_element_type3A = arith.extui %le3A_28 : vector<128x2048xi1> to vector<128x2048xi32>
    %convert_element_type3A_29 = arith.sitofp %convert_element_type3A : vector<128x2048xi32> to vector<128x2048xf32>
    %add3A_30 = arith.constant 5.000000e-01 : f32
    %add3A_31 = vector.broadcast %add3A_30 : f32 to vector<128x2048xf32>
    %add3A_32 = arith.addf %mul3A_21, %add3A_31 : vector<128x2048xf32>
    %floor3A = math.floor %add3A_32 : vector<128x2048xf32>
    %sub3A_33 = arith.subf %mul3A_21, %floor3A : vector<128x2048xf32>
    %mul3A_34 = arith.constant 1.57079637 : f32
    %mul3A_35 = vector.broadcast %mul3A_34 : f32 to vector<128x2048xf32>
    %mul3A_36 = arith.mulf %sub3A_33, %mul3A_35 : vector<128x2048xf32>
    %mul3A_37 = arith.mulf %mul3A_36, %mul3A_36 : vector<128x2048xf32>
    %mul3A_38 = arith.constant -0.00138888892 : f32
    %mul3A_39 = vector.broadcast %mul3A_38 : f32 to vector<128x2048xf32>
    %mul3A_40 = arith.mulf %mul3A_37, %mul3A_39 : vector<128x2048xf32>
    %add3A_41 = arith.constant 0.0416666679 : f32
    %add3A_42 = vector.broadcast %add3A_41 : f32 to vector<128x2048xf32>
    %add3A_43 = arith.addf %add3A_42, %mul3A_40 : vector<128x2048xf32>
    %mul3A_44 = arith.mulf %mul3A_37, %add3A_43 : vector<128x2048xf32>
    %add3A_45 = arith.constant -5.000000e-01 : f32
    %add3A_46 = vector.broadcast %add3A_45 : f32 to vector<128x2048xf32>
    %add3A_47 = arith.addf %add3A_46, %mul3A_44 : vector<128x2048xf32>
    %mul3A_48 = arith.mulf %mul3A_37, %add3A_47 : vector<128x2048xf32>
    %add3A_49 = arith.constant 1.000000e+00 : f32
    %add3A_50 = vector.broadcast %add3A_49 : f32 to vector<128x2048xf32>
    %add3A_51 = arith.addf %add3A_50, %mul3A_48 : vector<128x2048xf32>
    %mul3A_52 = arith.constant 1.98412701E-4 : f32
    %mul3A_53 = vector.broadcast %mul3A_52 : f32 to vector<128x2048xf32>
    %mul3A_54 = arith.mulf %mul3A_37, %mul3A_53 : vector<128x2048xf32>
    %sub3A_55 = arith.constant 0.00833333377 : f32
    %sub3A_56 = vector.broadcast %sub3A_55 : f32 to vector<128x2048xf32>
    %sub3A_57 = arith.subf %sub3A_56, %mul3A_54 : vector<128x2048xf32>
    %mul3A_58 = arith.mulf %mul3A_37, %sub3A_57 : vector<128x2048xf32>
    %add3A_59 = arith.constant -0.166666672 : f32
    %add3A_60 = vector.broadcast %add3A_59 : f32 to vector<128x2048xf32>
    %add3A_61 = arith.addf %add3A_60, %mul3A_58 : vector<128x2048xf32>
    %mul3A_62 = arith.mulf %mul3A_37, %add3A_61 : vector<128x2048xf32>
    %add3A_63 = arith.constant 1.000000e+00 : f32
    %add3A_64 = vector.broadcast %add3A_63 : f32 to vector<128x2048xf32>
    %add3A_65 = arith.addf %add3A_64, %mul3A_62 : vector<128x2048xf32>
    %mul3A_66 = arith.mulf %mul3A_36, %add3A_65 : vector<128x2048xf32>
    %convert_element_type3A_67 = arith.fptosi %floor3A : vector<128x2048xf32> to vector<128x2048xi32>
    %and3A = arith.constant 1 : i32
    %and3A_68 = vector.broadcast %and3A : i32 to vector<128x2048xi32>
    %and3A_69 = arith.andi %convert_element_type3A_67, %and3A_68 : vector<128x2048xi32>
    %ne3A = arith.constant 0 : i32
    %ne3A_70 = vector.broadcast %ne3A : i32 to vector<128x2048xi32>
    %ne3A_71 = arith.cmpi ne, %and3A_69, %ne3A_70 : vector<128x2048xi32>
    %add3A_72 = arith.constant 1 : i32
    %add3A_73 = vector.broadcast %add3A_72 : i32 to vector<128x2048xi32>
    %add3A_74 = arith.addi %convert_element_type3A_67, %add3A_73 : vector<128x2048xi32>
    %and3A_75 = arith.constant 2 : i32
    %and3A_76 = vector.broadcast %and3A_75 : i32 to vector<128x2048xi32>
    %and3A_77 = arith.andi %add3A_74, %and3A_76 : vector<128x2048xi32>
    %ne3A_78 = arith.constant 0 : i32
    %ne3A_79 = vector.broadcast %ne3A_78 : i32 to vector<128x2048xi32>
    %ne3A_80 = arith.cmpi ne, %and3A_77, %ne3A_79 : vector<128x2048xi32>
    %and3A_81 = arith.constant 2 : i32
    %and3A_82 = vector.broadcast %and3A_81 : i32 to vector<128x2048xi32>
    %and3A_83 = arith.andi %convert_element_type3A_67, %and3A_82 : vector<128x2048xi32>
    %ne3A_84 = arith.constant 0 : i32
    %ne3A_85 = vector.broadcast %ne3A_84 : i32 to vector<128x2048xi32>
    %ne3A_86 = arith.cmpi ne, %and3A_83, %ne3A_85 : vector<128x2048xi32>
    %select_n3A = arith.select %ne3A_71, %mul3A_66, %add3A_51 : vector<128x2048xi1>, vector<128x2048xf32>
    %select_n3A_87 = arith.select %ne3A_71, %add3A_51, %mul3A_66 : vector<128x2048xi1>, vector<128x2048xf32>
    %neg3A = arith.constant 0.000000e+00 : f32
    %neg3A_88 = vector.broadcast %neg3A : f32 to vector<128x2048xf32>
    %neg3A_89 = arith.subf %neg3A_88, %select_n3A : vector<128x2048xf32>
    %select_n3A_90 = arith.select %ne3A_80, %neg3A_89, %select_n3A : vector<128x2048xi1>, vector<128x2048xf32>
    %neg3A_91 = arith.constant 0.000000e+00 : f32
    %neg3A_92 = vector.broadcast %neg3A_91 : f32 to vector<128x2048xf32>
    %neg3A_93 = arith.subf %neg3A_92, %select_n3A_87 : vector<128x2048xf32>
    %select_n3A_94 = arith.select %ne3A_86, %neg3A_93, %select_n3A_87 : vector<128x2048xi1>, vector<128x2048xf32>
    %mul3A_95 = arith.mulf %select_n3A_90, %convert_element_type3A_29 : vector<128x2048xf32>
    %swap3A_96 = arith.constant 0 : index
    %swap3A_97 = arith.constant 0 : index
    %swap3A_98 = vector.load %arg8[%swap3A_96, %swap3A_97] : memref<128x2048xf32, #tpu.memory_space<vmem>>, vector<128x2048xf32>
    tpu.vector_store %arg8[%swap3A_96, %swap3A_97], %mul3A_95 {strides = array<i32>} : memref<128x2048xf32, #tpu.memory_space<vmem>>, vector<128x2048xf32>,
    %mul3A_99 = arith.mulf %select_n3A_94, %convert_element_type3A_29 : vector<128x2048xf32>
    %swap3A_100 = arith.constant 0 : index
    %swap3A_101 = arith.constant 0 : index
    %swap3A_102 = vector.load %arg9[%swap3A_100, %swap3A_101] : memref<128x2048xf32, #tpu.memory_space<vmem>>, vector<128x2048xf32>
    tpu.vector_store %arg9[%swap3A_100, %swap3A_101], %mul3A_99 {strides = array<i32>} : memref<128x2048xf32, #tpu.memory_space<vmem>>, vector<128x2048xf32>,
    %get3A_103 = arith.constant 0 : index
    %get3A_104 = arith.constant 0 : index
    %get3A_105 = vector.load %arg5[%get3A_103, %get3A_104] : memref<4x128xf32, #tpu.memory_space<vmem>>, vector<4x128xf32>
    %get3A_106 = arith.constant 0 : index
    %get3A_107 = arith.constant 0 : index
    %get3A_108 = vector.load %arg6[%get3A_106, %get3A_107] : memref<4x128xf32, #tpu.memory_space<vmem>>, vector<4x1xf32>
    %get3A_109 = vector.shape_cast %get3A_108 : vector<4x1xf32> to vector<4xf32>
    %broadcast_in_dim3A_110 = vector.shape_cast %get3A_109 : vector<4xf32> to vector<4x1xf32>
    %slice3A = vector.extract_strided_slice %get3A_105 {offsets = [0, 0], sizes = [1, 128], strides = [1, 1]} : vector<4x128xf32> to vector<1x128xf32>
    %squeeze3A = vector.shape_cast %slice3A : vector<1x128xf32> to vector<128xf32>
    %broadcast_in_dim3A_111 = vector.shape_cast %squeeze3A : vector<128xf32> to vector<128x1xf32>
    %add3A_112 = vector.broadcast %broadcast_in_dim3A_111 : vector<128x1xf32> to vector<128x2048xf32>
    %add3A_113 = arith.addf %add3A_112, %sqrt3A : vector<128x2048xf32>
    %slice3A_114 = vector.extract_strided_slice %add3A_113 {offsets = [0, 0], sizes = [64, 2048], strides = [1, 1]} : vector<128x2048xf32> to vector<64x2048xf32>
    %slice3A_115 = vector.extract_strided_slice %add3A_113 {offsets = [64, 0], sizes = [64, 2048], strides = [1, 1]} : vector<128x2048xf32> to vector<64x2048xf32>
    %min3A = arith.minimumf %slice3A_114, %slice3A_115 : vector<64x2048xf32>
    %slice3A_116 = vector.extract_strided_slice %min3A {offsets = [0, 0], sizes = [32, 2048], strides = [1, 1]} : vector<64x2048xf32> to vector<32x2048xf32>
    %slice3A_117 = vector.extract_strided_slice %min3A {offsets = [32, 0], sizes = [32, 2048], strides = [1, 1]} : vector<64x2048xf32> to vector<32x2048xf32>
    %min3A_118 = arith.minimumf %slice3A_116, %slice3A_117 : vector<32x2048xf32>
    %slice3A_119 = vector.extract_strided_slice %min3A_118 {offsets = [0, 0], sizes = [16, 2048], strides = [1, 1]} : vector<32x2048xf32> to vector<16x2048xf32>
    %slice3A_120 = vector.extract_strided_slice %min3A_118 {offsets = [16, 0], sizes = [16, 2048], strides = [1, 1]} : vector<32x2048xf32> to vector<16x2048xf32>
    %min3A_121 = arith.minimumf %slice3A_119, %slice3A_120 : vector<16x2048xf32>
    %slice3A_122 = vector.extract_strided_slice %min3A_121 {offsets = [0, 0], sizes = [8, 2048], strides = [1, 1]} : vector<16x2048xf32> to vector<8x2048xf32>
    %slice3A_123 = vector.extract_strided_slice %min3A_121 {offsets = [8, 0], sizes = [8, 2048], strides = [1, 1]} : vector<16x2048xf32> to vector<8x2048xf32>
    %min3A_124 = arith.minimumf %slice3A_122, %slice3A_123 : vector<8x2048xf32>
    %reduce_min3A = arith.constant dense<0x7F800000> : vector<2048xf32>
    %reduce_min3A_125 = vector.multi_reduction <minimumf>, %min3A_124, %reduce_min3A [0] : vector<8x2048xf32> to vector<2048xf32>
    %slice3A_126 = vector.extract_strided_slice %get3A_105 {offsets = [1, 0], sizes = [1, 128], strides = [1, 1]} : vector<4x128xf32> to vector<1x128xf32>
    %squeeze3A_127 = vector.shape_cast %slice3A_126 : vector<1x128xf32> to vector<128xf32>
    %broadcast_in_dim3A_128 = vector.shape_cast %squeeze3A_127 : vector<128xf32> to vector<128x1xf32>
    %add3A_129 = vector.broadcast %broadcast_in_dim3A_128 : vector<128x1xf32> to vector<128x2048xf32>
    %add3A_130 = arith.addf %add3A_129, %sqrt3A : vector<128x2048xf32>
    %slice3A_131 = vector.extract_strided_slice %add3A_130 {offsets = [0, 0], sizes = [64, 2048], strides = [1, 1]} : vector<128x2048xf32> to vector<64x2048xf32>
    %slice3A_132 = vector.extract_strided_slice %add3A_130 {offsets = [64, 0], sizes = [64, 2048], strides = [1, 1]} : vector<128x2048xf32> to vector<64x2048xf32>
    %min3A_133 = arith.minimumf %slice3A_131, %slice3A_132 : vector<64x2048xf32>
    %slice3A_134 = vector.extract_strided_slice %min3A_133 {offsets = [0, 0], sizes = [32, 2048], strides = [1, 1]} : vector<64x2048xf32> to vector<32x2048xf32>
    %slice3A_135 = vector.extract_strided_slice %min3A_133 {offsets = [32, 0], sizes = [32, 2048], strides = [1, 1]} : vector<64x2048xf32> to vector<32x2048xf32>
    %min3A_136 = arith.minimumf %slice3A_134, %slice3A_135 : vector<32x2048xf32>
    %slice3A_137 = vector.extract_strided_slice %min3A_136 {offsets = [0, 0], sizes = [16, 2048], strides = [1, 1]} : vector<32x2048xf32> to vector<16x2048xf32>
    %slice3A_138 = vector.extract_strided_slice %min3A_136 {offsets = [16, 0], sizes = [16, 2048], strides = [1, 1]} : vector<32x2048xf32> to vector<16x2048xf32>
    %min3A_139 = arith.minimumf %slice3A_137, %slice3A_138 : vector<16x2048xf32>
    %slice3A_140 = vector.extract_strided_slice %min3A_139 {offsets = [0, 0], sizes = [8, 2048], strides = [1, 1]} : vector<16x2048xf32> to vector<8x2048xf32>
    %slice3A_141 = vector.extract_strided_slice %min3A_139 {offsets = [8, 0], sizes = [8, 2048], strides = [1, 1]} : vector<16x2048xf32> to vector<8x2048xf32>
    %min3A_142 = arith.minimumf %slice3A_140, %slice3A_141 : vector<8x2048xf32>
    %reduce_min3A_143 = arith.constant dense<0x7F800000> : vector<2048xf32>
    %reduce_min3A_144 = vector.multi_reduction <minimumf>, %min3A_142, %reduce_min3A_143 [0] : vector<8x2048xf32> to vector<2048xf32>
    %slice3A_145 = vector.extract_strided_slice %get3A_105 {offsets = [2, 0], sizes = [1, 128], strides = [1, 1]} : vector<4x128xf32> to vector<1x128xf32>
    %squeeze3A_146 = vector.shape_cast %slice3A_145 : vector<1x128xf32> to vector<128xf32>
    %broadcast_in_dim3A_147 = vector.shape_cast %squeeze3A_146 : vector<128xf32> to vector<128x1xf32>
    %add3A_148 = vector.broadcast %broadcast_in_dim3A_147 : vector<128x1xf32> to vector<128x2048xf32>
    %add3A_149 = arith.addf %add3A_148, %sqrt3A : vector<128x2048xf32>
    %slice3A_150 = vector.extract_strided_slice %add3A_149 {offsets = [0, 0], sizes = [64, 2048], strides = [1, 1]} : vector<128x2048xf32> to vector<64x2048xf32>
    %slice3A_151 = vector.extract_strided_slice %add3A_149 {offsets = [64, 0], sizes = [64, 2048], strides = [1, 1]} : vector<128x2048xf32> to vector<64x2048xf32>
    %min3A_152 = arith.minimumf %slice3A_150, %slice3A_151 : vector<64x2048xf32>
    %slice3A_153 = vector.extract_strided_slice %min3A_152 {offsets = [0, 0], sizes = [32, 2048], strides = [1, 1]} : vector<64x2048xf32> to vector<32x2048xf32>
    %slice3A_154 = vector.extract_strided_slice %min3A_152 {offsets = [32, 0], sizes = [32, 2048], strides = [1, 1]} : vector<64x2048xf32> to vector<32x2048xf32>
    %min3A_155 = arith.minimumf %slice3A_153, %slice3A_154 : vector<32x2048xf32>
    %slice3A_156 = vector.extract_strided_slice %min3A_155 {offsets = [0, 0], sizes = [16, 2048], strides = [1, 1]} : vector<32x2048xf32> to vector<16x2048xf32>
    %slice3A_157 = vector.extract_strided_slice %min3A_155 {offsets = [16, 0], sizes = [16, 2048], strides = [1, 1]} : vector<32x2048xf32> to vector<16x2048xf32>
    %min3A_158 = arith.minimumf %slice3A_156, %slice3A_157 : vector<16x2048xf32>
    %slice3A_159 = vector.extract_strided_slice %min3A_158 {offsets = [0, 0], sizes = [8, 2048], strides = [1, 1]} : vector<16x2048xf32> to vector<8x2048xf32>
    %slice3A_160 = vector.extract_strided_slice %min3A_158 {offsets = [8, 0], sizes = [8, 2048], strides = [1, 1]} : vector<16x2048xf32> to vector<8x2048xf32>
    %min3A_161 = arith.minimumf %slice3A_159, %slice3A_160 : vector<8x2048xf32>
    %reduce_min3A_162 = arith.constant dense<0x7F800000> : vector<2048xf32>
    %reduce_min3A_163 = vector.multi_reduction <minimumf>, %min3A_161, %reduce_min3A_162 [0] : vector<8x2048xf32> to vector<2048xf32>
    %slice3A_164 = vector.extract_strided_slice %get3A_105 {offsets = [3, 0], sizes = [1, 128], strides = [1, 1]} : vector<4x128xf32> to vector<1x128xf32>
    %squeeze3A_165 = vector.shape_cast %slice3A_164 : vector<1x128xf32> to vector<128xf32>
    %broadcast_in_dim3A_166 = vector.shape_cast %squeeze3A_165 : vector<128xf32> to vector<128x1xf32>
    %add3A_167 = vector.broadcast %broadcast_in_dim3A_166 : vector<128x1xf32> to vector<128x2048xf32>
    %add3A_168 = arith.addf %add3A_167, %sqrt3A : vector<128x2048xf32>
    %slice3A_169 = vector.extract_strided_slice %add3A_168 {offsets = [0, 0], sizes = [64, 2048], strides = [1, 1]} : vector<128x2048xf32> to vector<64x2048xf32>
    %slice3A_170 = vector.extract_strided_slice %add3A_168 {offsets = [64, 0], sizes = [64, 2048], strides = [1, 1]} : vector<128x2048xf32> to vector<64x2048xf32>
    %min3A_171 = arith.minimumf %slice3A_169, %slice3A_170 : vector<64x2048xf32>
    %slice3A_172 = vector.extract_strided_slice %min3A_171 {offsets = [0, 0], sizes = [32, 2048], strides = [1, 1]} : vector<64x2048xf32> to vector<32x2048xf32>
    %slice3A_173 = vector.extract_strided_slice %min3A_171 {offsets = [32, 0], sizes = [32, 2048], strides = [1, 1]} : vector<64x2048xf32> to vector<32x2048xf32>
    %min3A_174 = arith.minimumf %slice3A_172, %slice3A_173 : vector<32x2048xf32>
    %slice3A_175 = vector.extract_strided_slice %min3A_174 {offsets = [0, 0], sizes = [16, 2048], strides = [1, 1]} : vector<32x2048xf32> to vector<16x2048xf32>
    %slice3A_176 = vector.extract_strided_slice %min3A_174 {offsets = [16, 0], sizes = [16, 2048], strides = [1, 1]} : vector<32x2048xf32> to vector<16x2048xf32>
    %min3A_177 = arith.minimumf %slice3A_175, %slice3A_176 : vector<16x2048xf32>
    %slice3A_178 = vector.extract_strided_slice %min3A_177 {offsets = [0, 0], sizes = [8, 2048], strides = [1, 1]} : vector<16x2048xf32> to vector<8x2048xf32>
    %slice3A_179 = vector.extract_strided_slice %min3A_177 {offsets = [8, 0], sizes = [8, 2048], strides = [1, 1]} : vector<16x2048xf32> to vector<8x2048xf32>
    %min3A_180 = arith.minimumf %slice3A_178, %slice3A_179 : vector<8x2048xf32>
    %reduce_min3A_181 = arith.constant dense<0x7F800000> : vector<2048xf32>
    %reduce_min3A_182 = vector.multi_reduction <minimumf>, %min3A_180, %reduce_min3A_181 [0] : vector<8x2048xf32> to vector<2048xf32>
    %stack3A = vector.shape_cast %reduce_min3A_125 : vector<2048xf32> to vector<1x2048xf32>
    %stack3A_183 = vector.shape_cast %reduce_min3A_144 : vector<2048xf32> to vector<1x2048xf32>
    %stack3A_184 = vector.shape_cast %reduce_min3A_163 : vector<2048xf32> to vector<1x2048xf32>
    %stack3A_185 = vector.shape_cast %reduce_min3A_182 : vector<2048xf32> to vector<1x2048xf32>
    %stack3A_186 = tpu.concatenate %stack3A, %stack3A_183, %stack3A_184, %stack3A_185 in 0 : vector<1x2048xf32>, vector<1x2048xf32>, vector<1x2048xf32>, vector<1x2048xf32> -> vector<4x2048xf32>
    %mul3A_187 = arith.constant 16233.7666 : f32
    %mul3A_188 = vector.broadcast %mul3A_187 : f32 to vector<4x2048xf32>
    %mul3A_189 = arith.mulf %stack3A_186, %mul3A_188 : vector<4x2048xf32>
    %sub3A_190 = vector.broadcast %broadcast_in_dim3A_110 : vector<4x1xf32> to vector<4x2048xf32>
    %sub3A_191 = arith.subf %mul3A_189, %sub3A_190 : vector<4x2048xf32>
    %swap3A_192 = arith.constant 0 : index
    %swap3A_193 = arith.constant 0 : index
    %swap3A_194 = vector.load %arg10[%swap3A_192, %swap3A_193] : memref<4x2048xf32, #tpu.memory_space<vmem>>, vector<4x2048xf32>
    tpu.vector_store %arg10[%swap3A_192, %swap3A_193], %sub3A_191 {strides = array<i32>} : memref<4x2048xf32, #tpu.memory_space<vmem>>, vector<4x2048xf32>,
    %broadcast_in_dim3A_195 = vector.shape_cast %get3A_8 : vector<2048xf32> to vector<1x2048xf32>
    %mul3A_196 = arith.constant 32467.5332 : f32
    %mul3A_197 = vector.broadcast %mul3A_196 : f32 to vector<1x2048xf32>
    %mul3A_198 = arith.mulf %broadcast_in_dim3A_195, %mul3A_197 : vector<1x2048xf32>
    %sub3A_199 = vector.broadcast %mul3A_198 : vector<1x2048xf32> to vector<4x2048xf32>
    %sub3A_200 = arith.subf %sub3A_191, %sub3A_199 : vector<4x2048xf32>
    %add3A_201 = arith.constant 5.000000e-01 : f32
    %add3A_202 = vector.broadcast %add3A_201 : f32 to vector<4x2048xf32>
    %add3A_203 = arith.addf %sub3A_200, %add3A_202 : vector<4x2048xf32>
    %floor3A_204 = math.floor %add3A_203 : vector<4x2048xf32>
    %sub3A_205 = arith.subf %sub3A_200, %floor3A_204 : vector<4x2048xf32>
    %mul3A_206 = arith.constant 1.57079637 : f32
    %mul3A_207 = vector.broadcast %mul3A_206 : f32 to vector<4x2048xf32>
    %mul3A_208 = arith.mulf %sub3A_205, %mul3A_207 : vector<4x2048xf32>
    %mul3A_209 = arith.mulf %mul3A_208, %mul3A_208 : vector<4x2048xf32>
    %mul3A_210 = arith.constant -0.00138888892 : f32
    %mul3A_211 = vector.broadcast %mul3A_210 : f32 to vector<4x2048xf32>
    %mul3A_212 = arith.mulf %mul3A_209, %mul3A_211 : vector<4x2048xf32>
    %add3A_213 = arith.constant 0.0416666679 : f32
    %add3A_214 = vector.broadcast %add3A_213 : f32 to vector<4x2048xf32>
    %add3A_215 = arith.addf %add3A_214, %mul3A_212 : vector<4x2048xf32>
    %mul3A_216 = arith.mulf %mul3A_209, %add3A_215 : vector<4x2048xf32>
    %add3A_217 = arith.constant -5.000000e-01 : f32
    %add3A_218 = vector.broadcast %add3A_217 : f32 to vector<4x2048xf32>
    %add3A_219 = arith.addf %add3A_218, %mul3A_216 : vector<4x2048xf32>
    %mul3A_220 = arith.mulf %mul3A_209, %add3A_219 : vector<4x2048xf32>
    %add3A_221 = arith.constant 1.000000e+00 : f32
    %add3A_222 = vector.broadcast %add3A_221 : f32 to vector<4x2048xf32>
    %add3A_223 = arith.addf %add3A_222, %mul3A_220 : vector<4x2048xf32>
    %mul3A_224 = arith.constant 1.98412701E-4 : f32
    %mul3A_225 = vector.broadcast %mul3A_224 : f32 to vector<4x2048xf32>
    %mul3A_226 = arith.mulf %mul3A_209, %mul3A_225 : vector<4x2048xf32>
    %sub3A_227 = arith.constant 0.00833333377 : f32
    %sub3A_228 = vector.broadcast %sub3A_227 : f32 to vector<4x2048xf32>
    %sub3A_229 = arith.subf %sub3A_228, %mul3A_226 : vector<4x2048xf32>
    %mul3A_230 = arith.mulf %mul3A_209, %sub3A_229 : vector<4x2048xf32>
    %add3A_231 = arith.constant -0.166666672 : f32
    %add3A_232 = vector.broadcast %add3A_231 : f32 to vector<4x2048xf32>
    %add3A_233 = arith.addf %add3A_232, %mul3A_230 : vector<4x2048xf32>
    %mul3A_234 = arith.mulf %mul3A_209, %add3A_233 : vector<4x2048xf32>
    %add3A_235 = arith.constant 1.000000e+00 : f32
    %add3A_236 = vector.broadcast %add3A_235 : f32 to vector<4x2048xf32>
    %add3A_237 = arith.addf %add3A_236, %mul3A_234 : vector<4x2048xf32>
    %mul3A_238 = arith.mulf %mul3A_208, %add3A_237 : vector<4x2048xf32>
    %convert_element_type3A_239 = arith.fptosi %floor3A_204 : vector<4x2048xf32> to vector<4x2048xi32>
    %and3A_240 = arith.constant 1 : i32
    %and3A_241 = vector.broadcast %and3A_240 : i32 to vector<4x2048xi32>
    %and3A_242 = arith.andi %convert_element_type3A_239, %and3A_241 : vector<4x2048xi32>
    %ne3A_243 = arith.constant 0 : i32
    %ne3A_244 = vector.broadcast %ne3A_243 : i32 to vector<4x2048xi32>
    %ne3A_245 = arith.cmpi ne, %and3A_242, %ne3A_244 : vector<4x2048xi32>
    %add3A_246 = arith.constant 1 : i32
    %add3A_247 = vector.broadcast %add3A_246 : i32 to vector<4x2048xi32>
    %add3A_248 = arith.addi %convert_element_type3A_239, %add3A_247 : vector<4x2048xi32>
    %and3A_249 = arith.constant 2 : i32
    %and3A_250 = vector.broadcast %and3A_249 : i32 to vector<4x2048xi32>
    %and3A_251 = arith.andi %add3A_248, %and3A_250 : vector<4x2048xi32>
    %ne3A_252 = arith.constant 0 : i32
    %ne3A_253 = vector.broadcast %ne3A_252 : i32 to vector<4x2048xi32>
    %ne3A_254 = arith.cmpi ne, %and3A_251, %ne3A_253 : vector<4x2048xi32>
    %and3A_255 = arith.constant 2 : i32
    %and3A_256 = vector.broadcast %and3A_255 : i32 to vector<4x2048xi32>
    %and3A_257 = arith.andi %convert_element_type3A_239, %and3A_256 : vector<4x2048xi32>
    %ne3A_258 = arith.constant 0 : i32
    %ne3A_259 = vector.broadcast %ne3A_258 : i32 to vector<4x2048xi32>
    %ne3A_260 = arith.cmpi ne, %and3A_257, %ne3A_259 : vector<4x2048xi32>
    %select_n3A_261 = arith.select %ne3A_245, %mul3A_238, %add3A_223 : vector<4x2048xi1>, vector<4x2048xf32>
    %select_n3A_262 = arith.select %ne3A_245, %add3A_223, %mul3A_238 : vector<4x2048xi1>, vector<4x2048xf32>
    %neg3A_263 = arith.constant 0.000000e+00 : f32
    %neg3A_264 = vector.broadcast %neg3A_263 : f32 to vector<4x2048xf32>
    %neg3A_265 = arith.subf %neg3A_264, %select_n3A_261 : vector<4x2048xf32>
    %select_n3A_266 = arith.select %ne3A_254, %neg3A_265, %select_n3A_261 : vector<4x2048xi1>, vector<4x2048xf32>
    %neg3A_267 = arith.constant 0.000000e+00 : f32
    %neg3A_268 = vector.broadcast %neg3A_267 : f32 to vector<4x2048xf32>
    %neg3A_269 = arith.subf %neg3A_268, %select_n3A_262 : vector<4x2048xf32>
    %select_n3A_270 = arith.select %ne3A_260, %neg3A_269, %select_n3A_262 : vector<4x2048xi1>, vector<4x2048xf32>
    %swap3A_271 = arith.constant 0 : index
    %swap3A_272 = arith.constant 0 : index
    %swap3A_273 = vector.load %arg11[%swap3A_271, %swap3A_272] : memref<4x2048xf32, #tpu.memory_space<vmem>>, vector<4x2048xf32>
    tpu.vector_store %arg11[%swap3A_271, %swap3A_272], %select_n3A_266 {strides = array<i32>} : memref<4x2048xf32, #tpu.memory_space<vmem>>, vector<4x2048xf32>,
    %swap3A_274 = arith.constant 0 : index
    %swap3A_275 = arith.constant 0 : index
    %swap3A_276 = vector.load %arg12[%swap3A_274, %swap3A_275] : memref<4x2048xf32, #tpu.memory_space<vmem>>, vector<4x2048xf32>
    tpu.vector_store %arg12[%swap3A_274, %swap3A_275], %select_n3A_270 {strides = array<i32>} : memref<4x2048xf32, #tpu.memory_space<vmem>>, vector<4x2048xf32>,
    return
  }
  func.func @transform_0(%arg0: i32) -> (i32, i32, i32) {
    %c0_i32 = arith.constant 0 : i32
    %c0_i32_0 = arith.constant 0 : i32
    %c0_i32_1 = arith.constant 0 : i32
    return %arg0, %c0_i32, %c0_i32_0 : i32, i32, i32
  }
  func.func @transform_1(%arg0: i32) -> (i32, i32, i32) {
    %c0_i32 = arith.constant 0 : i32
    %c0_i32_0 = arith.constant 0 : i32
    %c0_i32_1 = arith.constant 0 : i32
    return %arg0, %c0_i32, %c0_i32_0 : i32, i32, i32
  }
  func.func @transform_2(%arg0: i32) -> (i32, i32, i32) {
    %c0_i32 = arith.constant 0 : i32
    %c0_i32_0 = arith.constant 0 : i32
    %c0_i32_1 = arith.constant 0 : i32
    return %arg0, %c0_i32, %c0_i32_0 : i32, i32, i32
  }
  func.func @transform_3(%arg0: i32) -> (i32, i32) {
    %c0_i32 = arith.constant 0 : i32
    %c0_i32_0 = arith.constant 0 : i32
    %c0_i32_1 = arith.constant 0 : i32
    return %c0_i32, %c0_i32_0 : i32, i32
  }
  func.func @transform_4(%arg0: i32) -> (i32, i32) {
    %c0_i32 = arith.constant 0 : i32
    %c0_i32_0 = arith.constant 0 : i32
    %c0_i32_1 = arith.constant 0 : i32
    return %c0_i32, %c0_i32_0 : i32, i32
  }
  func.func @transform_5(%arg0: i32) -> (i32, i32) {
    %c0_i32 = arith.constant 0 : i32
    %c0_i32_0 = arith.constant 0 : i32
    %c0_i32_1 = arith.constant 0 : i32
    return %c0_i32, %c0_i32_0 : i32, i32
  }
  func.func @transform_6(%arg0: i32) -> (i32, i32) {
    %c0_i32 = arith.constant 0 : i32
    %c0_i32_0 = arith.constant 0 : i32
    return %c0_i32, %arg0 : i32, i32
  }
  func.func @transform_7(%arg0: i32) -> (i32, i32) {
    %c0_i32 = arith.constant 0 : i32
    %c0_i32_0 = arith.constant 0 : i32
    return %c0_i32, %arg0 : i32, i32
  }
  func.func @transform_8(%arg0: i32) -> (i32, i32) {
    %c0_i32 = arith.constant 0 : i32
    %c0_i32_0 = arith.constant 0 : i32
    return %c0_i32, %arg0 : i32, i32
  }
  func.func @transform_9(%arg0: i32) -> (i32, i32) {
    %c0_i32 = arith.constant 0 : i32
    %c0_i32_0 = arith.constant 0 : i32
    return %c0_i32, %arg0 : i32, i32
  }
  func.func @transform_10(%arg0: i32) -> (i32, i32) {
    %c0_i32 = arith.constant 0 : i32
    %c0_i32_0 = arith.constant 0 : i32
    return %c0_i32, %arg0 : i32, i32
  }
  func.func @transform_11(%arg0: i32) -> (i32, i32) {
    %c0_i32 = arith.constant 0 : i32
    %c0_i32_0 = arith.constant 0 : i32
    return %c0_i32, %arg0 : i32, i32
  }
}

</mosaic_0001>

<sc_bundles>
// kernel: kernel.4.cloned.1.call-start
scs
__scs_entry_jumppad:
0x0: {  	(pc) =	sbr.rel $0x88, $3  }
0x1: {  	(tag) =	ssettag $0x0;
	lr =	simm.s32 $0x1  }
0x2: {  	[smem:$0x3F9C] =	sst lr;
	_ =	strace $0xD0000000  }
0x3: {  	_ = 	snop  }
0x4: {  	_ = 	snop  }
0x5: {  	_ = 	snop  }
0x6: {  	_ = 	snop  }
0x7: {  	_ = 	snop  }
__scs_overlays_trampoline_lowered:
0x8: {  	[smem:$0x3FAB] =	sst s0  }
0x9: {  	[smem:$0x3FAC] =	sst s1  }
0xa: {  	[smem:$0x3FAD] =	sst s2  }
0xb: {  	[smem:$0x3FAE] =	sst s3  }
0xc: {  	[smem:$0x3FAF] =	sst s4  }
0xd: {  	[smem:$0x3FB0] =	sst s5  }
0xe: {  	[smem:$0x3FB1] =	sst s6  }
0xf: {  	[smem:$0x3FB2] =	sst s7  }
0x10: {  	[smem:$0x3FB3] =	sst s8  }
0x11: {  	[smem:$0x3FB4] =	sst s9;
	s0 =	simm.s32 @!p0 $0x0  }
0x12: {  	s1 =	sld [smem:$0x3F9A];
	s0 =	simm.s32 @p0 $0x1  }
0x13: {  	[smem:$0x3FB5] =	sst s0;
	s0 =	simm.s32 @!p1 $0x0  }
0x14: {  	s2 =	sld [smem:$0x3F99];
	s0 =	simm.s32 @p1 $0x1  }
0x15: {  	[smem:$0x3FB6] =	sst s0;
	s0 =	simm.s32 @!p2 $0x0  }
0x16: {  	s3 =	sld [smem:$0x3FDB];
	s0 =	simm.s32 @p2 $0x1  }
0x17: {  	s4 =	simm.s32 $0x1BF5;
	[smem:$0x3FB8] =	sst s0  }
0x18: {  	s0 =	sld [smem:$0x3F9B];
	_ =	swait.ge [sflag:s4], $0x0  }
0x19: {  	s7 =	sld [smem:$0x3F9C]  }
0x1a: {  	s8 =	sadd.s32 $0xFFFFE003, lr  }
0x1b: {  	s9 =	sadd.s32 $0xFFFFFEF7, lr;
	s5 =	simm.s32 $0xFFFFFFFF;
	p2 =	slt.u32 s8, $0xFFFFF086  }
0x1c: {  	p1 =	slt.u32 s9, $0xF7A;
	s5 =	simm.s32 @!p2 $0x0  }
0x1d: {  	s5 =	simm.s32 @p1 $0x1;
	p0 =	seq.s32 s7, s2  }
0x1e: {  	s7 =	smul.u32 @!p0 $0xF7A, s2;
	p2 =	seq.s32 @!p0 s5, $0x0  }
0x1f: {  	s9 =	smul.u32 $0xF7A, s1;
	s8 =	simm.s32 @!p0 $0x1BF5;
	p2 =	por !p2, p0  }
0x20: {  	[sflag:s8] =	ssyncset.s32 @!p0 $0xFFFFF086;
	s6 =	sadd.s32 @!p0 s3, s7;
	s7 =	simm.s32 @!p0 $0x108  }
0x21: {  	s3 =	sadd.s32 s3, s9;
	s6 =	sadd.s32 @!p0 $0x88, s6;
	s7 =	simm.s32 @p2 $0x1082  }
0x22: {  	[simem:s7], [sflag:s8] =	dma.local @!p0 [hbm:s6], $0xF7A  }
0x23: {  	s9 =	sor.u32 $0xD0000000, s2;
	s6 =	simm.s32 $0x108;
	_ =	swait.ge @!p0 [sflag:s8], $0x0  }
0x24: {  	s3 =	sadd.s32 $0x88, s3;
	s6 =	simm.s32 @!p1 $0x1082;
	[sflag:s4] =	ssyncset.s32 $0xFFFFF086  }
0x25: {  	[simem:s6], [sflag:s4] =	dma.local [hbm:s3], $0xF7A  }
0x26: {  	[smem:$0x3F9C] =	sst s1;
	(tag) =	ssettag s2;
	_ =	strace s9  }
0x27: {  	s1 =	sld [smem:$0x3FAC]  }
0x28: {  	s2 =	sld [smem:$0x3FAD]  }
0x29: {  	s4 =	sld [smem:$0x3FAF]  }
0x2a: {  	p0 =	seq.s32 s5, $0x0;
	s5 =	sld [smem:$0x3FB0]  }
0x2b: {  	s6 =	sld [smem:$0x3FB1]  }
0x2c: {  	s7 =	sld [smem:$0x3FB2]  }
0x2d: {  	s3 =	simm.s32 $0x108;
	s8 =	sld [smem:$0x3FB3]  }
0x2e: {  	s3 =	simm.s32 @!p0 $0x1082;
	s9 =	sld [smem:$0x3FB4]  }
0x2f: {  	lr =	sadd.s32 s0, s3;
	s0 =	sld [smem:$0x3FAB]  }
0x30: {  	s3 =	sld [smem:$0x3FAE]  }
0x31: {  	[smem:$0x3FB7] =	sst s10  }
0x32: {  	s10 =	sld [smem:$0x3FB5];
	_ =	sdelay $0x3  }
0x33: {  	p0 =	seq.s32 s10, $0x1;
	s10 =	sld [smem:$0x3FB7];
	_ =	sdelay $0x3  }
0x34: {  	[smem:$0x3FB7] =	sst s10  }
0x35: {  	s10 =	sld [smem:$0x3FB6];
	_ =	sdelay $0x3  }
0x36: {  	p1 =	seq.s32 s10, $0x1;
	s10 =	sld [smem:$0x3FB7];
	_ =	sdelay $0x3  }
0x37: {  	[smem:$0x3FB7] =	sst s10  }
0x38: {  	s10 =	sld [smem:$0x3FB8]  }
0x39: {  	_ = 	snop;
	(pc) =	sbr.ind lr, $3  }
0x3a: {  	_ = 	snop  }
0x3b: {  	_ = 	snop  }
0x3c: {  	p2 =	seq.s32 s10, $0x1;
	s10 =	sld [smem:$0x3FB7]  }
0x3d: {  	_ =	shalt  }
0x3e: {  	_ =	shalt  }
0x3f: {  	_ =	shalt  }
0x40: {  	_ =	shalt  }
0x41: {  	_ =	shalt  }
0x42: {  	_ =	shalt  }
0x43: {  	_ =	shalt  }
0x44: {  	_ =	shalt  }
0x45: {  	_ =	shalt  }
0x46: {  	_ =	shalt  }
0x47: {  	_ =	shalt  }
0x48: {  	_ =	shalt  }
0x49: {  	_ =	shalt  }
0x4a: {  	_ =	shalt  }
0x4b: {  	_ =	shalt  }
0x4c: {  	_ =	shalt  }
0x4d: {  	_ =	shalt  }
0x4e: {  	_ =	shalt  }
0x4f: {  	_ =	shalt  }
0x50: {  	_ =	shalt  }
0x51: {  	_ =	shalt  }
0x52: {  	_ =	shalt  }
0x53: {  	_ =	shalt  }
0x54: {  	_ =	shalt  }
0x55: {  	_ =	shalt  }
0x56: {  	_ =	shalt  }
0x57: {  	_ =	shalt  }
0x58: {  	_ =	shalt  }
0x59: {  	_ =	shalt  }
0x5a: {  	_ =	shalt  }
0x5b: {  	_ =	shalt  }
0x5c: {  	_ =	shalt  }
0x5d: {  	_ =	shalt  }
0x5e: {  	_ =	shalt  }
0x5f: {  	_ =	shalt  }
0x60: {  	_ =	shalt  }
0x61: {  	_ =	shalt  }
0x62: {  	_ =	shalt  }
0x63: {  	_ =	shalt  }
0x64: {  	_ =	shalt  }
0x65: {  	_ =	shalt  }
0x66: {  	_ =	shalt  }
0x67: {  	_ =	shalt  }
0x68: {  	_ =	shalt  }
0x69: {  	_ =	shalt  }
0x6a: {  	_ =	shalt  }
0x6b: {  	_ =	shalt  }
0x6c: {  	_ =	shalt  }
0x6d: {  	_ =	shalt  }
0x6e: {  	_ =	shalt  }
0x6f: {  	_ =	shalt  }
0x70: {  	_ =	shalt  }
0x71: {  	_ =	shalt  }
0x72: {  	_ =	shalt  }
0x73: {  	_ =	shalt  }
0x74: {  	_ =	shalt  }
0x75: {  	_ =	shalt  }
0x76: {  	_ =	shalt  }
0x77: {  	_ =	shalt  }
0x78: {  	_ =	shalt  }
0x79: {  	_ =	shalt  }
0x7a: {  	_ =	shalt  }
0x7b: {  	_ =	shalt  }
0x7c: {  	_ =	shalt  }
0x7d: {  	_ =	shalt  }
0x7e: {  	_ =	shalt  }
0x7f: {  	_ =	shalt  }
0x80: {  	_ =	shalt  }
0x81: {  	_ =	shalt  }
0x82: {  	_ =	shalt  }
0x83: {  	_ =	shalt  }
0x84: {  	_ =	shalt  }
0x85: {  	_ =	shalt  }
0x86: {  	_ =	shalt  }
0x87: {  	_ =	shalt  }
.Lfunc_end0:
.L_simem_size_0:
called_computation_lowered:
.L_overlay_start_0:
0x88: {  	s2 =	sld [smem:$0x3FD9]  }
0x89: {  	s3 =	sld [smem:$0x3FFE];
	_ =	sdelay $0x1  }
0x8a: {  	s1 =	srdreg.scid  }
0x8b: {  	s0 =	sand.u32 $0x1, s1  }
0x8c: {  	s17 =	sshll.u32 s0, $0xA;
	s2 =	sadd.s32 s3, s2  }
0x8d: {  	s2 =	sadd.s32 s2, s17  }
0x8e: {  	[smem:$0x3FC3] =	sst s2  }
0x8f: {  	_ = 	snop  }
0x90: {  	s2 =	sld [smem:$0x3FD0];
	(tm) =	ssettm $0x1  }
0x91: {  	s18 =	sld [smem:$0x3FFB];
	_ =	sdelay $0x3  }
0x92: {  	_ =	strace s18  }
0x93: {  	s3 =	sld [smem:$0x3FFC];
	_ =	sdelay $0x3  }
0x94: {  	_ =	strace s3  }
0x95: {  	s3 =	sld [smem:$0x3FFD];
	_ =	sdelay $0x3  }
0x96: {  	_ =	strace s3  }
0x97: {  	_ =	strace $0x8FFFFFFF  }
0x98: {  	s19 =	sld [smem:$0x3FDB];
	_ =	sdelay $0x1  }
0x99: {  	s4 =	simm.s32 $_scs_section_size  }
0x9a: {  	s5 =	simm.s32 $_size__tile_overlayer_lowered;
	s6 =	simm.s32 $_tile_overlayer_lowered  }
0x9b: {  	s22 =	simm.s32 $0x1BFF;
	s21 =	sshll.u32 s6, $0x1;
	s3 =	sadd.s32 s4, s19  }
0x9c: {  	s7 =	simm.s32 $0x0;
	s20 =	sshll.u32 s5, $0x1;
	s5 =	sadd.s32 s21, s3  }
0x9d: {  	[timem:s7], [sflag:s22] =	dma.local [hbm:s5], s20  }
0x9e: {  	_ =	swait.ge [sflag:s22], s20  }
0x9f: {  	s4 =	ssub.s32 $0x0, s20;
	[sflag:s22] =	ssyncset.done $0x0  }
0xa0: {  	[sflag:s22] =	ssyncadd.s32 s4;
	_ =	sdelay $0x1  }
0xa1: {  	s23 =	simm.s32 $0x1B8B  }
0xa2: {  	_ =	swait.ge [sflag:s23], $0x1  }
0xa3: {  	[sflag:s23] =	ssyncset.done $0x0  }
0xa4: {  	s25 =	simm.s32 $0x1B8E;
	s24 =	sld [smem:$0x3FFE];
	[sflag:s23] =	ssyncadd.s32 $0xFFFFFFFF  }
0xa5: {  	s26 =	simm.s32 $execute0_lowered;
	[smem:$0x3FD2] =	sst s25  }
0xa6: {  	s5 =	sshll.u32 s26, $0x1;
	_ =	strace $0x80000046;
	[dreg:$0x1] =	wrdreg $0xFFFFFFFF  }
0xa7: {  	s28 =	simm.s32 $_size_execute0_lowered;
	s3 =	sadd.s32 s3, s5;
	[dreg:$0x0] =	wrdreg $0x0  }
0xa8: {  	s5 =	sshll.u32 s28, $0x1;
	[dreg:$0x2] =	wrdreg s3  }
0xa9: {  	[dreg:$0x3] =	wrdreg s5  }
0xaa: {  	[dreg:$0x4] =	wrdreg $0xC0  }
0xab: {  	_ =	task [dreg:s7], $0x5FFFF  }
0xac: {  	[dreg:$0x1] =	wrdreg $0xFFFFFFFF  }
0xad: {  	[dreg:$0x0] =	wrdreg $0x60  }
0xae: {  	[dreg:$0x2] =	wrdreg s24  }
0xaf: {  	[dreg:$0x3] =	wrdreg s2  }
0xb0: {  	[dreg:$0x4] =	wrdreg $0x9  }
0xb1: {  	_ =	task.clear_ibuf [dreg:s7], $0x5FFFF;
	_ =	strace $0x90000046  }
0xb2: {  	s29 =	simm.s32 $0x9;
	_ =	strace $0x80000048  }
0xb3: {  	_ =	swait.ge [sflag:s29], $0x1  }
0xb4: {  	[sflag:s29] =	ssyncadd.s32 $0xFFFFFFFF  }
0xb5: {  	_ =	strace $0x90000048  }
0xb6: {  	_ =	sfence  }
0xb7: {  	s30 =	sld [smem:$0x0];
	_ =	sdelay $0x2  }
0xb8: {  	s31 =	sshll.u32 s1, $0xD;
	s1 =	sshrl.u32 s1, $0x2  }
0xb9: {  	s3 =	sand.u32 $0x4000, s31;
	s1 =	sadd.s32 s1, s30  }
0xba: {  	s0 =	sor.u32 s3, s0;
	s1 =	sshll.u32 s1, $0x11  }
0xbb: {  	s0 =	sor.u32 s1, s0  }
0xbc: {  	s0 =	sadd.s32 $0x8F2B, s0  }
0xbd: {  	[sflag:s0] =	ssyncadd.remote.s32 $0x1  }
0xbe: {  	_ =	sfence.sel $0xFFFF  }
0xbf: {  	[dreg:$0x0] =	wrdreg $0xFFFFFFFF;
	(pc) =	sbr.abs _section_cstart, $3  }
0xc0: {  	[dreg:$0x1] =	wrdreg $0xFFFFFFFF  }
0xc1: {  	_ =	task.clear_ibuf [dreg:s7], $0x2FFFF;
	_ =	strace $0x9FFFFFFF  }
0xc2: {  	(tm) =	ssettm $0x7FFFFFFF  }
0xc3: {  	_ =	shalt  }
tec
execute0_lowered:
.L_overlay_start_1:
0x0: {  	(tag) =	ssettag $0x1  }
0x1: {  	s0 =	rddreg [dreg:$0x0]  }
0x2: {  	s2 =	rddreg [dreg:$0x1];
	s1 =	simm.s32 $0x0;
	s5 =	srdreg.scid  }
0x3: {  	s6 =	stileid.u32;
	s16 =	simm.s32 $0x2;
	s17 =	simm.s32 $0x4  }
0x4: {  	[smem:$0x7FF] =	sst s1;
	s3 =	sadd.s32 $0xA00, s0;
	s4 =	sadd.s32 $0x120C00, s0  }
0x5: {  	s7 =	sand.u32 $0x1, s5;
	s8 =	sshll.u32 s6, $0x1;
	s5 =	sadd.s32 $0x20C00, s0  }
0x6: {  	s6 =	sadd.s32 $0xA0C00, s0;
	s24 =	sadd.s32 $0x8A00, s0;
	s12 =	sadd.s32 $0x10A00, s0  }
0x7: {  	s13 =	sadd.s32 $0x18A00, s0;
	_ =	strace $0x80000047;
	s8 =	sor.u32 s7, s8  }
0x8: {  	s7 =	ssub.s32 $0x2, s7;
	[dreg:$0x7] =	wrdreg s24;
	s9 =	sshll.u32 s8, $0x9  }
0x9: {  	s10 =	sshll.u32 s8, $0x4;
	s11 =	sshrl.u32 s7, $0x1;
	s25 =	sshll.u32 s8, $0xA  }
0xa: {  	s15 =	sshll.u32 s8, $0x8;
	s14 =	sshll.u32 s8, $0xD;
	s26 =	sadd.s32 s4, s25  }
0xb: {  	s9 =	sadd.s32 s9, s0;
	s28 =	sadd.s32 s5, s25;
	[dreg:$0x8] =	wrdreg s26  }
0xc: {  	s10 =	sadd.s32 s10, s0;
	s29 =	sadd.s32 s6, s25;
	[dreg:$0x9] =	wrdreg s28  }
0xd: {  	s7 =	ssub.s32 s7, s11;
	s30 =	sadd.s32 s2, s15;
	[dreg:$0xa] =	wrdreg s29  }
0xe: {  	s25 =	simm.s32 $0x80;
	s21 =	sadd.s32 $0x1A0C00, s9;
	[dreg:$0xb] =	wrdreg s30  }
0xf: {  	s15 =	simm.s32 $0x3;
	s22 =	sadd.s32 $0x1A4C00, s9;
	[dreg:$0x3] =	wrdreg s21  }
0x10: {  	s2 =	simm.s32 $0x0;
	s9 =	sadd.s32 $0x1A8C00, s9;
	[dreg:$0x4] =	wrdreg s22  }
0x11: {  	s23 =	sadd.s32 $0x20A00, s10;
	s31 =	smax.u32 s7, $0x1;
	[dreg:$0x5] =	wrdreg s9  }
0x12: {  	s7 =	simm.s32 $0x5;
	s26 =	simm.s32 $0x400;
	[dreg:$0x6] =	wrdreg s23  }
0x13: {  	v0 =	vimm.f32 $0.0e+00;
	v1 =	vlaneseq.u32;
	[dreg:$0xc] =	wrdreg s31;
	s22 =	simm.s32 $0x2000;
	s21 =	simm.s32 $0x1  }
.LBB2_1:
0x14: {  	[dreg:$0xd] =	wrdreg s2  }
0x15: {  	s0 =	rddreg [dreg:$0x3];
	s11 =	simm.s32 $0x5800  }
0x16: {  	[tilespmem:s11], [sflag:$0x5] =	stream.linear.gather [hbm4b:s0+s1], $0x1000, $0x38;
	[tilespmem:$0xB080] =	vst v63  }
0x17: {  	_ =	swait.ge [sflag:s7], $0x1000  }
0x18: {  	[sflag:s7] =	ssyncset.done $0x0  }
0x19: {  	s19 =	simm.s32 $0x6800;
	s18 =	rddreg [dreg:$0x4];
	[sflag:s7] =	ssyncadd.s32 $0xFFFFF000  }
0x1a: {  	[tilespmem:s19], [sflag:$0x5] =	stream.linear.gather [hbm4b:s18+s1], $0x1000, $0x38;
	[tilespmem:$0xB080] =	vst v63  }
0x1b: {  	_ =	swait.ge [sflag:s7], $0x1000  }
0x1c: {  	[sflag:s7] =	ssyncset.done $0x0  }
0x1d: {  	s23 =	simm.s32 $0x7800;
	s20 =	rddreg [dreg:$0x5];
	[sflag:s7] =	ssyncadd.s32 $0xFFFFF000  }
0x1e: {  	[tilespmem:s23], [sflag:$0x5] =	stream.linear.gather [hbm4b:s20+s1], $0x1000, $0x38;
	[tilespmem:$0xB080] =	vst v63  }
0x1f: {  	_ =	swait.ge [sflag:s7], $0x1000  }
0x20: {  	[sflag:s7] =	ssyncset.done $0x0  }
0x21: {  	s28 =	simm.s32 $0xB000;
	s24 =	rddreg [dreg:$0x6];
	[sflag:s7] =	ssyncadd.s32 $0xFFFFF000  }
0x22: {  	[tilespmem:s28], [sflag:$0x5] =	stream.linear.gather [hbm4b:s24+s1], $0x80, $0x38;
	[tilespmem:$0xB080] =	vst v63  }
0x23: {  	_ =	swait.ge [sflag:s7], $0x80  }
0x24: {  	s29 =	sand.u32 $0x70, s1;
	s30 =	sand.u32 $0xE00, s1;
	[sflag:s7] =	ssyncset.done $0x0  }
0x25: {  	s0 =	sor.u32 s29, s30;
	[sflag:s7] =	ssyncadd.s32 $0xFFFFFF80  }
0x26: {  	[tilespmem:s0+$0x9980] =	vst v0  }
0x27: {  	[tilespmem:s0+$0x8800] =	vst v0  }
0x28: {  	[tilespmem:s0+$0x9800] =	vst v0  }
0x29: {  	[tilespmem:s0+$0x8880] =	vst v0  }
0x2a: {  	[tilespmem:s0+$0x9880] =	vst v0  }
0x2b: {  	s31 =	simm.s32 $0x10;
	s2 =	simm.s32 $0x40;
	[tilespmem:s0+$0x8900] =	vst v0  }
0x2c: {  	s8 =	sand.u32 $0x70, s31;
	s9 =	sand.u32 $0xE00, s2;
	s7 =	simm.s32 $0x20;
	[tilespmem:s0+$0x9900] =	vst v0  }
.LBB2_2:
0x2d: {  	p0 =	sne.s32 s7, $0x3F0;
	[tilespmem:s0+$0x8980] =	vst v0;
	s0 =	sor.u32 s8, s9  }
0x2e: {  	[tilespmem:s0+$0x9980] =	vst v0  }
0x2f: {  	[tilespmem:s0+$0x8800] =	vst v0  }
.Ltmp0:
0x30: {  	[tilespmem:s0+$0x9800] =	vst v0;
	(pc) =	sbr.rel @p0 .LBB2_2-.Ltmp0, $4  }
0x31: {  	[tilespmem:s0+$0x8880] =	vst v0  }
0x32: {  	[tilespmem:s0+$0x9880] =	vst v0  }
0x33: {  	s2 =	sadd.s32 $0x40, s2;
	[tilespmem:s0+$0x8900] =	vst v0  }
0x34: {  	s8 =	sand.u32 $0x70, s7;
	s7 =	sadd.s32 $0x10, s7;
	s9 =	sand.u32 $0xE00, s2;
	[tilespmem:s0+$0x9900] =	vst v0  }
0x35: {  	s2 =	sor.u32 s8, s9;
	[tilespmem:s0+$0x8980] =	vst v0  }
0x36: {  	[tilespmem:s2+$0x9980] =	vst v0  }
0x37: {  	[tilespmem:s2+$0x8800] =	vst v0  }
0x38: {  	[tilespmem:s2+$0x9800] =	vst v0  }
0x39: {  	[tilespmem:s2+$0x8880] =	vst v0  }
0x3a: {  	[tilespmem:s2+$0x9880] =	vst v0  }
0x3b: {  	[tilespmem:s2+$0x8900] =	vst v0  }
0x3c: {  	[tilespmem:s2+$0x9900] =	vst v0  }
0x3d: {  	s28 =	simm.s32 $0x0;
	[tilespmem:s2+$0x8980] =	vst v0  }
0x3e: {  	[tilespmem:s28], [sflag:$0x1] =	stream.strided.gather [hbm4b:s3+s25], $0x800, s26, s25, $0x38;
	[tilespmem:$0xB080] =	vst v63  }
0x3f: {  	s9 =	rddreg [dreg:$0x7];
	s10 =	simm.s32 $0x800  }
0x40: {  	[tilespmem:s10], [sflag:$0x1] =	stream.strided.gather [hbm4b:s9+s25], $0x800, s26, s25, $0x38;
	[tilespmem:$0xB080] =	vst v63  }
0x41: {  	s11 =	simm.s32 $0x1000  }
0x42: {  	[tilespmem:s11], [sflag:$0x1] =	stream.strided.gather [hbm4b:s12+s25], $0x800, s26, s25, $0x38;
	[tilespmem:$0xB080] =	vst v63  }
0x43: {  	s18 =	simm.s32 $0x1800  }
0x44: {  	[tilespmem:s18], [sflag:$0x1] =	stream.strided.gather [hbm4b:s13+s25], $0x800, s26, s25, $0x38;
	[tilespmem:$0xB080] =	vst v63  }
0x45: {  	s19 =	rddreg [dreg:$0x8];
	s20 =	simm.s32 $0x4000  }
0x46: {  	[tilespmem:s20], [sflag:$0x3] =	stream.linear.gather [hbm4b:s19+s28], $0x80, $0x38;
	[tilespmem:$0xB080] =	vst v63  }
0x47: {  	s7 =	simm.s32 $0x4100;
	s23 =	sadd.s32 $0x80, s19  }
0x48: {  	[tilespmem:s7], [sflag:$0x3] =	stream.linear.gather [hbm4b:s23+s28], $0x80, $0x38;
	[tilespmem:$0xB080] =	vst v63  }
0x49: {  	s29 =	simm.s32 $0x4200;
	s24 =	sadd.s32 $0x100, s19  }
0x4a: {  	[tilespmem:s29], [sflag:$0x3] =	stream.linear.gather [hbm4b:s24+s28], $0x80, $0x38;
	[tilespmem:$0xB080] =	vst v63  }
0x4b: {  	s31 =	simm.s32 $0x4300;
	s30 =	sadd.s32 $0x180, s19  }
0x4c: {  	[tilespmem:s31], [sflag:$0x3] =	stream.linear.gather [hbm4b:s30+s28], $0x80, $0x38;
	[tilespmem:$0xB080] =	vst v63  }
0x4d: {  	s8 =	simm.s32 $0x4400;
	s7 =	sadd.s32 $0x200, s19  }
0x4e: {  	[tilespmem:s8], [sflag:$0x3] =	stream.linear.gather [hbm4b:s7+s28], $0x80, $0x38;
	[tilespmem:$0xB080] =	vst v63  }
0x4f: {  	s9 =	sadd.s32 $0x280, s19;
	s10 =	simm.s32 $0x4500  }
0x50: {  	[tilespmem:s10], [sflag:$0x3] =	stream.linear.gather [hbm4b:s9+s28], $0x80, $0x38;
	[tilespmem:$0xB080] =	vst v63  }
0x51: {  	s11 =	sadd.s32 $0x300, s19;
	s18 =	simm.s32 $0x4600  }
0x52: {  	[tilespmem:s18], [sflag:$0x3] =	stream.linear.gather [hbm4b:s11+s28], $0x80, $0x38;
	[tilespmem:$0xB080] =	vst v63  }
0x53: {  	s20 =	simm.s32 $0x4700;
	s19 =	sadd.s32 $0x380, s19  }
0x54: {  	[tilespmem:s20], [sflag:$0x3] =	stream.linear.gather [hbm4b:s19+s28], $0x80, $0x38;
	[tilespmem:$0xB080] =	vst v63  }
0x55: {  	s2 =	rddreg [dreg:$0x9];
	s23 =	simm.s32 $0x4800  }
0x56: {  	[tilespmem:s23], [sflag:$0x3] =	stream.linear.gather [hbm4b:s2+s28], $0x80, $0x38;
	[tilespmem:$0xB080] =	vst v63  }
0x57: {  	s24 =	sadd.s32 $0x80, s2;
	s29 =	simm.s32 $0x4900  }
0x58: {  	[tilespmem:s29], [sflag:$0x3] =	stream.linear.gather [hbm4b:s24+s28], $0x80, $0x38;
	[tilespmem:$0xB080] =	vst v63  }
0x59: {  	s30 =	sadd.s32 $0x100, s2;
	s31 =	simm.s32 $0x4A00  }
0x5a: {  	[tilespmem:s31], [sflag:$0x3] =	stream.linear.gather [hbm4b:s30+s28], $0x80, $0x38;
	[tilespmem:$0xB080] =	vst v63  }
0x5b: {  	s7 =	sadd.s32 $0x180, s2;
	s8 =	simm.s32 $0x4B00  }
0x5c: {  	[tilespmem:s8], [sflag:$0x3] =	stream.linear.gather [hbm4b:s7+s28], $0x80, $0x38;
	[tilespmem:$0xB080] =	vst v63  }
0x5d: {  	s9 =	sadd.s32 $0x200, s2;
	s10 =	simm.s32 $0x4C00  }
0x5e: {  	[tilespmem:s10], [sflag:$0x3] =	stream.linear.gather [hbm4b:s9+s28], $0x80, $0x38;
	[tilespmem:$0xB080] =	vst v63  }
0x5f: {  	s11 =	sadd.s32 $0x280, s2;
	s18 =	simm.s32 $0x4D00  }
0x60: {  	[tilespmem:s18], [sflag:$0x3] =	stream.linear.gather [hbm4b:s11+s28], $0x80, $0x38;
	[tilespmem:$0xB080] =	vst v63  }
0x61: {  	s19 =	sadd.s32 $0x300, s2;
	s20 =	simm.s32 $0x4E00  }
0x62: {  	[tilespmem:s20], [sflag:$0x3] =	stream.linear.gather [hbm4b:s19+s28], $0x80, $0x38;
	[tilespmem:$0xB080] =	vst v63  }
0x63: {  	s23 =	sadd.s32 $0x380, s2;
	s24 =	simm.s32 $0x4F00  }
0x64: {  	[tilespmem:s24], [sflag:$0x3] =	stream.linear.gather [hbm4b:s23+s28], $0x80, $0x38;
	[tilespmem:$0xB080] =	vst v63  }
0x65: {  	s2 =	rddreg [dreg:$0xa];
	s29 =	simm.s32 $0x5000  }
0x66: {  	[tilespmem:s29], [sflag:$0x3] =	stream.linear.gather [hbm4b:s2+s28], $0x80, $0x38;
	[tilespmem:$0xB080] =	vst v63  }
0x67: {  	s30 =	sadd.s32 $0x80, s2;
	s31 =	simm.s32 $0x5100  }
0x68: {  	[tilespmem:s31], [sflag:$0x3] =	stream.linear.gather [hbm4b:s30+s28], $0x80, $0x38;
	[tilespmem:$0xB080] =	vst v63  }
0x69: {  	s8 =	sadd.s32 $0x100, s2;
	s9 =	simm.s32 $0x5200  }
0x6a: {  	[tilespmem:s9], [sflag:$0x3] =	stream.linear.gather [hbm4b:s8+s28], $0x80, $0x38;
	[tilespmem:$0xB080] =	vst v63  }
0x6b: {  	s10 =	sadd.s32 $0x180, s2;
	s11 =	simm.s32 $0x5300  }
0x6c: {  	[tilespmem:s11], [sflag:$0x3] =	stream.linear.gather [hbm4b:s10+s28], $0x80, $0x38;
	[tilespmem:$0xB080] =	vst v63  }
0x6d: {  	s18 =	sadd.s32 $0x200, s2;
	s19 =	simm.s32 $0x5400  }
0x6e: {  	[tilespmem:s19], [sflag:$0x3] =	stream.linear.gather [hbm4b:s18+s28], $0x80, $0x38;
	[tilespmem:$0xB080] =	vst v63  }
0x6f: {  	s20 =	sadd.s32 $0x280, s2;
	s23 =	simm.s32 $0x5500  }
0x70: {  	[tilespmem:s23], [sflag:$0x3] =	stream.linear.gather [hbm4b:s20+s28], $0x80, $0x38;
	[tilespmem:$0xB080] =	vst v63  }
.Ltmp1:
0x71: {  	_ = 	snop;
	(pc) =	sbr.rel .LBB2_4-.Ltmp1, $4  }
0x72: {  	s24 =	sadd.s32 $0x300, s2;
	s29 =	simm.s32 $0x5600  }
0x73: {  	[tilespmem:s29], [sflag:$0x3] =	stream.linear.gather [hbm4b:s24+s28], $0x80, $0x38;
	[tilespmem:$0xB080] =	vst v63  }
0x74: {  	s30 =	sadd.s32 $0x380, s2;
	s31 =	simm.s32 $0x5700  }
0x75: {  	[tilespmem:s31], [sflag:$0x3] =	stream.linear.gather [hbm4b:s30+s28], $0x80, $0x38;
	[tilespmem:$0xB080] =	vst v63  }
.LBB2_16:
0x76: {  	v8 =	vmov v2;
	v10 =	vmov v3;
	s20 =	smov.u32 s2  }
.LBB2_21:
0x77: {  	_ = 	snop  }
0x78: {  	v11 =	vadd.f32 v37, v44;
	_ =	sdelay $0x1  }
0x79: {  	v14 =	vmul.f32 v42, v8;
	v15 =	vmul.f32 v11, v10  }
0x7a: {  	v16 =	vld.idx.msk [tilespmem:v43+s22+$0x0], $0xffff;
	v18 =	vmul.f32 v42, v10;
	v11 =	vmul.f32 v11, v8  }
0x7b: {  	v14 =	vsub.f32 v14, v15  }
0x7c: {  	v11 =	vadd.f32 v18, v11  }
0x7d: {  	v53 =	vld [tilespmem:s0+$0x5980];
	v12 =	vadd.f32 v14, v12  }
0x7e: {  	v52 =	vcvt.s32.f32 v32;
	v11 =	vadd.f32 v11, v13  }
0x7f: {  	v54 =	vshll.u32 v40, $0x10;
	v19 =	vshll.u32 v16, $0x10;
	[tilespmem:s20+$0x8880] =	vst v12  }
0x80: {  	v15 =	vsub.f32 v30, v52;
	v56 =	vsub.f32 v19, v54;
	[tilespmem:s20+$0x9880] =	vst v11  }
0x81: {  	v55 =	vand.u32 $0xFFFF0000, v40;
	v16 =	vand.u32 $0xFFFF0000, v16;
	v9 =	vld.idx.msk [tilespmem:v9+s22+$0x0], $0xffff  }
0x82: {  	v16 =	vsub.f32 v16, v55;
	v14 =	vadd.f32 v53, v31;
	v57 =	vmul.f32 v56, v15;
	v7 =	vld.idx.msk [tilespmem:v7+s22+$0x0], $0xffff;
	_ =	sdelay $0x1  }
0x83: {  	v58 =	vmul.f32 v16, v15;
	v59 =	vtrunc.f32 v14;
	v11 =	vadd.f32 v54, v57  }
0x84: {  	v13 =	vcvt.f32.s32 v59  }
0x85: {  	v12 =	vadd.f32 v55, v58;
	v61 =	vmul.f32 v11, v24;
	v63 =	vshll.u32 v9, $0x10  }
0x86: {  	v9 =	vand.u32 $0xFFFF0000, v9;
	v20 =	vshll.u32 v7, $0x10;
	v7 =	vand.u32 $0xFFFF0000, v7  }
0x87: {  	v60 =	vld [tilespmem:s0+$0x8900];
	v62 =	vmul.f32 v12, v23;
	v20 =	vsub.f32 v20, v63;
	v7 =	vsub.f32 v7, v9  }
0x88: {  	v21 =	vld [tilespmem:s0+$0x9900];
	v12 =	vmul.f32 v12, v24;
	v11 =	vmul.f32 v11, v23  }
0x89: {  	v26 =	vmul.f32 v20, v22;
	v7 =	vmul.f32 v7, v22  }
0x8a: {  	v16 =	vsub.f32 v61, v62;
	v11 =	vadd.f32 v11, v12  }
0x8b: {  	v30 =	vadd.s32 $0x1800, v13;
	v18 =	vadd.f32 v63, v26;
	v7 =	vadd.f32 v9, v7  }
0x8c: {  	v31 =	vadd.s32 $0x1801, v13;
	v15 =	vadd.f32 v16, v60  }
0x8d: {  	v32 =	vadd.f32 v11, v21;
	v37 =	vmul.f32 v18, v8;
	v40 =	vmul.f32 v7, v10  }
0x8e: {  	[tilespmem:s0+$0x8900] =	vst v15;
	v42 =	vmul.f32 v18, v10;
	v7 =	vmul.f32 v7, v8  }
0x8f: {  	[tilespmem:s0+$0x9900] =	vst v32;
	v11 =	vsub.f32 v37, v40  }
0x90: {  	v12 =	vld.idx.msk [tilespmem:v30+s22+$0x0], $0xffff;
	v7 =	vadd.f32 v42, v7  }
0x91: {  	v43 =	vld.idx.msk [tilespmem:v31+s22+$0x0], $0xffff;
	v11 =	vadd.f32 v11, v27  }
0x92: {  	v13 =	vcvt.s32.f32 v13;
	v9 =	vshll.u32 @p0 v36, $0x10;
	v7 =	vadd.f32 v7, v28  }
0x93: {  	v9 =	vsub.f32 @p0 v9, v35;
	[tilespmem:s20+$0x8900] =	vst v11  }
0x94: {  	v44 =	vsub.f32 v14, v13;
	v16 =	vand.u32 @p0 $0xFFFF0000, v36;
	[tilespmem:s20+$0x9900] =	vst v7  }
0x95: {  	v16 =	vsub.f32 @p0 v16, v33;
	v9 =	vmul.f32 @p0 v9, v41;
	v45 =	vshll.u32 v12, $0x10;
	v49 =	vld.idx.msk [tilespmem:v25+s22+$0x0], $0xffff  }
0x96: {  	v46 =	vand.u32 $0xFFFF0000, v12;
	v47 =	vshll.u32 v43, $0x10;
	v48 =	vand.u32 $0xFFFF0000, v43;
	v50 =	vld.idx.msk [tilespmem:v29+s22+$0x0], $0xffff  }
0x97: {  	v16 =	vmul.f32 @p0 v16, v41;
	v12 =	vsub.f32 v47, v45;
	v14 =	vsub.f32 v48, v46  }
0x98: {  	v9 =	vadd.f32 @p0 v35, v9  }
0x99: {  	v16 =	vadd.f32 @p0 v33, v16;
	v12 =	vmul.f32 v12, v44;
	v11 =	vmul.f32 v14, v44  }
0x9a: {  	v14 =	vmul.f32 @p0 v9, v2;
	v9 =	vmul.f32 @p0 v9, v3;
	v51 =	vshll.u32 v49, $0x10  }
0x9b: {  	v52 =	vand.u32 $0xFFFF0000, v49;
	v53 =	vshll.u32 v50, $0x10;
	v18 =	vand.u32 $0xFFFF0000, v50  }
0x9c: {  	v3 =	vmul.f32 @p0 v16, v3;
	v15 =	vsub.f32 v53, v51;
	v18 =	vsub.f32 v18, v52  }
0x9d: {  	v2 =	vmul.f32 @p0 v16, v2;
	v12 =	vadd.f32 v45, v12;
	v7 =	vadd.f32 v46, v11  }
0x9e: {  	v3 =	vsub.f32 @p0 v14, v3;
	v57 =	vmul.f32 v15, v6;
	v58 =	vmul.f32 v18, v6  }
0x9f: {  	v54 =	vld [tilespmem:s0+$0x9980];
	v2 =	vadd.f32 @p0 v9, v2;
	v55 =	vmul.f32 v7, v24;
	v56 =	vmul.f32 v12, v23  }
0xa0: {  	v12 =	vmul.f32 v12, v24;
	v11 =	vadd.f32 v51, v57;
	v6 =	vadd.f32 v52, v58  }
0xa1: {  	v7 =	vmul.f32 v7, v23;
	v3 =	vadd.f32 @p0 v3, v38;
	v2 =	vadd.f32 @p0 v2, v39  }
0xa2: {  	v59 =	vadd.f32 v56, v55;
	v61 =	vmul.f32 v11, v8;
	v13 =	vmul.f32 v6, v10  }
0xa3: {  	[tilespmem:s7+$0x8980] =	vst @p0 v34;
	v7 =	vsub.f32 v12, v7;
	v62 =	vmul.f32 v11, v10;
	v6 =	vmul.f32 v6, v8  }
0xa4: {  	[tilespmem:s2+$0x8980] =	vst @p0 v3;
	v60 =	vadd.f32 v59, v54;
	v63 =	vsub.f32 v61, v13  }
0xa5: {  	[tilespmem:s2+$0x9980] =	vst @p0 v2;
	v3 =	vadd.f32 v7, v17;
	v6 =	vadd.f32 v62, v6  }
0xa6: {  	[tilespmem:s0+$0x9980] =	vst v60;
	v2 =	vadd.f32 v63, v4  }
0xa7: {  	[tilespmem:s0+$0x8980] =	vst v3;
	v3 =	vadd.f32 v6, v5  }
0xa8: {  	[tilespmem:s20+$0x8980] =	vst v2  }
0xa9: {  	[tilespmem:s20+$0x9980] =	vst v3  }
.LBB2_22:
0xaa: {  	s28 =	sadd.s32 $0x1, s28  }
0xab: {  	p0 =	sne.s32 s28, $0x40  }
.Ltmp2:
0xac: {  	_ = 	snop;
	(pc) =	sbr.rel @!p0 .LBB2_23-.Ltmp2, $1  }
0xad: {  	_ =	sdelay $0x3  }
.LBB2_4:
0xae: {  	s29 =	sshllo.u32 s28, $0x1  }
0xaf: {  	s0 =	sshrl.u32 s28, $0x2;
	s2 =	sshll.u32 s29, $0x7  }
0xb0: {  	s7 =	sshll.u32 s0, $0xE;
	s2 =	sand.u32 $0x380, s2  }
0xb1: {  	s7 =	sor.u32 s7, s2  }
0xb2: {  	s7 =	sshrl.u32 s7, $0x3  }
0xb3: {  	s19 =	rddreg [dreg:$0x7];
	s0 =	sshll.u32 s0, $0x12;
	s8 =	sadd.s32 s3, s7  }
0xb4: {  	[tilespmem:s22], [sflag:$0x2] =	stream.strided.gather [hbm4b:s8+s25], $0x800, s26, s25, $0x38;
	[tilespmem:$0xB080] =	vst v63  }
0xb5: {  	s9 =	simm.s32 $0x2800;
	s0 =	sor.u32 s14, s0;
	s8 =	sadd.s32 s7, s19  }
0xb6: {  	[tilespmem:s9], [sflag:$0x2] =	stream.strided.gather [hbm4b:s8+s25], $0x800, s26, s25, $0x38;
	[tilespmem:$0xB080] =	vst v63  }
0xb7: {  	s23 =	simm.s32 $0x3000;
	s0 =	sor.u32 s0, s2;
	s20 =	sadd.s32 s7, s12  }
0xb8: {  	[tilespmem:s23], [sflag:$0x2] =	stream.strided.gather [hbm4b:s20+s25], $0x800, s26, s25, $0x38;
	[tilespmem:$0xB080] =	vst v63  }
0xb9: {  	s24 =	simm.s32 $0x3800;
	s0 =	sshrl.u32 s0, $0x3;
	s7 =	sadd.s32 s7, s13  }
0xba: {  	[tilespmem:s24], [sflag:$0x2] =	stream.strided.gather [hbm4b:s7+s25], $0x800, s26, s25, $0x38;
	[tilespmem:$0xB080] =	vst v63  }
0xbb: {  	s2 =	sadd.s32 s4, s0;
	s8 =	simm.s32 $0x4080  }
0xbc: {  	[tilespmem:s8], [sflag:$0x4] =	stream.linear.gather [hbm4b:s2+s1], $0x80, $0x38;
	[tilespmem:$0xB080] =	vst v63  }
0xbd: {  	s10 =	simm.s32 $0x4180;
	s9 =	sadd.s32 $0x80, s2  }
0xbe: {  	[tilespmem:s10], [sflag:$0x4] =	stream.linear.gather [hbm4b:s9+s1], $0x80, $0x38;
	[tilespmem:$0xB080] =	vst v63  }
0xbf: {  	s18 =	simm.s32 $0x4280;
	s11 =	sadd.s32 $0x100, s2  }
0xc0: {  	[tilespmem:s18], [sflag:$0x4] =	stream.linear.gather [hbm4b:s11+s1], $0x80, $0x38;
	[tilespmem:$0xB080] =	vst v63  }
0xc1: {  	s19 =	sadd.s32 $0x180, s2;
	s20 =	simm.s32 $0x4380  }
0xc2: {  	[tilespmem:s20], [sflag:$0x4] =	stream.linear.gather [hbm4b:s19+s1], $0x80, $0x38;
	[tilespmem:$0xB080] =	vst v63  }
0xc3: {  	s23 =	sadd.s32 $0x200, s2;
	s24 =	simm.s32 $0x4480  }
0xc4: {  	[tilespmem:s24], [sflag:$0x4] =	stream.linear.gather [hbm4b:s23+s1], $0x80, $0x38;
	[tilespmem:$0xB080] =	vst v63  }
0xc5: {  	s9 =	sadd.s32 $0x280, s2;
	s10 =	simm.s32 $0x4580  }
0xc6: {  	[tilespmem:s10], [sflag:$0x4] =	stream.linear.gather [hbm4b:s9+s1], $0x80, $0x38;
	[tilespmem:$0xB080] =	vst v63  }
0xc7: {  	s11 =	sadd.s32 $0x300, s2;
	s18 =	simm.s32 $0x4680  }
0xc8: {  	[tilespmem:s18], [sflag:$0x4] =	stream.linear.gather [hbm4b:s11+s1], $0x80, $0x38;
	[tilespmem:$0xB080] =	vst v63  }
0xc9: {  	s2 =	sadd.s32 $0x380, s2;
	s19 =	simm.s32 $0x4780  }
0xca: {  	[tilespmem:s19], [sflag:$0x4] =	stream.linear.gather [hbm4b:s2+s1], $0x80, $0x38;
	[tilespmem:$0xB080] =	vst v63  }
0xcb: {  	s20 =	simm.s32 $0x4880;
	s2 =	sadd.s32 s5, s0  }
0xcc: {  	[tilespmem:s20], [sflag:$0x4] =	stream.linear.gather [hbm4b:s2+s1], $0x80, $0x38;
	[tilespmem:$0xB080] =	vst v63  }
0xcd: {  	s24 =	simm.s32 $0x4980;
	s23 =	sadd.s32 $0x80, s2  }
0xce: {  	[tilespmem:s24], [sflag:$0x4] =	stream.linear.gather [hbm4b:s23+s1], $0x80, $0x38;
	[tilespmem:$0xB080] =	vst v63  }
0xcf: {  	s10 =	simm.s32 $0x4A80;
	s9 =	sadd.s32 $0x100, s2  }
0xd0: {  	[tilespmem:s10], [sflag:$0x4] =	stream.linear.gather [hbm4b:s9+s1], $0x80, $0x38;
	[tilespmem:$0xB080] =	vst v63  }
0xd1: {  	s18 =	simm.s32 $0x4B80;
	s11 =	sadd.s32 $0x180, s2  }
0xd2: {  	[tilespmem:s18], [sflag:$0x4] =	stream.linear.gather [hbm4b:s11+s1], $0x80, $0x38;
	[tilespmem:$0xB080] =	vst v63  }
0xd3: {  	s19 =	sadd.s32 $0x200, s2;
	s20 =	simm.s32 $0x4C80  }
0xd4: {  	[tilespmem:s20], [sflag:$0x4] =	stream.linear.gather [hbm4b:s19+s1], $0x80, $0x38;
	[tilespmem:$0xB080] =	vst v63  }
0xd5: {  	s23 =	sadd.s32 $0x280, s2;
	s24 =	simm.s32 $0x4D80  }
0xd6: {  	[tilespmem:s24], [sflag:$0x4] =	stream.linear.gather [hbm4b:s23+s1], $0x80, $0x38;
	[tilespmem:$0xB080] =	vst v63  }
0xd7: {  	s9 =	sadd.s32 $0x300, s2;
	s10 =	simm.s32 $0x4E80  }
0xd8: {  	[tilespmem:s10], [sflag:$0x4] =	stream.linear.gather [hbm4b:s9+s1], $0x80, $0x38;
	[tilespmem:$0xB080] =	vst v63  }
0xd9: {  	s2 =	sadd.s32 $0x380, s2;
	s11 =	simm.s32 $0x4F80  }
0xda: {  	[tilespmem:s11], [sflag:$0x4] =	stream.linear.gather [hbm4b:s2+s1], $0x80, $0x38;
	[tilespmem:$0xB080] =	vst v63  }
0xdb: {  	s0 =	sadd.s32 s6, s0;
	s18 =	simm.s32 $0x5080  }
0xdc: {  	[tilespmem:s18], [sflag:$0x4] =	stream.linear.gather [hbm4b:s0+s1], $0x80, $0x38;
	[tilespmem:$0xB080] =	vst v63  }
0xdd: {  	s19 =	sadd.s32 $0x80, s0;
	s20 =	simm.s32 $0x5180  }
0xde: {  	[tilespmem:s20], [sflag:$0x4] =	stream.linear.gather [hbm4b:s19+s1], $0x80, $0x38;
	[tilespmem:$0xB080] =	vst v63  }
0xdf: {  	s23 =	sadd.s32 $0x100, s0;
	s24 =	simm.s32 $0x5280  }
0xe0: {  	[tilespmem:s24], [sflag:$0x4] =	stream.linear.gather [hbm4b:s23+s1], $0x80, $0x38;
	[tilespmem:$0xB080] =	vst v63  }
0xe1: {  	s8 =	simm.s32 $0x5380;
	s7 =	sadd.s32 $0x180, s0  }
0xe2: {  	[tilespmem:s8], [sflag:$0x4] =	stream.linear.gather [hbm4b:s7+s1], $0x80, $0x38;
	[tilespmem:$0xB080] =	vst v63  }
0xe3: {  	s9 =	sadd.s32 $0x200, s0;
	s10 =	simm.s32 $0x5480  }
0xe4: {  	[tilespmem:s10], [sflag:$0x4] =	stream.linear.gather [hbm4b:s9+s1], $0x80, $0x38;
	[tilespmem:$0xB080] =	vst v63  }
0xe5: {  	s11 =	sadd.s32 $0x280, s0;
	s18 =	simm.s32 $0x5580  }
0xe6: {  	[tilespmem:s18], [sflag:$0x4] =	stream.linear.gather [hbm4b:s11+s1], $0x80, $0x38;
	[tilespmem:$0xB080] =	vst v63  }
0xe7: {  	s19 =	sadd.s32 $0x300, s0;
	s20 =	simm.s32 $0x5680  }
0xe8: {  	[tilespmem:s20], [sflag:$0x4] =	stream.linear.gather [hbm4b:s19+s1], $0x80, $0x38;
	[tilespmem:$0xB080] =	vst v63  }
0xe9: {  	s0 =	sadd.s32 $0x380, s0;
	s23 =	simm.s32 $0x5780  }
0xea: {  	[tilespmem:s23], [sflag:$0x4] =	stream.linear.gather [hbm4b:s0+s1], $0x80, $0x38;
	[tilespmem:$0xB080] =	vst v63  }
0xeb: {  	_ =	swait.ge [sflag:s21], $0x800  }
0xec: {  	[sflag:s21] =	ssyncset.done $0x0  }
0xed: {  	[sflag:s21] =	ssyncadd.s32 $0xFFFFF800  }
0xee: {  	_ =	swait.ge [sflag:s21], $0x800  }
0xef: {  	[sflag:s21] =	ssyncset.done $0x0  }
0xf0: {  	[sflag:s21] =	ssyncadd.s32 $0xFFFFF800  }
0xf1: {  	_ =	swait.ge [sflag:s21], $0x800  }
0xf2: {  	[sflag:s21] =	ssyncset.done $0x0  }
0xf3: {  	[sflag:s21] =	ssyncadd.s32 $0xFFFFF800  }
0xf4: {  	_ =	swait.ge [sflag:s21], $0x800  }
0xf5: {  	[sflag:s21] =	ssyncset.done $0x0  }
0xf6: {  	[sflag:s21] =	ssyncadd.s32 $0xFFFFF800  }
0xf7: {  	_ =	swait.ge [sflag:s15], $0x400  }
0xf8: {  	[sflag:s15] =	ssyncset.done $0x0  }
0xf9: {  	[sflag:s15] =	ssyncadd.s32 $0xFFFFFC00  }
0xfa: {  	_ =	swait.ge [sflag:s15], $0x400  }
0xfb: {  	[sflag:s15] =	ssyncset.done $0x0  }
0xfc: {  	[sflag:s15] =	ssyncadd.s32 $0xFFFFFC00  }
0xfd: {  	_ =	swait.ge [sflag:s15], $0x400  }
0xfe: {  	s31 =	sshll.u32 s28, $0x1;
	[sflag:s15] =	ssyncset.done $0x0  }
0xff: {  	s30 =	sand.u32 $0x70, s31;
	[sflag:s15] =	ssyncadd.s32 $0xFFFFFC00  }
0x100: {  	v2 =	vld [tilespmem:s30+$0xB000];
	_ =	sdelay $0x2  }
0x101: {  	s24 =	sand.u32 $0xE, s31  }
0x102: {  	v3 =	vmov s24  }
0x103: {  	vm0 =	veq.s32 v3, v1;
	v2 =	vxor.u32 $0x80000000, v2  }
0x104: {  	v2 =	vnsel vm0, $0x80000000, v2  }
0x105: {  	(xrf0) =	vmax.scan.msk.u32 $0xffff, v2;
	_ =	sdelay $0x5  }
0x106: {  	v2, _, _ =	vpop (xrf0)  }
0x107: {  	(v2sf) =	vpush v2, $0xF;
	_ =	sdelay $0xe  }
0x108: {  	s0 =	spop (v2sf)  }
0x109: {  	s2 =	sshll.u32 s0, $0x2  }
0x10a: {  	p0 =	sgt.s32 s2, $0x3F  }
.Ltmp3:
0x10b: {  	_ = 	snop;
	(pc) =	sbr.rel @p0 .LBB2_12-.Ltmp3, $1  }
0x10c: {  	_ =	sdelay $0x3  }
0x10d: {  	s0 =	sshll.u32 s0, $0x6  }
0x10e: {  	s7 =	sshrl.u32 s0, $0x7;
	s8 =	sand.u32 $0x60, s0  }
0x10f: {  	s9 =	sshll.u32 s7, $0x8;
	s20 =	sor.u32 $0x10, s8  }
0x110: {  	s7 =	sshll.u32 s7, $0x9;
	s24 =	sor.u32 s20, s9  }
0x111: {  	s23 =	sor.u32 s20, s7;
	v31 =	vld [tilespmem:s24+$0x4000]  }
0x112: {  	v2 =	vld [tilespmem:s23+$0x5800];
	_ =	sdelay $0x1  }
0x113: {  	s9 =	sor.u32 s8, s9  }
0x114: {  	s20 =	sor.u32 s8, s7;
	v6 =	vld [tilespmem:s9+$0x4000]  }
0x115: {  	v3 =	vld [tilespmem:s20+$0x5800]  }
0x116: {  	v2 =	vadd.f32 v2, v31;
	_ =	sdelay $0x1  }
0x117: {  	v4 =	vtrunc.f32 v2  }
0x118: {  	v4 =	vcvt.f32.s32 v4  }
0x119: {  	v3 =	vadd.f32 v3, v6  }
0x11a: {  	v5 =	vadd.s32 $0x1, v4  }
0x11b: {  	v7 =	vtrunc.f32 v3  }
0x11c: {  	v7 =	vcvt.f32.s32 v7  }
0x11d: {  	v10 =	vld [tilespmem:s23+$0x5880]  }
0x11e: {  	v8 =	vadd.s32 $0x1, v7;
	v9 =	vld.idx.msk [tilespmem:v4+s1+$0x0], $0xffff  }
0x11f: {  	v5 =	vld.idx.msk [tilespmem:v5+s1+$0x0], $0xffff;
	_ =	sdelay $0x1  }
0x120: {  	v4 =	vcvt.s32.f32 v4  }
0x121: {  	v10 =	vadd.f32 v10, v31;
	v11 =	vld.idx.msk [tilespmem:v7+s1+$0x0], $0xffff  }
0x122: {  	v7 =	vcvt.s32.f32 v7;
	v8 =	vld.idx.msk [tilespmem:v8+s1+$0x0], $0xffff;
	v2 =	vsub.f32 v2, v4;
	v4 =	vshll.u32 v9, $0x10  }
0x123: {  	v9 =	vand.u32 $0xFFFF0000, v9;
	v12 =	vshll.u32 v5, $0x10;
	v5 =	vand.u32 $0xFFFF0000, v5  }
0x124: {  	v24 =	vld [tilespmem:s24+$0x4800];
	v12 =	vsub.f32 v12, v4;
	v5 =	vsub.f32 v5, v9  }
0x125: {  	v23 =	vld [tilespmem:s24+$0x5000];
	v7 =	vsub.f32 v3, v7;
	v3 =	vtrunc.f32 v10  }
0x126: {  	v12 =	vmul.f32 v12, v2;
	v5 =	vmul.f32 v5, v2  }
0x127: {  	v15 =	vcvt.f32.s32 v3;
	v13 =	vshll.u32 v8, $0x10  }
0x128: {  	v14 =	vld [tilespmem:s20+$0x5880];
	v4 =	vadd.f32 v4, v12;
	v5 =	vadd.f32 v9, v5;
	v9 =	vshll.u32 v11, $0x10  }
0x129: {  	v8 =	vand.u32 $0xFFFF0000, v8;
	v12 =	vld [tilespmem:s23+$0x8800];
	v11 =	vand.u32 $0xFFFF0000, v11;
	v13 =	vsub.f32 v13, v9  }
0x12a: {  	v18 =	vld [tilespmem:s23+$0x9800];
	v8 =	vsub.f32 v8, v11;
	v16 =	vmul.f32 v4, v24;
	v17 =	vmul.f32 v5, v23  }
0x12b: {  	v3 =	vld [tilespmem:s9+$0x5000];
	v5 =	vmul.f32 v5, v24;
	v4 =	vmul.f32 v4, v23  }
0x12c: {  	v2 =	vld [tilespmem:s9+$0x4800];
	v13 =	vmul.f32 v13, v7;
	v7 =	vmul.f32 v8, v7;
	v16 =	vsub.f32 v16, v17  }
0x12d: {  	v8 =	vadd.f32 v14, v6;
	v4 =	vadd.f32 v4, v5;
	v5 =	vadd.s32 $0x800, v15  }
0x12e: {  	v19 =	vld [tilespmem:s20+$0x8800];
	v22 =	vadd.s32 $0x801, v15;
	v9 =	vadd.f32 v9, v13;
	v16 =	vadd.f32 v16, v12  }
0x12f: {  	v21 =	vld [tilespmem:s20+$0x5900];
	v7 =	vadd.f32 v11, v7;
	v4 =	vadd.f32 v4, v18  }
0x130: {  	v20 =	vld [tilespmem:s20+$0x9800];
	v11 =	vtrunc.f32 v8;
	[tilespmem:s23+$0x8800] =	vst v16  }
0x131: {  	v18 =	vld [tilespmem:s20+$0x5980];
	v14 =	vmul.f32 v7, v3;
	[tilespmem:s23+$0x9800] =	vst v4;
	v4 =	vmul.f32 v9, v2  }
0x132: {  	v7 =	vmul.f32 v7, v2;
	v9 =	vmul.f32 v9, v3;
	v5 =	vld.idx.msk [tilespmem:v5+s1+$0x0], $0xffff  }
0x133: {  	v11 =	vcvt.f32.s32 v11;
	v16 =	vld.idx.msk [tilespmem:v22+s1+$0x0], $0xffff;
	v4 =	vsub.f32 v4, v14  }
0x134: {  	v14 =	vadd.f32 v21, v6;
	v7 =	vadd.f32 v9, v7  }
0x135: {  	v9 =	vcvt.s32.f32 v15;
	v15 =	vadd.s32 $0x800, v11;
	v21 =	vadd.s32 $0x801, v11  }
0x136: {  	v22 =	vld [tilespmem:s23+$0x5900];
	v11 =	vcvt.s32.f32 v11;
	v6 =	vadd.f32 v18, v6;
	v19 =	vadd.f32 v4, v19  }
0x137: {  	v7 =	vadd.f32 v7, v20;
	v9 =	vsub.f32 v10, v9;
	v10 =	vshll.u32 v5, $0x10  }
0x138: {  	v20 =	vand.u32 $0xFFFF0000, v5;
	v25 =	vshll.u32 v16, $0x10;
	v16 =	vand.u32 $0xFFFF0000, v16  }
0x139: {  	v25 =	vsub.f32 v25, v10;
	v16 =	vsub.f32 v16, v20  }
0x13a: {  	v26 =	vtrunc.f32 v14;
	v8 =	vsub.f32 v8, v11;
	v11 =	vtrunc.f32 v6;
	[tilespmem:s20+$0x8800] =	vst v19  }
0x13b: {  	[tilespmem:s20+$0x9800] =	vst v7;
	v30 =	vadd.f32 v22, v31;
	v7 =	vmul.f32 v25, v9;
	v9 =	vmul.f32 v16, v9  }
0x13c: {  	v26 =	vcvt.f32.s32 v26;
	v11 =	vcvt.f32.s32 v11;
	v15 =	vld.idx.msk [tilespmem:v15+s1+$0x0], $0xffff  }
0x13d: {  	v18 =	vld.idx.msk [tilespmem:v21+s1+$0x0], $0xffff;
	v10 =	vadd.f32 v10, v7;
	v19 =	vadd.f32 v20, v9;
	v7 =	vtrunc.f32 v30  }
0x13e: {  	v16 =	vcvt.s32.f32 v26;
	v20 =	vld [tilespmem:s23+$0x8880];
	v32 =	vcvt.f32.s32 v7  }
0x13f: {  	v25 =	vld [tilespmem:s23+$0x9880];
	v21 =	vmul.f32 v10, v24;
	v22 =	vmul.f32 v19, v23  }
0x140: {  	s2 =	sadd.s32 $0xFFFFFFFE, s2;
	v27 =	vld [tilespmem:s20+$0x8900];
	v9 =	vadd.s32 $0x1000, v26;
	v19 =	vmul.f32 v19, v24;
	v10 =	vmul.f32 v10, v23  }
0x141: {  	s7 =	sadd.s32 $0x2, s2;
	v28 =	vld [tilespmem:s20+$0x9900];
	v7 =	vadd.s32 $0x1001, v26;
	v26 =	vshll.u32 v15, $0x10;
	v21 =	vsub.f32 v21, v22  }
0x142: {  	p1 =	slt.s32 s7, $0x3E;
	v17 =	vld [tilespmem:s23+$0x8980];
	v22 =	vshll.u32 v18, $0x10;
	v10 =	vadd.f32 v10, v19;
	v19 =	vadd.s32 $0x1000, v32  }
.Ltmp4:
0x143: {  	v13 =	vld [tilespmem:s20+$0x9880];
	v33 =	vcvt.s32.f32 v11;
	v29 =	vsub.f32 v22, v26;
	v20 =	vadd.f32 v21, v20;
	(pc) =	sbr.rel @!p1 .LBB2_6-.Ltmp4, $4  }
0x144: {  	v12 =	vld [tilespmem:s20+$0x8880];
	v37 =	vand.u32 $0xFFFF0000, v15;
	v15 =	vand.u32 $0xFFFF0000, v18;
	v10 =	vadd.f32 v10, v25  }
0x145: {  	v4 =	vld [tilespmem:s20+$0x8980];
	v22 =	vsub.f32 v14, v16;
	v14 =	vsub.f32 v15, v37;
	v15 =	vmul.f32 v29, v8;
	[tilespmem:s23+$0x8880] =	vst v20  }
0x146: {  	v5 =	vld [tilespmem:s20+$0x9980];
	v6 =	vsub.f32 v6, v33;
	v43 =	vadd.s32 $0x1001, v32;
	v25 =	vadd.s32 $0x1800, v11;
	[tilespmem:s23+$0x9880] =	vst v10  }
0x147: {  	p0 =	por $0x0, $0x0;
	s8 =	sadd.s32 $0x20, s0;
	v29 =	vadd.s32 $0x1801, v11;
	v44 =	vmul.f32 v14, v8;
	v42 =	vadd.f32 v26, v15;
	v40 =	vld.idx.msk [tilespmem:v19+s1+$0x0], $0xffff  }
0x148: {  	_ =	sdelay $0x2  }
0x149: {  	s0 =	sshrl.u32 s8, $0x7;
	s2 =	sand.u32 $0x60, s8  }
0x14a: {  	v8 =	vld.idx.msk [tilespmem:v43+s1+$0x0], $0xffff;
	s9 =	sshll.u32 s0, $0x8;
	s10 =	sor.u32 $0x10, s2  }
0x14b: {  	v10 =	vld [tilespmem:s23+$0x5980];
	s18 =	sshll.u32 s0, $0x9;
	s24 =	sor.u32 s10, s9  }
0x14c: {  	v14 =	vcvt.s32.f32 v32;
	v15 =	vadd.f32 v37, v44;
	s0 =	sor.u32 s10, s18;
	v11 =	vld [tilespmem:s24+$0x4000]  }
0x14d: {  	v16 =	vld [tilespmem:s0+$0x5800]  }
0x14e: {  	v26 =	vmul.f32 v42, v3;
	v14 =	vsub.f32 v30, v14;
	v51 =	vmul.f32 v15, v3  }
0x14f: {  	v15 =	vmul.f32 v15, v2;
	v20 =	vshll.u32 v40, $0x10;
	v21 =	vand.u32 $0xFFFF0000, v40  }
0x150: {  	s9 =	sor.u32 s2, s9;
	s2 =	sor.u32 s2, s18;
	v18 =	vshll.u32 v8, $0x10;
	v8 =	vand.u32 $0xFFFF0000, v8;
	v10 =	vadd.f32 v10, v31  }
0x151: {  	v19 =	vmul.f32 v42, v2;
	v31 =	vld [tilespmem:s2+$0x5800];
	v30 =	vsub.f32 v18, v20;
	v8 =	vsub.f32 v8, v21  }
0x152: {  	v15 =	vadd.f32 v26, v15;
	v18 =	vld [tilespmem:s9+$0x4000];
	v16 =	vadd.f32 v16, v11  }
0x153: {  	v30 =	vmul.f32 v30, v14;
	v8 =	vmul.f32 v8, v14;
	v14 =	vsub.f32 v19, v51;
	v19 =	vld [tilespmem:s2+$0x5880]  }
0x154: {  	v26 =	vtrunc.f32 v10;
	v13 =	vadd.f32 v15, v13  }
0x155: {  	v52 =	vtrunc.f32 v16;
	v20 =	vadd.f32 v20, v30;
	v8 =	vadd.f32 v21, v8  }
0x156: {  	v12 =	vadd.f32 v14, v12;
	v21 =	vld [tilespmem:s23+$0x8900];
	v30 =	vcvt.f32.s32 v26;
	v14 =	vcvt.f32.s32 v52  }
0x157: {  	v53 =	vld [tilespmem:s23+$0x9900];
	v31 =	vadd.f32 v31, v18;
	v15 =	vmul.f32 v20, v24;
	v26 =	vmul.f32 v8, v23  }
0x158: {  	v33 =	vld [tilespmem:s2+$0x5900];
	[tilespmem:s20+$0x9880] =	vst v13;
	v8 =	vmul.f32 v8, v24;
	v20 =	vmul.f32 v20, v23;
	v19 =	vadd.f32 v19, v18  }
0x159: {  	[tilespmem:s20+$0x8880] =	vst v12;
	v12 =	vtrunc.f32 v31;
	v34 =	vadd.s32 $0x1, v14;
	v15 =	vsub.f32 v15, v26  }
0x15a: {  	v9 =	vld.idx.msk [tilespmem:v9+s1+$0x0], $0xffff;
	v8 =	vadd.f32 v20, v8;
	v20 =	vadd.s32 $0x1800, v30;
	v12 =	vcvt.f32.s32 v12  }
0x15b: {  	v13 =	vadd.f32 v15, v21;
	v15 =	vadd.s32 $0x1801, v30  }
0x15c: {  	v35 =	vld.idx.msk [tilespmem:v7+s1+$0x0], $0xffff;
	v21 =	vtrunc.f32 v19;
	v8 =	vadd.f32 v8, v53;
	v7 =	vcvt.s32.f32 v12  }
0x15d: {  	v33 =	vadd.f32 v33, v18;
	v30 =	vcvt.s32.f32 v30;
	v21 =	vcvt.f32.s32 v21;
	v36 =	vld.idx.msk [tilespmem:v14+s1+$0x0], $0xffff;
	[tilespmem:s23+$0x8900] =	vst v13  }
0x15e: {  	v14 =	vcvt.s32.f32 v14;
	v13 =	vadd.s32 $0x1, v12;
	[tilespmem:s23+$0x9900] =	vst v8;
	v37 =	vsub.f32 v31, v7;
	v34 =	vld.idx.msk [tilespmem:v34+s1+$0x0], $0xffff  }
0x15f: {  	v7 =	vtrunc.f32 v33;
	v38 =	vshll.u32 v9, $0x10;
	v26 =	vadd.s32 $0x800, v21;
	v8 =	vld.idx.msk [tilespmem:v20+s1+$0x0], $0xffff  }
0x160: {  	v32 =	vadd.s32 $0x801, v21;
	v20 =	vcvt.s32.f32 v21;
	v21 =	vcvt.f32.s32 v7;
	v15 =	vld.idx.msk [tilespmem:v15+s1+$0x0], $0xffff  }
0x161: {  	v39 =	vand.u32 $0xFFFF0000, v9;
	v10 =	vsub.f32 v10, v30;
	v16 =	vsub.f32 v16, v14  }
0x162: {  	v31 =	vsub.f32 v19, v20;
	v19 =	vshll.u32 v35, $0x10;
	v9 =	vadd.s32 $0x1000, v21  }
0x163: {  	v30 =	vld [tilespmem:s0+$0x5880];
	v7 =	vadd.s32 $0x1001, v21;
	v20 =	vshll.u32 v36, $0x10;
	v36 =	vand.u32 $0xFFFF0000, v36  }
0x164: {  	v12 =	vld.idx.msk [tilespmem:v12+s1+$0x0], $0xffff;
	v41 =	vshll.u32 v34, $0x10;
	v54 =	vshll.u32 v8, $0x10;
	v8 =	vand.u32 $0xFFFF0000, v8  }
0x165: {  	v13 =	vld.idx.msk [tilespmem:v13+s1+$0x0], $0xffff;
	v41 =	vsub.f32 v41, v20;
	v14 =	vshll.u32 v15, $0x10;
	v15 =	vand.u32 $0xFFFF0000, v15  }
0x166: {  	v34 =	vand.u32 $0xFFFF0000, v34;
	v55 =	vsub.f32 v14, v54;
	v15 =	vsub.f32 v15, v8  }
0x167: {  	v52 =	vcvt.s32.f32 v21;
	v34 =	vsub.f32 v34, v36;
	v41 =	vmul.f32 v41, v16;
	v14 =	vld [tilespmem:s24+$0x4800]  }
0x168: {  	v19 =	vsub.f32 v19, v38;
	v42 =	vmul.f32 v55, v10;
	v10 =	vmul.f32 v15, v10;
	v15 =	vld [tilespmem:s24+$0x5000]  }
0x169: {  	v30 =	vadd.f32 v30, v11;
	v61 =	vshll.u32 v12, $0x10;
	v16 =	vmul.f32 v34, v16  }
0x16a: {  	v12 =	vand.u32 $0xFFFF0000, v12;
	v56 =	vshll.u32 v13, $0x10;
	v20 =	vadd.f32 v20, v41  }
0x16b: {  	v16 =	vadd.f32 v36, v16;
	v58 =	vadd.f32 v8, v10;
	v10 =	vtrunc.f32 v30  }
0x16c: {  	v62 =	vld [tilespmem:s0+$0x8800];
	v13 =	vand.u32 $0xFFFF0000, v13;
	v63 =	vsub.f32 v56, v61;
	v45 =	vcvt.f32.s32 v10  }
0x16d: {  	v48 =	vld [tilespmem:s0+$0x9800];
	v13 =	vsub.f32 v13, v12;
	v46 =	vmul.f32 v20, v14;
	v47 =	vmul.f32 v16, v15  }
0x16e: {  	v21 =	vld [tilespmem:s23+$0x9980];
	v57 =	vadd.f32 v54, v42;
	v16 =	vmul.f32 v16, v14;
	v20 =	vmul.f32 v20, v15  }
0x16f: {  	v8 =	vld [tilespmem:s9+$0x4800];
	v41 =	vmul.f32 v63, v37;
	v59 =	vmul.f32 v58, v24;
	v46 =	vsub.f32 v46, v47  }
0x170: {  	v10 =	vld [tilespmem:s9+$0x5000];
	v60 =	vmul.f32 v57, v23;
	v49 =	vadd.s32 $0x800, v45;
	v20 =	vadd.f32 v20, v16  }
0x171: {  	v50 =	vld [tilespmem:s2+$0x5980];
	v13 =	vmul.f32 v13, v37;
	v54 =	vadd.s32 $0x801, v45;
	v44 =	vadd.f32 v46, v62  }
0x172: {  	v35 =	vand.u32 $0xFFFF0000, v35;
	v36 =	vadd.f32 v60, v59;
	v20 =	vadd.f32 v20, v48  }
0x173: {  	v53 =	vld [tilespmem:s2+$0x8800];
	v19 =	vmul.f32 v19, v22;
	v56 =	vadd.f32 v61, v41;
	v13 =	vadd.f32 v12, v13;
	[tilespmem:s0+$0x8800] =	vst v44  }
0x174: {  	v55 =	vld [tilespmem:s2+$0x9800];
	v24 =	vmul.f32 v57, v24;
	v23 =	vmul.f32 v58, v23;
	v41 =	vadd.f32 v36, v21;
	[tilespmem:s0+$0x9800] =	vst v20  }
0x175: {  	v21 =	vmul.f32 v56, v8;
	v58 =	vmul.f32 v13, v10;
	v20 =	vsub.f32 v35, v39;
	v57 =	vld.idx.msk [tilespmem:v49+s1+$0x0], $0xffff  }
0x176: {  	v40 =	vadd.f32 v50, v18;
	v59 =	vmul.f32 v13, v8;
	v34 =	vmul.f32 v56, v10;
	v44 =	vld.idx.msk [tilespmem:v54+s1+$0x0], $0xffff  }
0x177: {  	v38 =	vadd.f32 v38, v19;
	v19 =	vmul.f32 v20, v22;
	v20 =	vsub.f32 v21, v58  }
0x178: {  	v24 =	vsub.f32 v24, v23;
	v21 =	vadd.f32 v34, v59;
	v22 =	vcvt.s32.f32 v45  }
0x179: {  	v61 =	vmul.f32 v38, v2;
	v39 =	vadd.f32 v39, v19;
	v62 =	vadd.f32 v20, v53  }
0x17a: {  	v63 =	vld [tilespmem:s0+$0x5900];
	v38 =	vmul.f32 v38, v3;
	v37 =	vadd.f32 v21, v55;
	v30 =	vsub.f32 v30, v22  }
0x17b: {  	v48 =	vshll.u32 v57, $0x10;
	v35 =	vand.u32 $0xFFFF0000, v57;
	v22 =	vshll.u32 v44, $0x10;
	[tilespmem:s2+$0x8800] =	vst v62  }
0x17c: {  	v44 =	vand.u32 $0xFFFF0000, v44;
	v50 =	vmul.f32 v39, v3;
	v39 =	vmul.f32 v39, v2;
	[tilespmem:s2+$0x9800] =	vst v37  }
0x17d: {  	v60 =	vtrunc.f32 v40;
	v49 =	vsub.f32 v22, v48;
	v44 =	vsub.f32 v44, v35;
	v26 =	vld.idx.msk [tilespmem:v26+s1+$0x0], $0xffff  }
0x17e: {  	v36 =	vcvt.f32.s32 v60;
	v22 =	vsub.f32 v33, v52;
	v54 =	vld.idx.msk [tilespmem:v32+s1+$0x0], $0xffff;
	v53 =	vadd.f32 v38, v39  }
0x17f: {  	v51 =	vmul.f32 v49, v30;
	v52 =	vmul.f32 v44, v30;
	v30 =	vadd.f32 v63, v11  }
0x180: {  	v18 =	vld [tilespmem:s2+$0x8900];
	v56 =	vcvt.s32.f32 v36;
	v33 =	vsub.f32 v61, v50;
	v28 =	vadd.f32 v53, v28  }
0x181: {  	v12 =	vld [tilespmem:s2+$0x8880];
	v37 =	vadd.f32 v48, v51;
	v35 =	vadd.f32 v35, v52;
	v55 =	vtrunc.f32 v30  }
0x182: {  	v57 =	vld [tilespmem:s0+$0x8880];
	v27 =	vadd.f32 v33, v27;
	v32 =	vcvt.f32.s32 v55;
	v60 =	vshll.u32 v26, $0x10  }
0x183: {  	v59 =	vld [tilespmem:s0+$0x9880];
	[tilespmem:s20+$0x9900] =	vst v28;
	v28 =	vshll.u32 v54, $0x10;
	v58 =	vmul.f32 v37, v14;
	v42 =	vmul.f32 v35, v15  }
0x184: {  	v16 =	vld [tilespmem:s0+$0x8980];
	[tilespmem:s20+$0x8900] =	vst v27;
	v62 =	vand.u32 $0xFFFF0000, v54;
	v23 =	vmul.f32 v35, v14;
	v27 =	vmul.f32 v37, v15  }
0x185: {  	s24 =	sadd.s32 $0x2, s7;
	v13 =	vld [tilespmem:s2+$0x9880];
	v37 =	vand.u32 $0xFFFF0000, v26;
	v28 =	vsub.f32 v28, v60;
	v26 =	vsub.f32 v58, v42  }
0x186: {  	p1 =	slt.s32 s24, $0x3E;
	v61 =	vld.idx.msk [tilespmem:v25+s1+$0x0], $0xffff;
	v25 =	vadd.s32 $0x1800, v36;
	v23 =	vadd.f32 v27, v23;
	v27 =	vadd.s32 $0x1000, v32  }
.Ltmp5:
0x187: {  	v43 =	vadd.s32 $0x1001, v32;
	v33 =	vadd.f32 v26, v57;
	v26 =	vadd.s32 $0x1801, v36;
	v36 =	vld.idx.msk [tilespmem:v29+s1+$0x0], $0xffff;
	(pc) =	sbr.rel @!p1 .LBB2_8-.Ltmp5, $4  }
0x188: {  	v20 =	vld [tilespmem:s2+$0x9900];
	v38 =	vsub.f32 v62, v37;
	v63 =	vadd.f32 v23, v59  }
0x189: {  	v21 =	vld [tilespmem:s2+$0x8980];
	v28 =	vmul.f32 v28, v31;
	[tilespmem:s0+$0x8880] =	vst v33  }
0x18a: {  	v34 =	vadd.f32 v24, v17;
	v19 =	vld [tilespmem:s2+$0x9980];
	v44 =	vmul.f32 v38, v31;
	v23 =	vsub.f32 v40, v56;
	[tilespmem:s0+$0x9880] =	vst v63  }
0x18b: {  	p0 =	por $0x1, $0x1;
	s7 =	sadd.s32 $0x20, s8;
	[tilespmem:s23+$0x9980] =	vst v41;
	v42 =	vadd.f32 v60, v28;
	v35 =	vshll.u32 v61, $0x10;
	v33 =	vand.u32 $0xFFFF0000, v61;
	v40 =	vld.idx.msk [tilespmem:v27+s1+$0x0], $0xffff  }
.LBB2_9:
0x18c: {  	s8 =	sshrl.u32 s7, $0x7;
	s10 =	sand.u32 $0x60, s7;
	v17 =	vadd.f32 v37, v44;
	v24 =	vld.idx.msk [tilespmem:v43+s1+$0x0], $0xffff;
	v27 =	vshll.u32 v36, $0x10;
	v28 =	vand.u32 $0xFFFF0000, v36;
	[tilespmem:s23+$0x8980] =	vst v34;
	s23 =	smov.u32 s0  }
0x18d: {  	s0 =	sshll.u32 s8, $0x8;
	s18 =	sor.u32 $0x10, s10;
	v29 =	vmul.f32 v42, v8;
	v31 =	vmul.f32 v42, v10;
	v27 =	vsub.f32 v27, v35  }
0x18e: {  	s11 =	sshll.u32 s8, $0x9;
	v28 =	vsub.f32 v28, v33;
	s19 =	sor.u32 s10, s0;
	s9 =	sor.u32 s18, s0;
	v34 =	vmul.f32 v17, v10;
	v17 =	vmul.f32 v17, v8;
	v36 =	vld [tilespmem:s23+$0x5980]  }
0x18f: {  	v32 =	vcvt.s32.f32 v32;
	s8 =	sor.u32 s10, s11;
	s0 =	sor.u32 s18, s11;
	v37 =	vld [tilespmem:s9+$0x4000];
	v27 =	vmul.f32 v27, v6  }
0x190: {  	v28 =	vmul.f32 v28, v6;
	v6 =	vmovc v23;
	v38 =	vld [tilespmem:s0+$0x5800];
	v29 =	vsub.f32 v29, v34;
	v17 =	vadd.f32 v31, v17  }
0x191: {  	v30 =	vsub.f32 v30, v32;
	v31 =	vshll.u32 v40, $0x10;
	v23 =	vld [tilespmem:s19+$0x4000];
	v27 =	vadd.f32 v35, v27  }
0x192: {  	v34 =	vand.u32 $0xFFFF0000, v40;
	v35 =	vshll.u32 v24, $0x10;
	v24 =	vand.u32 $0xFFFF0000, v24;
	v32 =	vld [tilespmem:s8+$0x5800]  }
0x193: {  	v35 =	vsub.f32 v35, v31;
	v24 =	vsub.f32 v24, v34;
	v39 =	vld [tilespmem:s19+$0x4800];
	v40 =	vmul.f32 v27, v2  }
0x194: {  	v12 =	vadd.f32 v29, v12;
	v42 =	vadd.f32 v36, v11;
	v36 =	vmul.f32 v27, v3;
	v41 =	vld [tilespmem:s19+$0x5000];
	v11 =	vmovc v37  }
0x195: {  	v35 =	vmul.f32 v35, v30;
	v24 =	vmul.f32 v24, v30;
	v29 =	vld [tilespmem:s8+$0x5880];
	v37 =	vadd.f32 v38, v11  }
0x196: {  	v27 =	vld [tilespmem:s8+$0x8800];
	[tilespmem:s2+$0x8880] =	vst v12;
	v12 =	vadd.f32 v17, v13;
	v13 =	vtrunc.f32 v42;
	v17 =	vadd.f32 v33, v28  }
0x197: {  	v31 =	vadd.f32 v31, v35;
	v24 =	vadd.f32 v34, v24;
	v28 =	vld [tilespmem:s8+$0x9800];
	v30 =	vtrunc.f32 v37  }
0x198: {  	s24 =	sadd.s32 $0x2, s24;
	v32 =	vadd.f32 v32, v23;
	v34 =	vcvt.f32.s32 v13;
	v33 =	vcvt.f32.s32 v30;
	[tilespmem:s2+$0x9880] =	vst v12;
	v30 =	vld [tilespmem:s23+$0x8900]  }
0x199: {  	p1 =	slt.s32 s24, $0x3E;
	v13 =	vmul.f32 v31, v14;
	v35 =	vmul.f32 v24, v15;
	v38 =	vld [tilespmem:s23+$0x9900]  }
0x19a: {  	v24 =	vmul.f32 v24, v14;
	v31 =	vmul.f32 v31, v15;
	v43 =	vadd.f32 v29, v23;
	v29 =	vld [tilespmem:s8+$0x5900]  }
0x19b: {  	v45 =	vmul.f32 v17, v3;
	v3 =	vmovc v10;
	v44 =	vtrunc.f32 v32;
	v10 =	vmovc v41;
	v35 =	vsub.f32 v13, v35;
	v12 =	vld [tilespmem:s8+$0x8880]  }
0x19c: {  	v41 =	vcvt.f32.s32 v44;
	v24 =	vadd.f32 v31, v24;
	v31 =	vadd.s32 $0x1800, v34;
	v13 =	vld [tilespmem:s8+$0x9880]  }
0x19d: {  	v44 =	vtrunc.f32 v43;
	v9 =	vld.idx.msk [tilespmem:v9+s1+$0x0], $0xffff;
	v30 =	vadd.f32 v35, v30;
	v35 =	vadd.s32 $0x1801, v34  }
0x19e: {  	v47 =	vadd.s32 $0x1, v33;
	v46 =	vadd.s32 $0x1, v41;
	v48 =	vld.idx.msk [tilespmem:v7+s1+$0x0], $0xffff;
	v7 =	vadd.f32 v24, v38  }
0x19f: {  	v24 =	vcvt.s32.f32 v41;
	v38 =	vcvt.f32.s32 v44;
	v44 =	vadd.f32 v29, v23;
	v49 =	vld [tilespmem:s8+$0x5980];
	[tilespmem:s23+$0x8900] =	vst v30  }
0x1a0: {  	v29 =	vsub.f32 v40, v45;
	v50 =	vld.idx.msk [tilespmem:v33+s1+$0x0], $0xffff;
	[tilespmem:s23+$0x9900] =	vst v7;
	v7 =	vmul.f32 v17, v2;
	v2 =	vmov v8  }
0x1a1: {  	v40 =	vsub.f32 v32, v24;
	v32 =	vadd.s32 $0x800, v38;
	v30 =	vadd.s32 $0x801, v38;
	v8 =	vmovc v39;
	v31 =	vld.idx.msk [tilespmem:v31+s1+$0x0], $0xffff  }
0x1a2: {  	v24 =	vcvt.s32.f32 v38;
	v38 =	vtrunc.f32 v44;
	v39 =	vld.idx.msk [tilespmem:v35+s1+$0x0], $0xffff;
	v17 =	vadd.f32 v36, v7  }
0x1a3: {  	v35 =	vcvt.f32.s32 v38;
	v45 =	vshll.u32 v9, $0x10;
	v38 =	vld.idx.msk [tilespmem:v47+s1+$0x0], $0xffff;
	v47 =	vand.u32 $0xFFFF0000, v9  }
0x1a4: {  	v34 =	vcvt.s32.f32 v34;
	v24 =	vsub.f32 v43, v24;
	v43 =	vshll.u32 v48, $0x10;
	v46 =	vld.idx.msk [tilespmem:v46+s1+$0x0], $0xffff  }
0x1a5: {  	v33 =	vcvt.s32.f32 v33;
	v9 =	vadd.s32 $0x1000, v35;
	v7 =	vadd.s32 $0x1001, v35;
	v41 =	vld.idx.msk [tilespmem:v41+s1+$0x0], $0xffff  }
0x1a6: {  	v42 =	vsub.f32 v42, v34;
	v48 =	vand.u32 $0xFFFF0000, v48;
	v51 =	vcvt.s32.f32 v35;
	v36 =	vld [tilespmem:s8+$0x8900]  }
0x1a7: {  	v33 =	vsub.f32 v37, v33;
	v37 =	vshll.u32 v50, $0x10;
	v53 =	vshll.u32 v31, $0x10;
	v52 =	vld [tilespmem:s0+$0x5880]  }
0x1a8: {  	v54 =	vand.u32 $0xFFFF0000, v31;
	v31 =	vshll.u32 v39, $0x10;
	v39 =	vand.u32 $0xFFFF0000, v39;
	v35 =	vld [tilespmem:s8+$0x9900]  }
0x1a9: {  	v55 =	vshll.u32 v38, $0x10;
	v56 =	vsub.f32 v31, v53;
	v39 =	vsub.f32 v39, v54;
	v34 =	vld [tilespmem:s8+$0x8980]  }
0x1aa: {  	v50 =	vand.u32 $0xFFFF0000, v50;
	v38 =	vand.u32 $0xFFFF0000, v38;
	v55 =	vsub.f32 v55, v37;
	v31 =	vld [tilespmem:s8+$0x9980]  }
0x1ab: {  	v38 =	vsub.f32 v38, v50;
	v56 =	vmul.f32 v56, v42;
	v39 =	vmul.f32 v39, v42;
	v57 =	vld [tilespmem:s9+$0x4800]  }
0x1ac: {  	v42 =	vshll.u32 v46, $0x10;
	v55 =	vmul.f32 v55, v33;
	v58 =	vld [tilespmem:s9+$0x5000];
	v52 =	vadd.f32 v52, v11  }
0x1ad: {  	v38 =	vmul.f32 v38, v33;
	v53 =	vadd.f32 v53, v56;
	v39 =	vadd.f32 v54, v39;
	v33 =	vld [tilespmem:s0+$0x8980]  }
0x1ae: {  	v46 =	vand.u32 $0xFFFF0000, v46;
	v37 =	vadd.f32 v37, v55;
	v54 =	vtrunc.f32 v52;
	v55 =	vld [tilespmem:s23+$0x9980]  }
0x1af: {  	v38 =	vadd.f32 v50, v38;
	v50 =	vmul.f32 v39, v14;
	v56 =	vmul.f32 v53, v15  }
0x1b0: {  	v59 =	vshll.u32 v41, $0x10;
	v41 =	vand.u32 $0xFFFF0000, v41;
	v54 =	vcvt.f32.s32 v54;
	v60 =	vld [tilespmem:s0+$0x8800]  }
0x1b1: {  	v61 =	vmul.f32 v37, v57;
	v50 =	vadd.f32 v56, v50;
	v62 =	vmul.f32 v38, v58;
	v63 =	vld [tilespmem:s0+$0x9800]  }
0x1b2: {  	v42 =	vsub.f32 v42, v59;
	v38 =	vmul.f32 v38, v57;
	v37 =	vmul.f32 v37, v58  }
0x1b3: {  	v53 =	vmul.f32 v53, v14;
	v14 =	vmovc v57;
	v56 =	vsub.f32 v61, v62;
	v50 =	vadd.f32 v50, v55  }
0x1b4: {  	v46 =	vsub.f32 v46, v41;
	v37 =	vadd.f32 v37, v38;
	v38 =	vadd.s32 $0x800, v54  }
0x1b5: {  	v42 =	vmul.f32 v42, v40;
	v55 =	vadd.f32 v56, v60;
	v56 =	vadd.s32 $0x801, v54;
	[tilespmem:s23+$0x9980] =	vst v50  }
0x1b6: {  	v43 =	vsub.f32 v43, v45;
	v40 =	vmul.f32 v46, v40;
	v37 =	vadd.f32 v37, v63  }
0x1b7: {  	v46 =	vsub.f32 v48, v47;
	v15 =	vmul.f32 v39, v15;
	v42 =	vadd.f32 v59, v42;
	[tilespmem:s0+$0x8800] =	vst v55  }
0x1b8: {  	v39 =	vadd.f32 v41, v40;
	v40 =	vsub.f32 v44, v51;
	[tilespmem:s0+$0x9800] =	vst v37;
	v37 =	vmul.f32 v43, v22  }
0x1b9: {  	v23 =	vadd.f32 v49, v23;
	v41 =	vmul.f32 v42, v8;
	v42 =	vmul.f32 v42, v10;
	v38 =	vld.idx.msk [tilespmem:v38+s1+$0x0], $0xffff  }
0x1ba: {  	v43 =	vmul.f32 v39, v10;
	v39 =	vmul.f32 v39, v8;
	v44 =	vld.idx.msk [tilespmem:v56+s1+$0x0], $0xffff;
	v37 =	vadd.f32 v45, v37  }
0x1bb: {  	v46 =	vmul.f32 v46, v22;
	v48 =	vsub.f32 v53, v15;
	v15 =	vmovc v58;
	v22 =	vmovc v40;
	v45 =	vtrunc.f32 v23  }
0x1bc: {  	v40 =	vsub.f32 v41, v43;
	v39 =	vadd.f32 v42, v39;
	v41 =	vmul.f32 v37, v2  }
0x1bd: {  	v42 =	vcvt.s32.f32 v54;
	v43 =	vadd.f32 v47, v46;
	v37 =	vmul.f32 v37, v3  }
0x1be: {  	v27 =	vadd.f32 v40, v27;
	v28 =	vadd.f32 v39, v28;
	v39 =	vcvt.f32.s32 v45;
	v40 =	vld [tilespmem:s0+$0x5900]  }
0x1bf: {  	v42 =	vsub.f32 v52, v42;
	v46 =	vmul.f32 v43, v3;
	v45 =	vshll.u32 v38, $0x10  }
0x1c0: {  	[tilespmem:s8+$0x8800] =	vst v27;
	v27 =	vand.u32 $0xFFFF0000, v38;
	v38 =	vshll.u32 v44, $0x10;
	v44 =	vand.u32 $0xFFFF0000, v44  }
0x1c1: {  	v43 =	vmul.f32 v43, v2;
	[tilespmem:s8+$0x9800] =	vst v28;
	v28 =	vsub.f32 v38, v45;
	v38 =	vsub.f32 v44, v27  }
0x1c2: {  	v47 =	vadd.s32 $0x1800, v39;
	v49 =	vadd.s32 $0x1801, v39;
	v44 =	vld.idx.msk [tilespmem:v32+s1+$0x0], $0xffff;
	v32 =	vsub.f32 v41, v46  }
0x1c3: {  	v41 =	vld.idx.msk [tilespmem:v30+s1+$0x0], $0xffff;
	v28 =	vmul.f32 v28, v42;
	v38 =	vmul.f32 v38, v42;
	v30 =	vadd.f32 v40, v11  }
0x1c4: {  	v39 =	vcvt.s32.f32 v39;
	v37 =	vadd.f32 v37, v43;
	v40 =	vadd.f32 v32, v18;
	v18 =	vmovc v36  }
0x1c5: {  	v28 =	vadd.f32 v45, v28;
	v27 =	vadd.f32 v27, v38;
	v32 =	vtrunc.f32 v30  }
0x1c6: {  	v23 =	vsub.f32 v23, v39;
	v36 =	vadd.f32 v37, v20;
	v20 =	vmovc v35;
	v38 =	vld [tilespmem:s0+$0x8880];
	v32 =	vcvt.f32.s32 v32;
	[tilespmem:s2+$0x8900] =	vst v40  }
0x1c7: {  	v29 =	vadd.f32 v29, v4;
	v4 =	vmovc v21;
	v35 =	vmul.f32 v28, v14;
	v39 =	vmul.f32 v27, v15;
	v40 =	vld [tilespmem:s0+$0x9880]  }
0x1c8: {  	v21 =	vmovc v34;
	v42 =	vshll.u32 v44, $0x10;
	v27 =	vmul.f32 v27, v14;
	v28 =	vmul.f32 v28, v15;
	[tilespmem:s2+$0x9900] =	vst v36  }
0x1c9: {  	v37 =	vand.u32 $0xFFFF0000, v44;
	v34 =	vshll.u32 v41, $0x10;
	v35 =	vsub.f32 v35, v39;
	v39 =	vld.idx.msk [tilespmem:v25+s1+$0x0], $0xffff;
	[tilespmem:s20+$0x8980] =	vst v29;
	v25 =	vmovc v47  }
0x1ca: {  	v29 =	vand.u32 $0xFFFF0000, v41;
	v27 =	vadd.f32 v28, v27;
	v28 =	vadd.s32 $0x1000, v32;
	v36 =	vld.idx.msk [tilespmem:v26+s1+$0x0], $0xffff;
	v26 =	vmovc v49  }
.Ltmp6:
0x1cb: {  	v43 =	vadd.s32 $0x1001, v32;
	v34 =	vsub.f32 v34, v42;
	v35 =	vadd.f32 v35, v38;
	(pc) =	sbr.rel @p1 .LBB2_9-.Ltmp6, $4  }
0x1cc: {  	v29 =	vsub.f32 v29, v37;
	v27 =	vadd.f32 v27, v40  }
0x1cd: {  	v17 =	vadd.f32 v17, v5;
	v38 =	vmul.f32 v34, v24;
	v34 =	vadd.f32 v48, v16;
	[tilespmem:s0+$0x8880] =	vst v35  }
0x1ce: {  	v5 =	vmovc v19;
	v19 =	vmov v31;
	v16 =	vmov v33;
	v44 =	vmul.f32 v29, v24;
	[tilespmem:s0+$0x9880] =	vst v27  }
0x1cf: {  	s7 =	sadd.s32 $0x20, s7;
	v42 =	vadd.f32 v42, v38;
	v35 =	vshll.u32 v39, $0x10;
	v33 =	vand.u32 $0xFFFF0000, v39;
	v40 =	vld.idx.msk [tilespmem:v28+s1+$0x0], $0xffff;
	[tilespmem:s20+$0x9980] =	vst v17;
	s20 =	smov.u32 s2;
	s2 =	smov.u32 s8  }
0x1d0: {  	v41 =	vmov v6;
	v38 =	vmov v4;
	v39 =	vmov v5  }
0x1d1: {  	v6 =	vmovc v23;
	v31 =	vmovc v11;
	v24 =	vmov v14;
	v23 =	vmov v15;
	v27 =	vmov v18  }
0x1d2: {  	s7 =	smov.u32 s23;
	s23 =	smov.u32 s0;
	v28 =	vmovc v20;
	v4 =	vmovc v21;
	v29 =	vmov v26;
	v17 =	vmov v16;
	v5 =	vmov v19  }
.LBB2_11:
0x1d3: {  	_ = 	snop  }
0x1d4: {  	v11 =	vadd.f32 v37, v44;
	_ =	sdelay $0x1  }
0x1d5: {  	v14 =	vmul.f32 v42, v8;
	v15 =	vmul.f32 v11, v10  }
0x1d6: {  	v16 =	vld.idx.msk [tilespmem:v43+s1+$0x0], $0xffff;
	v18 =	vmul.f32 v42, v10;
	v11 =	vmul.f32 v11, v8  }
0x1d7: {  	v14 =	vsub.f32 v14, v15  }
0x1d8: {  	v11 =	vadd.f32 v18, v11  }
0x1d9: {  	v53 =	vld [tilespmem:s23+$0x5980];
	v12 =	vadd.f32 v14, v12  }
0x1da: {  	v52 =	vcvt.s32.f32 v32;
	v11 =	vadd.f32 v11, v13  }
0x1db: {  	v54 =	vshll.u32 v40, $0x10;
	v19 =	vshll.u32 v16, $0x10;
	[tilespmem:s2+$0x8880] =	vst v12  }
0x1dc: {  	v15 =	vsub.f32 v30, v52;
	v56 =	vsub.f32 v19, v54;
	[tilespmem:s2+$0x9880] =	vst v11  }
0x1dd: {  	v55 =	vand.u32 $0xFFFF0000, v40;
	v16 =	vand.u32 $0xFFFF0000, v16;
	v9 =	vld.idx.msk [tilespmem:v9+s1+$0x0], $0xffff  }
0x1de: {  	v16 =	vsub.f32 v16, v55;
	v14 =	vadd.f32 v53, v31;
	v57 =	vmul.f32 v56, v15;
	v7 =	vld.idx.msk [tilespmem:v7+s1+$0x0], $0xffff;
	_ =	sdelay $0x1  }
0x1df: {  	v58 =	vmul.f32 v16, v15;
	v59 =	vtrunc.f32 v14;
	v11 =	vadd.f32 v54, v57  }
0x1e0: {  	v13 =	vcvt.f32.s32 v59  }
0x1e1: {  	v12 =	vadd.f32 v55, v58;
	v61 =	vmul.f32 v11, v24;
	v63 =	vshll.u32 v9, $0x10  }
0x1e2: {  	v9 =	vand.u32 $0xFFFF0000, v9;
	v20 =	vshll.u32 v7, $0x10;
	v7 =	vand.u32 $0xFFFF0000, v7  }
0x1e3: {  	v60 =	vld [tilespmem:s23+$0x8900];
	v62 =	vmul.f32 v12, v23;
	v20 =	vsub.f32 v20, v63;
	v7 =	vsub.f32 v7, v9  }
0x1e4: {  	v21 =	vld [tilespmem:s23+$0x9900];
	v12 =	vmul.f32 v12, v24;
	v11 =	vmul.f32 v11, v23  }
0x1e5: {  	v26 =	vmul.f32 v20, v22;
	v7 =	vmul.f32 v7, v22  }
0x1e6: {  	v16 =	vsub.f32 v61, v62;
	v11 =	vadd.f32 v11, v12  }
0x1e7: {  	v30 =	vadd.s32 $0x1800, v13;
	v18 =	vadd.f32 v63, v26;
	v7 =	vadd.f32 v9, v7  }
0x1e8: {  	v31 =	vadd.s32 $0x1801, v13;
	v15 =	vadd.f32 v16, v60  }
0x1e9: {  	v32 =	vadd.f32 v11, v21;
	v37 =	vmul.f32 v18, v8;
	v40 =	vmul.f32 v7, v10  }
0x1ea: {  	[tilespmem:s23+$0x8900] =	vst v15;
	v42 =	vmul.f32 v18, v10;
	v7 =	vmul.f32 v7, v8  }
0x1eb: {  	[tilespmem:s23+$0x9900] =	vst v32;
	v11 =	vsub.f32 v37, v40  }
0x1ec: {  	v12 =	vld.idx.msk [tilespmem:v30+s1+$0x0], $0xffff;
	v7 =	vadd.f32 v42, v7  }
0x1ed: {  	v43 =	vld.idx.msk [tilespmem:v31+s1+$0x0], $0xffff;
	v11 =	vadd.f32 v11, v27  }
0x1ee: {  	v13 =	vcvt.s32.f32 v13;
	v9 =	vshll.u32 @p0 v36, $0x10;
	v7 =	vadd.f32 v7, v28  }
0x1ef: {  	v9 =	vsub.f32 @p0 v9, v35;
	[tilespmem:s2+$0x8900] =	vst v11  }
0x1f0: {  	v44 =	vsub.f32 v14, v13;
	v16 =	vand.u32 @p0 $0xFFFF0000, v36;
	[tilespmem:s2+$0x9900] =	vst v7  }
0x1f1: {  	v16 =	vsub.f32 @p0 v16, v33;
	v9 =	vmul.f32 @p0 v9, v41;
	v45 =	vshll.u32 v12, $0x10;
	v49 =	vld.idx.msk [tilespmem:v25+s1+$0x0], $0xffff  }
0x1f2: {  	v46 =	vand.u32 $0xFFFF0000, v12;
	v47 =	vshll.u32 v43, $0x10;
	v48 =	vand.u32 $0xFFFF0000, v43;
	v50 =	vld.idx.msk [tilespmem:v29+s1+$0x0], $0xffff  }
0x1f3: {  	v16 =	vmul.f32 @p0 v16, v41;
	v12 =	vsub.f32 v47, v45;
	v14 =	vsub.f32 v48, v46  }
0x1f4: {  	v9 =	vadd.f32 @p0 v35, v9  }
0x1f5: {  	v16 =	vadd.f32 @p0 v33, v16;
	v12 =	vmul.f32 v12, v44;
	v11 =	vmul.f32 v14, v44  }
0x1f6: {  	v14 =	vmul.f32 @p0 v9, v2;
	v9 =	vmul.f32 @p0 v9, v3;
	v51 =	vshll.u32 v49, $0x10  }
0x1f7: {  	v52 =	vand.u32 $0xFFFF0000, v49;
	v53 =	vshll.u32 v50, $0x10;
	v18 =	vand.u32 $0xFFFF0000, v50  }
0x1f8: {  	v3 =	vmul.f32 @p0 v16, v3;
	v15 =	vsub.f32 v53, v51;
	v18 =	vsub.f32 v18, v52  }
0x1f9: {  	v2 =	vmul.f32 @p0 v16, v2;
	v12 =	vadd.f32 v45, v12;
	v7 =	vadd.f32 v46, v11  }
0x1fa: {  	v3 =	vsub.f32 @p0 v14, v3;
	v57 =	vmul.f32 v15, v6;
	v58 =	vmul.f32 v18, v6  }
0x1fb: {  	v54 =	vld [tilespmem:s23+$0x9980];
	v2 =	vadd.f32 @p0 v9, v2;
	v55 =	vmul.f32 v7, v24;
	v56 =	vmul.f32 v12, v23  }
0x1fc: {  	v12 =	vmul.f32 v12, v24;
	v11 =	vadd.f32 v51, v57;
	v6 =	vadd.f32 v52, v58  }
0x1fd: {  	v7 =	vmul.f32 v7, v23;
	v3 =	vadd.f32 @p0 v3, v38;
	v2 =	vadd.f32 @p0 v2, v39  }
0x1fe: {  	v59 =	vadd.f32 v56, v55;
	v61 =	vmul.f32 v11, v8;
	v13 =	vmul.f32 v6, v10  }
0x1ff: {  	[tilespmem:s7+$0x8980] =	vst @p0 v34;
	v7 =	vsub.f32 v12, v7;
	v62 =	vmul.f32 v11, v10;
	v6 =	vmul.f32 v6, v8  }
0x200: {  	[tilespmem:s20+$0x8980] =	vst @p0 v3;
	v60 =	vadd.f32 v59, v54;
	v63 =	vsub.f32 v61, v13  }
0x201: {  	[tilespmem:s20+$0x9980] =	vst @p0 v2;
	v3 =	vadd.f32 v7, v17;
	v6 =	vadd.f32 v62, v6  }
0x202: {  	[tilespmem:s23+$0x9980] =	vst v60;
	v2 =	vadd.f32 v63, v4  }
0x203: {  	[tilespmem:s23+$0x8980] =	vst v3;
	v3 =	vadd.f32 v6, v5  }
0x204: {  	[tilespmem:s2+$0x8980] =	vst v2  }
0x205: {  	[tilespmem:s2+$0x9980] =	vst v3  }
.LBB2_12:
0x206: {  	p0 =	seq.s32 s28, $0x3F  }
.Ltmp7:
0x207: {  	_ = 	snop;
	(pc) =	sbr.rel @p0 .LBB2_14-.Ltmp7, $1  }
0x208: {  	_ =	sdelay $0x3  }
0x209: {  	s0 =	sadd.s32 $0x2, s31  }
0x20a: {  	s2 =	sshrl.u32 s0, $0x3;
	s0 =	sshll.u32 s0, $0x7  }
0x20b: {  	s7 =	sshll.u32 s2, $0xE;
	s0 =	sand.u32 $0x300, s0  }
0x20c: {  	s7 =	sor.u32 s0, s7  }
0x20d: {  	s10 =	simm.s32 $0x800;
	s8 =	sshrl.u32 s7, $0x3  }
0x20e: {  	s2 =	sshll.u32 s2, $0x12;
	s20 =	sadd.s32 $0x40000, s7;
	s9 =	sadd.s32 s3, s8  }
0x20f: {  	[tilespmem:s1], [sflag:$0x1] =	stream.strided.gather [hbm4b:s9+s25], $0x800, s26, s25, $0x38;
	[tilespmem:$0xB080] =	vst v63  }
0x210: {  	s23 =	simm.s32 $0x1000;
	s2 =	sor.u32 s14, s2;
	s9 =	sshrl.u32 s20, $0x3  }
0x211: {  	s7 =	sadd.s32 $0xC0000, s7;
	s8 =	sor.u32 $0x10000, s8;
	s9 =	sadd.s32 s3, s9  }
0x212: {  	[tilespmem:s10], [sflag:$0x1] =	stream.strided.gather [hbm4b:s9+s25], $0x800, s26, s25, $0x38;
	[tilespmem:$0xB080] =	vst v63  }
0x213: {  	s0 =	sor.u32 s0, s2;
	s7 =	sshrl.u32 s7, $0x3;
	s8 =	sadd.s32 s3, s8  }
0x214: {  	[tilespmem:s23], [sflag:$0x1] =	stream.strided.gather [hbm4b:s8+s25], $0x800, s26, s25, $0x38;
	[tilespmem:$0xB080] =	vst v63  }
0x215: {  	s24 =	simm.s32 $0x1800;
	s0 =	sshrl.u32 s0, $0x3;
	s7 =	sadd.s32 s3, s7  }
0x216: {  	[tilespmem:s24], [sflag:$0x1] =	stream.strided.gather [hbm4b:s7+s25], $0x800, s26, s25, $0x38;
	[tilespmem:$0xB080] =	vst v63  }
0x217: {  	s31 =	simm.s32 $0x4000;
	s2 =	sadd.s32 s4, s0  }
0x218: {  	[tilespmem:s31], [sflag:$0x3] =	stream.linear.gather [hbm4b:s2+s1], $0x80, $0x38;
	[tilespmem:$0xB080] =	vst v63  }
0x219: {  	s9 =	simm.s32 $0x4100;
	s8 =	sadd.s32 $0x80, s2  }
0x21a: {  	[tilespmem:s9], [sflag:$0x3] =	stream.linear.gather [hbm4b:s8+s1], $0x80, $0x38;
	[tilespmem:$0xB080] =	vst v63  }
0x21b: {  	s11 =	simm.s32 $0x4200;
	s10 =	sadd.s32 $0x100, s2  }
0x21c: {  	[tilespmem:s11], [sflag:$0x3] =	stream.linear.gather [hbm4b:s10+s1], $0x80, $0x38;
	[tilespmem:$0xB080] =	vst v63  }
0x21d: {  	s19 =	simm.s32 $0x4300;
	s18 =	sadd.s32 $0x180, s2  }
0x21e: {  	[tilespmem:s19], [sflag:$0x3] =	stream.linear.gather [hbm4b:s18+s1], $0x80, $0x38;
	[tilespmem:$0xB080] =	vst v63  }
0x21f: {  	s20 =	sadd.s32 $0x200, s2;
	s23 =	simm.s32 $0x4400  }
0x220: {  	[tilespmem:s23], [sflag:$0x3] =	stream.linear.gather [hbm4b:s20+s1], $0x80, $0x38;
	[tilespmem:$0xB080] =	vst v63  }
0x221: {  	s24 =	sadd.s32 $0x280, s2;
	s31 =	simm.s32 $0x4500  }
0x222: {  	[tilespmem:s31], [sflag:$0x3] =	stream.linear.gather [hbm4b:s24+s1], $0x80, $0x38;
	[tilespmem:$0xB080] =	vst v63  }
0x223: {  	s8 =	sadd.s32 $0x300, s2;
	s9 =	simm.s32 $0x4600  }
0x224: {  	[tilespmem:s9], [sflag:$0x3] =	stream.linear.gather [hbm4b:s8+s1], $0x80, $0x38;
	[tilespmem:$0xB080] =	vst v63  }
0x225: {  	s2 =	sadd.s32 $0x380, s2;
	s10 =	simm.s32 $0x4700  }
0x226: {  	[tilespmem:s10], [sflag:$0x3] =	stream.linear.gather [hbm4b:s2+s1], $0x80, $0x38;
	[tilespmem:$0xB080] =	vst v63  }
0x227: {  	s11 =	simm.s32 $0x4800;
	s2 =	sadd.s32 s5, s0  }
0x228: {  	[tilespmem:s11], [sflag:$0x3] =	stream.linear.gather [hbm4b:s2+s1], $0x80, $0x38;
	[tilespmem:$0xB080] =	vst v63  }
0x229: {  	s19 =	simm.s32 $0x4900;
	s18 =	sadd.s32 $0x80, s2  }
0x22a: {  	[tilespmem:s19], [sflag:$0x3] =	stream.linear.gather [hbm4b:s18+s1], $0x80, $0x38;
	[tilespmem:$0xB080] =	vst v63  }
0x22b: {  	s23 =	simm.s32 $0x4A00;
	s20 =	sadd.s32 $0x100, s2  }
0x22c: {  	[tilespmem:s23], [sflag:$0x3] =	stream.linear.gather [hbm4b:s20+s1], $0x80, $0x38;
	[tilespmem:$0xB080] =	vst v63  }
0x22d: {  	s31 =	simm.s32 $0x4B00;
	s24 =	sadd.s32 $0x180, s2  }
0x22e: {  	[tilespmem:s31], [sflag:$0x3] =	stream.linear.gather [hbm4b:s24+s1], $0x80, $0x38;
	[tilespmem:$0xB080] =	vst v63  }
0x22f: {  	s9 =	simm.s32 $0x4C00;
	s8 =	sadd.s32 $0x200, s2  }
0x230: {  	[tilespmem:s9], [sflag:$0x3] =	stream.linear.gather [hbm4b:s8+s1], $0x80, $0x38;
	[tilespmem:$0xB080] =	vst v63  }
0x231: {  	s10 =	sadd.s32 $0x280, s2;
	s11 =	simm.s32 $0x4D00  }
0x232: {  	[tilespmem:s11], [sflag:$0x3] =	stream.linear.gather [hbm4b:s10+s1], $0x80, $0x38;
	[tilespmem:$0xB080] =	vst v63  }
0x233: {  	s18 =	sadd.s32 $0x300, s2;
	s19 =	simm.s32 $0x4E00  }
0x234: {  	[tilespmem:s19], [sflag:$0x3] =	stream.linear.gather [hbm4b:s18+s1], $0x80, $0x38;
	[tilespmem:$0xB080] =	vst v63  }
0x235: {  	s2 =	sadd.s32 $0x380, s2;
	s20 =	simm.s32 $0x4F00  }
0x236: {  	[tilespmem:s20], [sflag:$0x3] =	stream.linear.gather [hbm4b:s2+s1], $0x80, $0x38;
	[tilespmem:$0xB080] =	vst v63  }
0x237: {  	s0 =	sadd.s32 s6, s0;
	s23 =	simm.s32 $0x5000  }
0x238: {  	[tilespmem:s23], [sflag:$0x3] =	stream.linear.gather [hbm4b:s0+s1], $0x80, $0x38;
	[tilespmem:$0xB080] =	vst v63  }
0x239: {  	s24 =	sadd.s32 $0x80, s0;
	s31 =	simm.s32 $0x5100  }
0x23a: {  	[tilespmem:s31], [sflag:$0x3] =	stream.linear.gather [hbm4b:s24+s1], $0x80, $0x38;
	[tilespmem:$0xB080] =	vst v63  }
0x23b: {  	s7 =	sadd.s32 $0x100, s0;
	s8 =	simm.s32 $0x5200  }
0x23c: {  	[tilespmem:s8], [sflag:$0x3] =	stream.linear.gather [hbm4b:s7+s1], $0x80, $0x38;
	[tilespmem:$0xB080] =	vst v63  }
0x23d: {  	s9 =	sadd.s32 $0x180, s0;
	s10 =	simm.s32 $0x5300  }
0x23e: {  	[tilespmem:s10], [sflag:$0x3] =	stream.linear.gather [hbm4b:s9+s1], $0x80, $0x38;
	[tilespmem:$0xB080] =	vst v63  }
0x23f: {  	s11 =	sadd.s32 $0x200, s0;
	s18 =	simm.s32 $0x5400  }
0x240: {  	[tilespmem:s18], [sflag:$0x3] =	stream.linear.gather [hbm4b:s11+s1], $0x80, $0x38;
	[tilespmem:$0xB080] =	vst v63  }
0x241: {  	s19 =	sadd.s32 $0x280, s0;
	s20 =	simm.s32 $0x5500  }
0x242: {  	[tilespmem:s20], [sflag:$0x3] =	stream.linear.gather [hbm4b:s19+s1], $0x80, $0x38;
	[tilespmem:$0xB080] =	vst v63  }
0x243: {  	s23 =	sadd.s32 $0x300, s0;
	s24 =	simm.s32 $0x5600  }
0x244: {  	[tilespmem:s24], [sflag:$0x3] =	stream.linear.gather [hbm4b:s23+s1], $0x80, $0x38;
	[tilespmem:$0xB080] =	vst v63  }
0x245: {  	s0 =	sadd.s32 $0x380, s0;
	s31 =	simm.s32 $0x5700  }
0x246: {  	[tilespmem:s31], [sflag:$0x3] =	stream.linear.gather [hbm4b:s0+s1], $0x80, $0x38;
	[tilespmem:$0xB080] =	vst v63  }
.LBB2_14:
0x247: {  	_ =	swait.ge [sflag:s16], $0x800  }
0x248: {  	[sflag:s16] =	ssyncset.done $0x0  }
0x249: {  	[sflag:s16] =	ssyncadd.s32 $0xFFFFF800  }
0x24a: {  	_ =	swait.ge [sflag:s16], $0x800  }
0x24b: {  	[sflag:s16] =	ssyncset.done $0x0  }
0x24c: {  	[sflag:s16] =	ssyncadd.s32 $0xFFFFF800  }
0x24d: {  	_ =	swait.ge [sflag:s16], $0x800  }
0x24e: {  	[sflag:s16] =	ssyncset.done $0x0  }
0x24f: {  	[sflag:s16] =	ssyncadd.s32 $0xFFFFF800  }
0x250: {  	_ =	swait.ge [sflag:s16], $0x800  }
0x251: {  	[sflag:s16] =	ssyncset.done $0x0  }
0x252: {  	[sflag:s16] =	ssyncadd.s32 $0xFFFFF800  }
0x253: {  	_ =	swait.ge [sflag:s17], $0x400  }
0x254: {  	[sflag:s17] =	ssyncset.done $0x0  }
0x255: {  	[sflag:s17] =	ssyncadd.s32 $0xFFFFFC00  }
0x256: {  	_ =	swait.ge [sflag:s17], $0x400  }
0x257: {  	[sflag:s17] =	ssyncset.done $0x0  }
0x258: {  	[sflag:s17] =	ssyncadd.s32 $0xFFFFFC00  }
0x259: {  	_ =	swait.ge [sflag:s17], $0x400  }
0x25a: {  	[sflag:s17] =	ssyncset.done $0x0  }
0x25b: {  	[sflag:s17] =	ssyncadd.s32 $0xFFFFFC00  }
0x25c: {  	v2 =	vld [tilespmem:s30+$0xB000];
	_ =	sdelay $0x2  }
0x25d: {  	s0 =	sand.u32 $0xF, s29  }
0x25e: {  	v3 =	vmov s0  }
0x25f: {  	vm0 =	veq.s32 v3, v1;
	v2 =	vxor.u32 $0x80000000, v2  }
0x260: {  	v2 =	vnsel vm0, $0x80000000, v2  }
0x261: {  	(xrf0) =	vmax.scan.msk.u32 $0xffff, v2;
	_ =	sdelay $0x5  }
0x262: {  	v2, _, _ =	vpop (xrf0)  }
0x263: {  	(v2sf) =	vpush v2, $0xF;
	_ =	sdelay $0xe  }
0x264: {  	s0 =	spop (v2sf)  }
0x265: {  	s7 =	sshll.u32 s0, $0x2  }
0x266: {  	p0 =	sgt.s32 s7, $0x3F  }
.Ltmp8:
0x267: {  	_ = 	snop;
	(pc) =	sbr.rel @p0 .LBB2_22-.Ltmp8, $1  }
0x268: {  	_ =	sdelay $0x3  }
0x269: {  	s8 =	sshll.u32 s0, $0x6  }
0x26a: {  	s0 =	sshrl.u32 s8, $0x7;
	s2 =	sand.u32 $0x60, s8  }
0x26b: {  	s9 =	sshll.u32 s0, $0x8;
	s10 =	sor.u32 $0x10, s2  }
0x26c: {  	s11 =	sshll.u32 s0, $0x9;
	s18 =	sor.u32 s10, s9  }
0x26d: {  	s0 =	sor.u32 s10, s11;
	v31 =	vld [tilespmem:s18+$0x4080]  }
0x26e: {  	v2 =	vld [tilespmem:s0+$0x5800];
	_ =	sdelay $0x1  }
0x26f: {  	s9 =	sor.u32 s2, s9  }
0x270: {  	s2 =	sor.u32 s2, s11;
	v6 =	vld [tilespmem:s9+$0x4080]  }
0x271: {  	v3 =	vld [tilespmem:s2+$0x5800]  }
0x272: {  	v2 =	vadd.f32 v2, v31;
	_ =	sdelay $0x1  }
0x273: {  	v4 =	vtrunc.f32 v2  }
0x274: {  	v4 =	vcvt.f32.s32 v4  }
0x275: {  	v3 =	vadd.f32 v3, v6  }
0x276: {  	v5 =	vadd.s32 $0x1, v4  }
0x277: {  	v7 =	vtrunc.f32 v3  }
0x278: {  	v7 =	vcvt.f32.s32 v7  }
0x279: {  	v10 =	vld [tilespmem:s0+$0x5880]  }
0x27a: {  	v8 =	vadd.s32 $0x1, v7;
	v9 =	vld.idx.msk [tilespmem:v4+s22+$0x0], $0xffff  }
0x27b: {  	v5 =	vld.idx.msk [tilespmem:v5+s22+$0x0], $0xffff;
	_ =	sdelay $0x1  }
0x27c: {  	v4 =	vcvt.s32.f32 v4  }
0x27d: {  	v10 =	vadd.f32 v10, v31;
	v11 =	vld.idx.msk [tilespmem:v7+s22+$0x0], $0xffff  }
0x27e: {  	v7 =	vcvt.s32.f32 v7;
	v8 =	vld.idx.msk [tilespmem:v8+s22+$0x0], $0xffff;
	v2 =	vsub.f32 v2, v4;
	v4 =	vshll.u32 v9, $0x10  }
0x27f: {  	v9 =	vand.u32 $0xFFFF0000, v9;
	v12 =	vshll.u32 v5, $0x10;
	v5 =	vand.u32 $0xFFFF0000, v5  }
0x280: {  	v24 =	vld [tilespmem:s18+$0x4880];
	v12 =	vsub.f32 v12, v4;
	v5 =	vsub.f32 v5, v9  }
0x281: {  	v23 =	vld [tilespmem:s18+$0x5080];
	v7 =	vsub.f32 v3, v7;
	v3 =	vtrunc.f32 v10  }
0x282: {  	v12 =	vmul.f32 v12, v2;
	v5 =	vmul.f32 v5, v2  }
0x283: {  	v15 =	vcvt.f32.s32 v3;
	v13 =	vshll.u32 v8, $0x10  }
0x284: {  	v14 =	vld [tilespmem:s2+$0x5880];
	v4 =	vadd.f32 v4, v12;
	v5 =	vadd.f32 v9, v5;
	v9 =	vshll.u32 v11, $0x10  }
0x285: {  	v8 =	vand.u32 $0xFFFF0000, v8;
	v12 =	vld [tilespmem:s0+$0x8800];
	v11 =	vand.u32 $0xFFFF0000, v11;
	v13 =	vsub.f32 v13, v9  }
0x286: {  	v18 =	vld [tilespmem:s0+$0x9800];
	v8 =	vsub.f32 v8, v11;
	v16 =	vmul.f32 v4, v24;
	v17 =	vmul.f32 v5, v23  }
0x287: {  	v3 =	vld [tilespmem:s9+$0x5080];
	v5 =	vmul.f32 v5, v24;
	v4 =	vmul.f32 v4, v23  }
0x288: {  	v2 =	vld [tilespmem:s9+$0x4880];
	v13 =	vmul.f32 v13, v7;
	v7 =	vmul.f32 v8, v7;
	v16 =	vsub.f32 v16, v17  }
0x289: {  	v8 =	vadd.f32 v14, v6;
	v4 =	vadd.f32 v4, v5;
	v5 =	vadd.s32 $0x800, v15  }
0x28a: {  	v19 =	vld [tilespmem:s2+$0x8800];
	v22 =	vadd.s32 $0x801, v15;
	v9 =	vadd.f32 v9, v13;
	v16 =	vadd.f32 v16, v12  }
0x28b: {  	v21 =	vld [tilespmem:s2+$0x5900];
	v7 =	vadd.f32 v11, v7;
	v4 =	vadd.f32 v4, v18  }
0x28c: {  	v20 =	vld [tilespmem:s2+$0x9800];
	v11 =	vtrunc.f32 v8;
	[tilespmem:s0+$0x8800] =	vst v16  }
0x28d: {  	v18 =	vld [tilespmem:s2+$0x5980];
	v14 =	vmul.f32 v7, v3;
	[tilespmem:s0+$0x9800] =	vst v4;
	v4 =	vmul.f32 v9, v2  }
0x28e: {  	v7 =	vmul.f32 v7, v2;
	v9 =	vmul.f32 v9, v3;
	v5 =	vld.idx.msk [tilespmem:v5+s22+$0x0], $0xffff  }
0x28f: {  	v11 =	vcvt.f32.s32 v11;
	v16 =	vld.idx.msk [tilespmem:v22+s22+$0x0], $0xffff;
	v4 =	vsub.f32 v4, v14  }
0x290: {  	v14 =	vadd.f32 v21, v6;
	v7 =	vadd.f32 v9, v7  }
0x291: {  	v9 =	vcvt.s32.f32 v15;
	v15 =	vadd.s32 $0x800, v11;
	v21 =	vadd.s32 $0x801, v11  }
0x292: {  	v22 =	vld [tilespmem:s0+$0x5900];
	v11 =	vcvt.s32.f32 v11;
	v6 =	vadd.f32 v18, v6;
	v19 =	vadd.f32 v4, v19  }
0x293: {  	v7 =	vadd.f32 v7, v20;
	v9 =	vsub.f32 v10, v9;
	v10 =	vshll.u32 v5, $0x10  }
0x294: {  	v20 =	vand.u32 $0xFFFF0000, v5;
	v25 =	vshll.u32 v16, $0x10;
	v16 =	vand.u32 $0xFFFF0000, v16  }
0x295: {  	v25 =	vsub.f32 v25, v10;
	v16 =	vsub.f32 v16, v20  }
0x296: {  	v26 =	vtrunc.f32 v14;
	v8 =	vsub.f32 v8, v11;
	v11 =	vtrunc.f32 v6;
	[tilespmem:s2+$0x8800] =	vst v19  }
0x297: {  	[tilespmem:s2+$0x9800] =	vst v7;
	v30 =	vadd.f32 v22, v31;
	v7 =	vmul.f32 v25, v9;
	v9 =	vmul.f32 v16, v9  }
0x298: {  	v26 =	vcvt.f32.s32 v26;
	v11 =	vcvt.f32.s32 v11;
	v15 =	vld.idx.msk [tilespmem:v15+s22+$0x0], $0xffff  }
0x299: {  	v18 =	vld.idx.msk [tilespmem:v21+s22+$0x0], $0xffff;
	v10 =	vadd.f32 v10, v7;
	v19 =	vadd.f32 v20, v9;
	v7 =	vtrunc.f32 v30  }
0x29a: {  	v16 =	vcvt.s32.f32 v26;
	v20 =	vld [tilespmem:s0+$0x8880];
	v32 =	vcvt.f32.s32 v7  }
0x29b: {  	v25 =	vld [tilespmem:s0+$0x9880];
	v21 =	vmul.f32 v10, v24;
	v22 =	vmul.f32 v19, v23  }
0x29c: {  	s7 =	sadd.s32 $0xFFFFFFFE, s7;
	v27 =	vld [tilespmem:s2+$0x8900];
	v9 =	vadd.s32 $0x1000, v26;
	v19 =	vmul.f32 v19, v24;
	v10 =	vmul.f32 v10, v23  }
0x29d: {  	s7 =	sadd.s32 $0x2, s7;
	v28 =	vld [tilespmem:s2+$0x9900];
	v7 =	vadd.s32 $0x1001, v26;
	v26 =	vshll.u32 v15, $0x10;
	v21 =	vsub.f32 v21, v22  }
0x29e: {  	p1 =	slt.s32 s7, $0x3E;
	v17 =	vld [tilespmem:s0+$0x8980];
	v22 =	vshll.u32 v18, $0x10;
	v10 =	vadd.f32 v10, v19;
	v19 =	vadd.s32 $0x1000, v32  }
.Ltmp9:
0x29f: {  	v13 =	vld [tilespmem:s2+$0x9880];
	v33 =	vcvt.s32.f32 v11;
	v29 =	vsub.f32 v22, v26;
	v20 =	vadd.f32 v21, v20;
	(pc) =	sbr.rel @!p1 .LBB2_16-.Ltmp9, $4  }
0x2a0: {  	v12 =	vld [tilespmem:s2+$0x8880];
	v37 =	vand.u32 $0xFFFF0000, v15;
	v15 =	vand.u32 $0xFFFF0000, v18;
	v10 =	vadd.f32 v10, v25  }
0x2a1: {  	v4 =	vld [tilespmem:s2+$0x8980];
	v22 =	vsub.f32 v14, v16;
	v14 =	vsub.f32 v15, v37;
	v15 =	vmul.f32 v29, v8;
	[tilespmem:s0+$0x8880] =	vst v20  }
0x2a2: {  	v5 =	vld [tilespmem:s2+$0x9980];
	v6 =	vsub.f32 v6, v33;
	v43 =	vadd.s32 $0x1001, v32;
	v25 =	vadd.s32 $0x1800, v11;
	[tilespmem:s0+$0x9880] =	vst v10  }
0x2a3: {  	p0 =	por $0x0, $0x0;
	s8 =	sadd.s32 $0x20, s8;
	v29 =	vadd.s32 $0x1801, v11;
	v44 =	vmul.f32 v14, v8;
	v42 =	vadd.f32 v26, v15;
	v40 =	vld.idx.msk [tilespmem:v19+s22+$0x0], $0xffff  }
0x2a4: {  	_ =	sdelay $0x2  }
0x2a5: {  	s9 =	sshrl.u32 s8, $0x7;
	s10 =	sand.u32 $0x60, s8  }
0x2a6: {  	v8 =	vld.idx.msk [tilespmem:v43+s22+$0x0], $0xffff;
	s11 =	sshll.u32 s9, $0x8;
	s18 =	sor.u32 $0x10, s10  }
0x2a7: {  	v10 =	vld [tilespmem:s0+$0x5980];
	s19 =	sshll.u32 s9, $0x9;
	s24 =	sor.u32 s18, s11  }
0x2a8: {  	v14 =	vcvt.s32.f32 v32;
	v15 =	vadd.f32 v37, v44;
	s23 =	sor.u32 s18, s19;
	v11 =	vld [tilespmem:s24+$0x4080]  }
0x2a9: {  	v16 =	vld [tilespmem:s23+$0x5800]  }
0x2aa: {  	v26 =	vmul.f32 v42, v3;
	v14 =	vsub.f32 v30, v14;
	v51 =	vmul.f32 v15, v3  }
0x2ab: {  	v15 =	vmul.f32 v15, v2;
	v20 =	vshll.u32 v40, $0x10;
	v21 =	vand.u32 $0xFFFF0000, v40  }
0x2ac: {  	s20 =	sor.u32 s10, s19;
	v18 =	vshll.u32 v8, $0x10;
	v8 =	vand.u32 $0xFFFF0000, v8;
	v10 =	vadd.f32 v10, v31  }
0x2ad: {  	v19 =	vmul.f32 v42, v2;
	s31 =	sor.u32 s10, s11;
	v31 =	vld [tilespmem:s20+$0x5800];
	v30 =	vsub.f32 v18, v20;
	v8 =	vsub.f32 v8, v21  }
0x2ae: {  	v15 =	vadd.f32 v26, v15;
	v18 =	vld [tilespmem:s31+$0x4080];
	v16 =	vadd.f32 v16, v11  }
0x2af: {  	v30 =	vmul.f32 v30, v14;
	v8 =	vmul.f32 v8, v14;
	v14 =	vsub.f32 v19, v51;
	v19 =	vld [tilespmem:s20+$0x5880]  }
0x2b0: {  	v26 =	vtrunc.f32 v10;
	v13 =	vadd.f32 v15, v13  }
0x2b1: {  	v52 =	vtrunc.f32 v16;
	v20 =	vadd.f32 v20, v30;
	v8 =	vadd.f32 v21, v8  }
0x2b2: {  	v12 =	vadd.f32 v14, v12;
	v21 =	vld [tilespmem:s0+$0x8900];
	v30 =	vcvt.f32.s32 v26;
	v14 =	vcvt.f32.s32 v52  }
0x2b3: {  	v53 =	vld [tilespmem:s0+$0x9900];
	v31 =	vadd.f32 v31, v18;
	v15 =	vmul.f32 v20, v24;
	v26 =	vmul.f32 v8, v23  }
0x2b4: {  	v33 =	vld [tilespmem:s20+$0x5900];
	[tilespmem:s2+$0x9880] =	vst v13;
	v8 =	vmul.f32 v8, v24;
	v20 =	vmul.f32 v20, v23;
	v19 =	vadd.f32 v19, v18  }
0x2b5: {  	[tilespmem:s2+$0x8880] =	vst v12;
	v12 =	vtrunc.f32 v31;
	v34 =	vadd.s32 $0x1, v14;
	v15 =	vsub.f32 v15, v26  }
0x2b6: {  	v9 =	vld.idx.msk [tilespmem:v9+s22+$0x0], $0xffff;
	v8 =	vadd.f32 v20, v8;
	v20 =	vadd.s32 $0x1800, v30;
	v12 =	vcvt.f32.s32 v12  }
0x2b7: {  	v13 =	vadd.f32 v15, v21;
	v15 =	vadd.s32 $0x1801, v30  }
0x2b8: {  	v35 =	vld.idx.msk [tilespmem:v7+s22+$0x0], $0xffff;
	v21 =	vtrunc.f32 v19;
	v8 =	vadd.f32 v8, v53;
	v7 =	vcvt.s32.f32 v12  }
0x2b9: {  	v33 =	vadd.f32 v33, v18;
	v30 =	vcvt.s32.f32 v30;
	v21 =	vcvt.f32.s32 v21;
	v36 =	vld.idx.msk [tilespmem:v14+s22+$0x0], $0xffff;
	[tilespmem:s0+$0x8900] =	vst v13  }
0x2ba: {  	v14 =	vcvt.s32.f32 v14;
	v13 =	vadd.s32 $0x1, v12;
	[tilespmem:s0+$0x9900] =	vst v8;
	v37 =	vsub.f32 v31, v7;
	v34 =	vld.idx.msk [tilespmem:v34+s22+$0x0], $0xffff  }
0x2bb: {  	v7 =	vtrunc.f32 v33;
	v38 =	vshll.u32 v9, $0x10;
	v26 =	vadd.s32 $0x800, v21;
	v8 =	vld.idx.msk [tilespmem:v20+s22+$0x0], $0xffff  }
0x2bc: {  	v32 =	vadd.s32 $0x801, v21;
	v20 =	vcvt.s32.f32 v21;
	v21 =	vcvt.f32.s32 v7;
	v15 =	vld.idx.msk [tilespmem:v15+s22+$0x0], $0xffff  }
0x2bd: {  	v39 =	vand.u32 $0xFFFF0000, v9;
	v10 =	vsub.f32 v10, v30;
	v16 =	vsub.f32 v16, v14  }
0x2be: {  	v31 =	vsub.f32 v19, v20;
	v19 =	vshll.u32 v35, $0x10;
	v9 =	vadd.s32 $0x1000, v21  }
0x2bf: {  	v30 =	vld [tilespmem:s23+$0x5880];
	v7 =	vadd.s32 $0x1001, v21;
	v20 =	vshll.u32 v36, $0x10;
	v36 =	vand.u32 $0xFFFF0000, v36  }
0x2c0: {  	v12 =	vld.idx.msk [tilespmem:v12+s22+$0x0], $0xffff;
	v41 =	vshll.u32 v34, $0x10;
	v54 =	vshll.u32 v8, $0x10;
	v8 =	vand.u32 $0xFFFF0000, v8  }
0x2c1: {  	v13 =	vld.idx.msk [tilespmem:v13+s22+$0x0], $0xffff;
	v41 =	vsub.f32 v41, v20;
	v14 =	vshll.u32 v15, $0x10;
	v15 =	vand.u32 $0xFFFF0000, v15  }
0x2c2: {  	v34 =	vand.u32 $0xFFFF0000, v34;
	v55 =	vsub.f32 v14, v54;
	v15 =	vsub.f32 v15, v8  }
0x2c3: {  	v52 =	vcvt.s32.f32 v21;
	v34 =	vsub.f32 v34, v36;
	v41 =	vmul.f32 v41, v16;
	v14 =	vld [tilespmem:s24+$0x4880]  }
0x2c4: {  	v19 =	vsub.f32 v19, v38;
	v42 =	vmul.f32 v55, v10;
	v10 =	vmul.f32 v15, v10;
	v15 =	vld [tilespmem:s24+$0x5080]  }
0x2c5: {  	v30 =	vadd.f32 v30, v11;
	v61 =	vshll.u32 v12, $0x10;
	v16 =	vmul.f32 v34, v16  }
0x2c6: {  	v12 =	vand.u32 $0xFFFF0000, v12;
	v56 =	vshll.u32 v13, $0x10;
	v20 =	vadd.f32 v20, v41  }
0x2c7: {  	v16 =	vadd.f32 v36, v16;
	v58 =	vadd.f32 v8, v10;
	v10 =	vtrunc.f32 v30  }
0x2c8: {  	v62 =	vld [tilespmem:s23+$0x8800];
	v13 =	vand.u32 $0xFFFF0000, v13;
	v63 =	vsub.f32 v56, v61;
	v45 =	vcvt.f32.s32 v10  }
0x2c9: {  	v48 =	vld [tilespmem:s23+$0x9800];
	v13 =	vsub.f32 v13, v12;
	v46 =	vmul.f32 v20, v14;
	v47 =	vmul.f32 v16, v15  }
0x2ca: {  	v21 =	vld [tilespmem:s0+$0x9980];
	v57 =	vadd.f32 v54, v42;
	v16 =	vmul.f32 v16, v14;
	v20 =	vmul.f32 v20, v15  }
0x2cb: {  	v8 =	vld [tilespmem:s31+$0x4880];
	v41 =	vmul.f32 v63, v37;
	v59 =	vmul.f32 v58, v24;
	v46 =	vsub.f32 v46, v47  }
0x2cc: {  	v10 =	vld [tilespmem:s31+$0x5080];
	v60 =	vmul.f32 v57, v23;
	v49 =	vadd.s32 $0x800, v45;
	v20 =	vadd.f32 v20, v16  }
0x2cd: {  	v50 =	vld [tilespmem:s20+$0x5980];
	v13 =	vmul.f32 v13, v37;
	v54 =	vadd.s32 $0x801, v45;
	v44 =	vadd.f32 v46, v62  }
0x2ce: {  	v35 =	vand.u32 $0xFFFF0000, v35;
	v36 =	vadd.f32 v60, v59;
	v20 =	vadd.f32 v20, v48  }
0x2cf: {  	v53 =	vld [tilespmem:s20+$0x8800];
	v19 =	vmul.f32 v19, v22;
	v56 =	vadd.f32 v61, v41;
	v13 =	vadd.f32 v12, v13;
	[tilespmem:s23+$0x8800] =	vst v44  }
0x2d0: {  	v55 =	vld [tilespmem:s20+$0x9800];
	v24 =	vmul.f32 v57, v24;
	v23 =	vmul.f32 v58, v23;
	v41 =	vadd.f32 v36, v21;
	[tilespmem:s23+$0x9800] =	vst v20  }
0x2d1: {  	v21 =	vmul.f32 v56, v8;
	v58 =	vmul.f32 v13, v10;
	v20 =	vsub.f32 v35, v39;
	v57 =	vld.idx.msk [tilespmem:v49+s22+$0x0], $0xffff  }
0x2d2: {  	v40 =	vadd.f32 v50, v18;
	v59 =	vmul.f32 v13, v8;
	v34 =	vmul.f32 v56, v10;
	v44 =	vld.idx.msk [tilespmem:v54+s22+$0x0], $0xffff  }
0x2d3: {  	v38 =	vadd.f32 v38, v19;
	v19 =	vmul.f32 v20, v22;
	v20 =	vsub.f32 v21, v58  }
0x2d4: {  	v24 =	vsub.f32 v24, v23;
	v21 =	vadd.f32 v34, v59;
	v22 =	vcvt.s32.f32 v45  }
0x2d5: {  	v61 =	vmul.f32 v38, v2;
	v39 =	vadd.f32 v39, v19;
	v62 =	vadd.f32 v20, v53  }
0x2d6: {  	v63 =	vld [tilespmem:s23+$0x5900];
	v38 =	vmul.f32 v38, v3;
	v37 =	vadd.f32 v21, v55;
	v30 =	vsub.f32 v30, v22  }
0x2d7: {  	v48 =	vshll.u32 v57, $0x10;
	v35 =	vand.u32 $0xFFFF0000, v57;
	v22 =	vshll.u32 v44, $0x10;
	[tilespmem:s20+$0x8800] =	vst v62  }
0x2d8: {  	v44 =	vand.u32 $0xFFFF0000, v44;
	v50 =	vmul.f32 v39, v3;
	v39 =	vmul.f32 v39, v2;
	[tilespmem:s20+$0x9800] =	vst v37  }
0x2d9: {  	v60 =	vtrunc.f32 v40;
	v49 =	vsub.f32 v22, v48;
	v44 =	vsub.f32 v44, v35;
	v26 =	vld.idx.msk [tilespmem:v26+s22+$0x0], $0xffff  }
0x2da: {  	v36 =	vcvt.f32.s32 v60;
	v22 =	vsub.f32 v33, v52;
	v54 =	vld.idx.msk [tilespmem:v32+s22+$0x0], $0xffff;
	v53 =	vadd.f32 v38, v39  }
0x2db: {  	v51 =	vmul.f32 v49, v30;
	v52 =	vmul.f32 v44, v30;
	v30 =	vadd.f32 v63, v11  }
0x2dc: {  	v18 =	vld [tilespmem:s20+$0x8900];
	v56 =	vcvt.s32.f32 v36;
	v33 =	vsub.f32 v61, v50;
	v28 =	vadd.f32 v53, v28  }
0x2dd: {  	v12 =	vld [tilespmem:s20+$0x8880];
	v37 =	vadd.f32 v48, v51;
	v35 =	vadd.f32 v35, v52;
	v55 =	vtrunc.f32 v30  }
0x2de: {  	v57 =	vld [tilespmem:s23+$0x8880];
	v27 =	vadd.f32 v33, v27;
	v32 =	vcvt.f32.s32 v55;
	v60 =	vshll.u32 v26, $0x10  }
0x2df: {  	v59 =	vld [tilespmem:s23+$0x9880];
	[tilespmem:s2+$0x9900] =	vst v28;
	v28 =	vshll.u32 v54, $0x10;
	v58 =	vmul.f32 v37, v14;
	v42 =	vmul.f32 v35, v15  }
0x2e0: {  	v16 =	vld [tilespmem:s23+$0x8980];
	[tilespmem:s2+$0x8900] =	vst v27;
	v62 =	vand.u32 $0xFFFF0000, v54;
	v23 =	vmul.f32 v35, v14;
	v27 =	vmul.f32 v37, v15  }
0x2e1: {  	s24 =	sadd.s32 $0x2, s7;
	v13 =	vld [tilespmem:s20+$0x9880];
	v37 =	vand.u32 $0xFFFF0000, v26;
	v28 =	vsub.f32 v28, v60;
	v26 =	vsub.f32 v58, v42  }
0x2e2: {  	p1 =	slt.s32 s24, $0x3E;
	v61 =	vld.idx.msk [tilespmem:v25+s22+$0x0], $0xffff;
	v25 =	vadd.s32 $0x1800, v36;
	v23 =	vadd.f32 v27, v23;
	v27 =	vadd.s32 $0x1000, v32  }
.Ltmp10:
0x2e3: {  	v43 =	vadd.s32 $0x1001, v32;
	v33 =	vadd.f32 v26, v57;
	v26 =	vadd.s32 $0x1801, v36;
	v36 =	vld.idx.msk [tilespmem:v29+s22+$0x0], $0xffff;
	(pc) =	sbr.rel @!p1 .LBB2_18-.Ltmp10, $4  }
0x2e4: {  	v20 =	vld [tilespmem:s20+$0x9900];
	v38 =	vsub.f32 v62, v37;
	v63 =	vadd.f32 v23, v59  }
0x2e5: {  	v21 =	vld [tilespmem:s20+$0x8980];
	v28 =	vmul.f32 v28, v31;
	[tilespmem:s23+$0x8880] =	vst v33  }
0x2e6: {  	v34 =	vadd.f32 v24, v17;
	v19 =	vld [tilespmem:s20+$0x9980];
	v44 =	vmul.f32 v38, v31;
	v23 =	vsub.f32 v40, v56;
	[tilespmem:s23+$0x9880] =	vst v63  }
0x2e7: {  	p0 =	por $0x1, $0x1;
	s7 =	sadd.s32 $0x20, s8;
	[tilespmem:s0+$0x9980] =	vst v41;
	v42 =	vadd.f32 v60, v28;
	v35 =	vshll.u32 v61, $0x10;
	v33 =	vand.u32 $0xFFFF0000, v61;
	v40 =	vld.idx.msk [tilespmem:v27+s22+$0x0], $0xffff  }
.LBB2_19:
0x2e8: {  	s8 =	sshrl.u32 s7, $0x7;
	s10 =	sand.u32 $0x60, s7;
	v17 =	vadd.f32 v37, v44;
	v24 =	vld.idx.msk [tilespmem:v43+s22+$0x0], $0xffff;
	v27 =	vshll.u32 v36, $0x10;
	v28 =	vand.u32 $0xFFFF0000, v36;
	[tilespmem:s0+$0x8980] =	vst v34;
	s0 =	smov.u32 s23  }
0x2e9: {  	s9 =	sshll.u32 s8, $0x8;
	s11 =	sor.u32 $0x10, s10;
	v29 =	vmul.f32 v42, v8;
	v31 =	vmul.f32 v42, v10;
	v27 =	vsub.f32 v27, v35  }
0x2ea: {  	s19 =	sshll.u32 s8, $0x9;
	v28 =	vsub.f32 v28, v33;
	s18 =	sor.u32 s10, s9;
	s9 =	sor.u32 s11, s9;
	v34 =	vmul.f32 v17, v10;
	v17 =	vmul.f32 v17, v8;
	v36 =	vld [tilespmem:s0+$0x5980]  }
0x2eb: {  	v32 =	vcvt.s32.f32 v32;
	s8 =	sor.u32 s10, s19;
	s23 =	sor.u32 s11, s19;
	v37 =	vld [tilespmem:s9+$0x4080];
	v27 =	vmul.f32 v27, v6  }
0x2ec: {  	v28 =	vmul.f32 v28, v6;
	v6 =	vmovc v23;
	v38 =	vld [tilespmem:s23+$0x5800];
	v29 =	vsub.f32 v29, v34;
	v17 =	vadd.f32 v31, v17  }
0x2ed: {  	v30 =	vsub.f32 v30, v32;
	v31 =	vshll.u32 v40, $0x10;
	v23 =	vld [tilespmem:s18+$0x4080];
	v27 =	vadd.f32 v35, v27  }
0x2ee: {  	v34 =	vand.u32 $0xFFFF0000, v40;
	v35 =	vshll.u32 v24, $0x10;
	v24 =	vand.u32 $0xFFFF0000, v24;
	v32 =	vld [tilespmem:s8+$0x5800]  }
0x2ef: {  	v35 =	vsub.f32 v35, v31;
	v24 =	vsub.f32 v24, v34;
	v39 =	vld [tilespmem:s18+$0x4880];
	v40 =	vmul.f32 v27, v2  }
0x2f0: {  	v12 =	vadd.f32 v29, v12;
	v42 =	vadd.f32 v36, v11;
	v36 =	vmul.f32 v27, v3;
	v41 =	vld [tilespmem:s18+$0x5080];
	v11 =	vmovc v37  }
0x2f1: {  	v35 =	vmul.f32 v35, v30;
	v24 =	vmul.f32 v24, v30;
	v29 =	vld [tilespmem:s8+$0x5880];
	v37 =	vadd.f32 v38, v11  }
0x2f2: {  	v27 =	vld [tilespmem:s8+$0x8800];
	[tilespmem:s20+$0x8880] =	vst v12;
	v12 =	vadd.f32 v17, v13;
	v13 =	vtrunc.f32 v42;
	v17 =	vadd.f32 v33, v28  }
0x2f3: {  	v31 =	vadd.f32 v31, v35;
	v24 =	vadd.f32 v34, v24;
	v28 =	vld [tilespmem:s8+$0x9800];
	v30 =	vtrunc.f32 v37  }
0x2f4: {  	s24 =	sadd.s32 $0x2, s24;
	v32 =	vadd.f32 v32, v23;
	v34 =	vcvt.f32.s32 v13;
	v33 =	vcvt.f32.s32 v30;
	[tilespmem:s20+$0x9880] =	vst v12;
	v30 =	vld [tilespmem:s0+$0x8900]  }
0x2f5: {  	p1 =	slt.s32 s24, $0x3E;
	v13 =	vmul.f32 v31, v14;
	v35 =	vmul.f32 v24, v15;
	v38 =	vld [tilespmem:s0+$0x9900]  }
0x2f6: {  	v24 =	vmul.f32 v24, v14;
	v31 =	vmul.f32 v31, v15;
	v43 =	vadd.f32 v29, v23;
	v29 =	vld [tilespmem:s8+$0x5900]  }
0x2f7: {  	v45 =	vmul.f32 v17, v3;
	v3 =	vmovc v10;
	v44 =	vtrunc.f32 v32;
	v10 =	vmovc v41;
	v35 =	vsub.f32 v13, v35;
	v12 =	vld [tilespmem:s8+$0x8880]  }
0x2f8: {  	v41 =	vcvt.f32.s32 v44;
	v24 =	vadd.f32 v31, v24;
	v31 =	vadd.s32 $0x1800, v34;
	v13 =	vld [tilespmem:s8+$0x9880]  }
0x2f9: {  	v44 =	vtrunc.f32 v43;
	v9 =	vld.idx.msk [tilespmem:v9+s22+$0x0], $0xffff;
	v30 =	vadd.f32 v35, v30;
	v35 =	vadd.s32 $0x1801, v34  }
0x2fa: {  	v47 =	vadd.s32 $0x1, v33;
	v46 =	vadd.s32 $0x1, v41;
	v48 =	vld.idx.msk [tilespmem:v7+s22+$0x0], $0xffff;
	v7 =	vadd.f32 v24, v38  }
0x2fb: {  	v24 =	vcvt.s32.f32 v41;
	v38 =	vcvt.f32.s32 v44;
	v44 =	vadd.f32 v29, v23;
	v49 =	vld [tilespmem:s8+$0x5980];
	[tilespmem:s0+$0x8900] =	vst v30  }
0x2fc: {  	v29 =	vsub.f32 v40, v45;
	v50 =	vld.idx.msk [tilespmem:v33+s22+$0x0], $0xffff;
	[tilespmem:s0+$0x9900] =	vst v7;
	v7 =	vmul.f32 v17, v2;
	v2 =	vmov v8  }
0x2fd: {  	v40 =	vsub.f32 v32, v24;
	v32 =	vadd.s32 $0x800, v38;
	v30 =	vadd.s32 $0x801, v38;
	v8 =	vmovc v39;
	v31 =	vld.idx.msk [tilespmem:v31+s22+$0x0], $0xffff  }
0x2fe: {  	v24 =	vcvt.s32.f32 v38;
	v38 =	vtrunc.f32 v44;
	v39 =	vld.idx.msk [tilespmem:v35+s22+$0x0], $0xffff;
	v17 =	vadd.f32 v36, v7  }
0x2ff: {  	v35 =	vcvt.f32.s32 v38;
	v45 =	vshll.u32 v9, $0x10;
	v38 =	vld.idx.msk [tilespmem:v47+s22+$0x0], $0xffff;
	v47 =	vand.u32 $0xFFFF0000, v9  }
0x300: {  	v34 =	vcvt.s32.f32 v34;
	v24 =	vsub.f32 v43, v24;
	v43 =	vshll.u32 v48, $0x10;
	v46 =	vld.idx.msk [tilespmem:v46+s22+$0x0], $0xffff  }
0x301: {  	v33 =	vcvt.s32.f32 v33;
	v9 =	vadd.s32 $0x1000, v35;
	v7 =	vadd.s32 $0x1001, v35;
	v41 =	vld.idx.msk [tilespmem:v41+s22+$0x0], $0xffff  }
0x302: {  	v42 =	vsub.f32 v42, v34;
	v48 =	vand.u32 $0xFFFF0000, v48;
	v51 =	vcvt.s32.f32 v35;
	v36 =	vld [tilespmem:s8+$0x8900]  }
0x303: {  	v33 =	vsub.f32 v37, v33;
	v37 =	vshll.u32 v50, $0x10;
	v53 =	vshll.u32 v31, $0x10;
	v52 =	vld [tilespmem:s23+$0x5880]  }
0x304: {  	v54 =	vand.u32 $0xFFFF0000, v31;
	v31 =	vshll.u32 v39, $0x10;
	v39 =	vand.u32 $0xFFFF0000, v39;
	v35 =	vld [tilespmem:s8+$0x9900]  }
0x305: {  	v55 =	vshll.u32 v38, $0x10;
	v56 =	vsub.f32 v31, v53;
	v39 =	vsub.f32 v39, v54;
	v34 =	vld [tilespmem:s8+$0x8980]  }
0x306: {  	v50 =	vand.u32 $0xFFFF0000, v50;
	v38 =	vand.u32 $0xFFFF0000, v38;
	v55 =	vsub.f32 v55, v37;
	v31 =	vld [tilespmem:s8+$0x9980]  }
0x307: {  	v38 =	vsub.f32 v38, v50;
	v56 =	vmul.f32 v56, v42;
	v39 =	vmul.f32 v39, v42;
	v57 =	vld [tilespmem:s9+$0x4880]  }
0x308: {  	v42 =	vshll.u32 v46, $0x10;
	v55 =	vmul.f32 v55, v33;
	v58 =	vld [tilespmem:s9+$0x5080];
	v52 =	vadd.f32 v52, v11  }
0x309: {  	v38 =	vmul.f32 v38, v33;
	v53 =	vadd.f32 v53, v56;
	v39 =	vadd.f32 v54, v39;
	v33 =	vld [tilespmem:s23+$0x8980]  }
0x30a: {  	v46 =	vand.u32 $0xFFFF0000, v46;
	v37 =	vadd.f32 v37, v55;
	v54 =	vtrunc.f32 v52;
	v55 =	vld [tilespmem:s0+$0x9980]  }
0x30b: {  	v38 =	vadd.f32 v50, v38;
	v50 =	vmul.f32 v39, v14;
	v56 =	vmul.f32 v53, v15  }
0x30c: {  	v59 =	vshll.u32 v41, $0x10;
	v41 =	vand.u32 $0xFFFF0000, v41;
	v54 =	vcvt.f32.s32 v54;
	v60 =	vld [tilespmem:s23+$0x8800]  }
0x30d: {  	v61 =	vmul.f32 v37, v57;
	v50 =	vadd.f32 v56, v50;
	v62 =	vmul.f32 v38, v58;
	v63 =	vld [tilespmem:s23+$0x9800]  }
0x30e: {  	v42 =	vsub.f32 v42, v59;
	v38 =	vmul.f32 v38, v57;
	v37 =	vmul.f32 v37, v58  }
0x30f: {  	v53 =	vmul.f32 v53, v14;
	v14 =	vmovc v57;
	v56 =	vsub.f32 v61, v62;
	v50 =	vadd.f32 v50, v55  }
0x310: {  	v46 =	vsub.f32 v46, v41;
	v37 =	vadd.f32 v37, v38;
	v38 =	vadd.s32 $0x800, v54  }
0x311: {  	v42 =	vmul.f32 v42, v40;
	v55 =	vadd.f32 v56, v60;
	v56 =	vadd.s32 $0x801, v54;
	[tilespmem:s0+$0x9980] =	vst v50  }
0x312: {  	v43 =	vsub.f32 v43, v45;
	v40 =	vmul.f32 v46, v40;
	v37 =	vadd.f32 v37, v63  }
0x313: {  	v46 =	vsub.f32 v48, v47;
	v15 =	vmul.f32 v39, v15;
	v42 =	vadd.f32 v59, v42;
	[tilespmem:s23+$0x8800] =	vst v55  }
0x314: {  	v39 =	vadd.f32 v41, v40;
	v40 =	vsub.f32 v44, v51;
	[tilespmem:s23+$0x9800] =	vst v37;
	v37 =	vmul.f32 v43, v22  }
0x315: {  	v23 =	vadd.f32 v49, v23;
	v41 =	vmul.f32 v42, v8;
	v42 =	vmul.f32 v42, v10;
	v38 =	vld.idx.msk [tilespmem:v38+s22+$0x0], $0xffff  }
0x316: {  	v43 =	vmul.f32 v39, v10;
	v39 =	vmul.f32 v39, v8;
	v44 =	vld.idx.msk [tilespmem:v56+s22+$0x0], $0xffff;
	v37 =	vadd.f32 v45, v37  }
0x317: {  	v46 =	vmul.f32 v46, v22;
	v48 =	vsub.f32 v53, v15;
	v15 =	vmovc v58;
	v22 =	vmovc v40;
	v45 =	vtrunc.f32 v23  }
0x318: {  	v40 =	vsub.f32 v41, v43;
	v39 =	vadd.f32 v42, v39;
	v41 =	vmul.f32 v37, v2  }
0x319: {  	v42 =	vcvt.s32.f32 v54;
	v43 =	vadd.f32 v47, v46;
	v37 =	vmul.f32 v37, v3  }
0x31a: {  	v27 =	vadd.f32 v40, v27;
	v28 =	vadd.f32 v39, v28;
	v39 =	vcvt.f32.s32 v45;
	v40 =	vld [tilespmem:s23+$0x5900]  }
0x31b: {  	v42 =	vsub.f32 v52, v42;
	v46 =	vmul.f32 v43, v3;
	v45 =	vshll.u32 v38, $0x10  }
0x31c: {  	[tilespmem:s8+$0x8800] =	vst v27;
	v27 =	vand.u32 $0xFFFF0000, v38;
	v38 =	vshll.u32 v44, $0x10;
	v44 =	vand.u32 $0xFFFF0000, v44  }
0x31d: {  	v43 =	vmul.f32 v43, v2;
	[tilespmem:s8+$0x9800] =	vst v28;
	v28 =	vsub.f32 v38, v45;
	v38 =	vsub.f32 v44, v27  }
0x31e: {  	v47 =	vadd.s32 $0x1800, v39;
	v49 =	vadd.s32 $0x1801, v39;
	v44 =	vld.idx.msk [tilespmem:v32+s22+$0x0], $0xffff;
	v32 =	vsub.f32 v41, v46  }
0x31f: {  	v41 =	vld.idx.msk [tilespmem:v30+s22+$0x0], $0xffff;
	v28 =	vmul.f32 v28, v42;
	v38 =	vmul.f32 v38, v42;
	v30 =	vadd.f32 v40, v11  }
0x320: {  	v39 =	vcvt.s32.f32 v39;
	v37 =	vadd.f32 v37, v43;
	v40 =	vadd.f32 v32, v18;
	v18 =	vmovc v36  }
0x321: {  	v28 =	vadd.f32 v45, v28;
	v27 =	vadd.f32 v27, v38;
	v32 =	vtrunc.f32 v30  }
0x322: {  	v23 =	vsub.f32 v23, v39;
	v36 =	vadd.f32 v37, v20;
	v20 =	vmovc v35;
	v38 =	vld [tilespmem:s23+$0x8880];
	v32 =	vcvt.f32.s32 v32;
	[tilespmem:s20+$0x8900] =	vst v40  }
0x323: {  	v29 =	vadd.f32 v29, v4;
	v4 =	vmovc v21;
	v35 =	vmul.f32 v28, v14;
	v39 =	vmul.f32 v27, v15;
	v40 =	vld [tilespmem:s23+$0x9880]  }
0x324: {  	v21 =	vmovc v34;
	v42 =	vshll.u32 v44, $0x10;
	v27 =	vmul.f32 v27, v14;
	v28 =	vmul.f32 v28, v15;
	[tilespmem:s20+$0x9900] =	vst v36  }
0x325: {  	v37 =	vand.u32 $0xFFFF0000, v44;
	v34 =	vshll.u32 v41, $0x10;
	v35 =	vsub.f32 v35, v39;
	v39 =	vld.idx.msk [tilespmem:v25+s22+$0x0], $0xffff;
	[tilespmem:s2+$0x8980] =	vst v29;
	v25 =	vmovc v47  }
0x326: {  	v29 =	vand.u32 $0xFFFF0000, v41;
	v27 =	vadd.f32 v28, v27;
	v28 =	vadd.s32 $0x1000, v32;
	v36 =	vld.idx.msk [tilespmem:v26+s22+$0x0], $0xffff;
	v26 =	vmovc v49  }
.Ltmp11:
0x327: {  	v43 =	vadd.s32 $0x1001, v32;
	v34 =	vsub.f32 v34, v42;
	v35 =	vadd.f32 v35, v38;
	(pc) =	sbr.rel @p1 .LBB2_19-.Ltmp11, $4  }
0x328: {  	v29 =	vsub.f32 v29, v37;
	v27 =	vadd.f32 v27, v40  }
0x329: {  	v17 =	vadd.f32 v17, v5;
	v38 =	vmul.f32 v34, v24;
	v34 =	vadd.f32 v48, v16;
	[tilespmem:s23+$0x8880] =	vst v35  }
0x32a: {  	v5 =	vmovc v19;
	v19 =	vmov v31;
	v16 =	vmov v33;
	v44 =	vmul.f32 v29, v24;
	[tilespmem:s23+$0x9880] =	vst v27  }
0x32b: {  	s7 =	sadd.s32 $0x20, s7;
	v42 =	vadd.f32 v42, v38;
	v35 =	vshll.u32 v39, $0x10;
	v33 =	vand.u32 $0xFFFF0000, v39;
	v40 =	vld.idx.msk [tilespmem:v28+s22+$0x0], $0xffff;
	[tilespmem:s2+$0x9980] =	vst v17;
	s2 =	smov.u32 s20;
	s20 =	smov.u32 s8  }
.Ltmp12:
0x32c: {  	(pc) =	sbr.rel .LBB2_21-.Ltmp12, $4  }
0x32d: {  	_ = 	snop  }
0x32e: {  	v41 =	vmov v6;
	v38 =	vmov v4;
	v39 =	vmov v5  }
0x32f: {  	v6 =	vmovc v23;
	v31 =	vmovc v11;
	v24 =	vmov v14;
	v23 =	vmov v15;
	v27 =	vmov v18  }
0x330: {  	s7 =	smov.u32 s0;
	s0 =	smov.u32 s23;
	v28 =	vmovc v20;
	v4 =	vmovc v21;
	v29 =	vmov v26;
	v17 =	vmov v16;
	v5 =	vmov v19  }
.LBB2_6:
.Ltmp13:
0x331: {  	(pc) =	sbr.rel .LBB2_11-.Ltmp13, $2  }
0x332: {  	_ =	sdelay $0x2  }
0x333: {  	v8 =	vmov v2;
	v10 =	vmov v3;
	s2 =	smov.u32 s20  }
.LBB2_8:
.Ltmp14:
0x334: {  	(pc) =	sbr.rel .LBB2_11-.Ltmp14, $4  }
0x335: {  	_ = 	snop  }
0x336: {  	v41 =	vmov v6;
	v38 =	vmov v4;
	v39 =	vmov v5  }
0x337: {  	v6 =	vmovc v23;
	v31 =	vmovc v11;
	v24 =	vmov v14;
	v23 =	vmov v15;
	v27 =	vmov v18  }
0x338: {  	s7 =	smov.u32 s23;
	s23 =	smov.u32 s0;
	v29 =	vmovc v26;
	v17 =	vmovc v16;
	v28 =	vmov v20;
	v4 =	vmov v21;
	v5 =	vmov v19  }
.LBB2_18:
.Ltmp15:
0x339: {  	(pc) =	sbr.rel .LBB2_21-.Ltmp15, $4  }
0x33a: {  	_ = 	snop  }
0x33b: {  	v41 =	vmov v6;
	v38 =	vmov v4;
	v39 =	vmov v5  }
0x33c: {  	v6 =	vmovc v23;
	v31 =	vmovc v11;
	v24 =	vmov v14;
	v23 =	vmov v15;
	v27 =	vmov v18  }
0x33d: {  	s7 =	smov.u32 s0;
	s0 =	smov.u32 s23;
	v29 =	vmovc v26;
	v17 =	vmovc v16;
	v28 =	vmov v20;
	v4 =	vmov v21;
	v5 =	vmov v19  }
.LBB2_23:
0x33e: {  	s8 =	simm.s32 $0x0;
	s0 =	simm.s32 $0x0  }
0x33f: {  	s7 =	sand.u32 $0x70, s8;
	s0 =	sand.u32 $0xFFFFFE00, s0  }
0x340: {  	s10 =	sor.u32 s7, s0  }
0x341: {  	v2 =	vld [tilespmem:s10+$0x8880]  }
0x342: {  	v4 =	vld [tilespmem:s10+$0x7800]  }
0x343: {  	v6 =	vld [tilespmem:s10+$0x9880]  }
0x344: {  	v5 =	vld [tilespmem:s10+$0x8800]  }
0x345: {  	v7 =	vld [tilespmem:s10+$0x9800]  }
0x346: {  	v8 =	vld [tilespmem:s10+$0x6800]  }
0x347: {  	v9 =	vld [tilespmem:s10+$0x6880]  }
0x348: {  	v10 =	vld [tilespmem:s10+$0x7880];
	_ =	sdelay $0x2  }
0x349: {  	v3 =	vld [tilespmem:s10+$0x7900];
	v11 =	vmul.f32 v4, v7;
	v12 =	vmul.f32 v8, v5  }
0x34a: {  	v13 =	vld [tilespmem:s10+$0x6900];
	v4 =	vmul.f32 v4, v5;
	v7 =	vmul.f32 v8, v7  }
0x34b: {  	v5 =	vld [tilespmem:s10+$0x9900];
	v8 =	vmul.f32 v9, v2;
	v14 =	vmul.f32 v10, v6  }
0x34c: {  	v6 =	vmul.f32 v9, v6;
	v9 =	vmul.f32 v10, v2;
	v2 =	vld [tilespmem:s10+$0x7980];
	v11 =	vsub.f32 v12, v11  }
0x34d: {  	v12 =	vld [tilespmem:s10+$0x8900];
	v7 =	vadd.f32 v4, v7  }
0x34e: {  	v8 =	vsub.f32 v8, v14;
	v4 =	vld [tilespmem:s10+$0x6980];
	v10 =	vadd.f32 $0.0e+00, v11  }
0x34f: {  	v9 =	vadd.f32 v9, v6;
	v6 =	vld [tilespmem:s10+$0x9980]  }
0x350: {  	s20 =	simm.s32 $0x10;
	s2 =	simm.s32 $0x40;
	v11 =	vadd.f32 $0.0e+00, v7;
	v7 =	vadd.f32 v8, v10;
	v8 =	vld [tilespmem:s10+$0x8980]  }
0x351: {  	s9 =	sand.u32 $0xFFFFFE00, s2;
	s0 =	sand.u32 $0x70, s20;
	v10 =	vmul.f32 v13, v5  }
0x352: {  	s23 =	simm.s32 $0x2;
	s2 =	simm.s32 $0x1;
	s9 =	sor.u32 s0, s9;
	v9 =	vadd.f32 v9, v11;
	v11 =	vmul.f32 v13, v12;
	v12 =	vmul.f32 v3, v12  }
.LBB2_24:
0x353: {  	p0 =	sne.s32 s23, $0x3F  }
0x354: {  	s20 =	sadd.s32 $0x10, s20;
	v3 =	vmul.f32 v3, v5;
	s10 =	smov.u32 s23;
	s23 =	sadd.s32 $0x1, s23  }
0x355: {  	v5 =	vadd.f32 v12, v10;
	v10 =	vmul.f32 v4, v6;
	v12 =	vmul.f32 v2, v8  }
0x356: {  	v4 =	vmul.f32 v4, v8;
	v2 =	vmul.f32 v2, v6;
	v3 =	vsub.f32 v11, v3  }
0x357: {  	v5 =	vadd.f32 v5, v9;
	v6 =	vadd.f32 v12, v10  }
0x358: {  	s11 =	sshll.u32 s8, $0x5;
	s8 =	smov.u32 s2;
	s2 =	smov.u32 s10;
	v2 =	vsub.f32 v4, v2;
	v3 =	vadd.f32 v3, v7  }
0x359: {  	s10 =	sand.u32 $0x3FFFFF00, s11;
	v4 =	vadd.f32 v6, v5  }
0x35a: {  	s10 =	sor.u32 s7, s10;
	s7 =	smov.u32 s0;
	v2 =	vadd.f32 v2, v3  }
0x35b: {  	[tilespmem:s10+$0xA880] =	vst v4  }
0x35c: {  	s11 =	sshll.u32 s2, $0x6;
	[tilespmem:s10+$0xA800] =	vst v2  }
0x35d: {  	s0 =	sand.u32 $0x70, s20;
	s10 =	sand.u32 $0xFFFFFE00, s11;
	v5 =	vld [tilespmem:s9+$0x8880]  }
0x35e: {  	s10 =	sor.u32 s0, s10;
	v3 =	vld [tilespmem:s9+$0x7800]  }
0x35f: {  	v6 =	vld [tilespmem:s9+$0x9880]  }
0x360: {  	v2 =	vld [tilespmem:s9+$0x6880]  }
0x361: {  	v7 =	vld [tilespmem:s9+$0x8800]  }
0x362: {  	v8 =	vld [tilespmem:s9+$0x9800]  }
0x363: {  	v9 =	vld [tilespmem:s9+$0x6800]  }
0x364: {  	v10 =	vld [tilespmem:s9+$0x7880]  }
0x365: {  	v11 =	vmul.f32 v2, v5;
	v12 =	vmul.f32 v2, v6;
	v2 =	vld [tilespmem:s9+$0x7980]  }
0x366: {  	v13 =	vmul.f32 v3, v7;
	v4 =	vld [tilespmem:s9+$0x6980]  }
0x367: {  	v14 =	vmul.f32 v3, v8;
	v3 =	vld [tilespmem:s9+$0x7900]  }
0x368: {  	v7 =	vmul.f32 v9, v7;
	v8 =	vmul.f32 v9, v8;
	v15 =	vld [tilespmem:s9+$0x6900]  }
0x369: {  	v6 =	vmul.f32 v10, v6;
	v9 =	vmul.f32 v10, v5;
	v5 =	vld [tilespmem:s9+$0x9900]  }
0x36a: {  	v7 =	vsub.f32 v7, v14;
	v8 =	vadd.f32 v13, v8;
	v13 =	vld [tilespmem:s9+$0x8900]  }
.Ltmp16:
0x36b: {  	v10 =	vsub.f32 v11, v6;
	v9 =	vadd.f32 v9, v12;
	v6 =	vld [tilespmem:s9+$0x9980];
	(pc) =	sbr.rel @p0 .LBB2_24-.Ltmp16, $3  }
0x36c: {  	v7 =	vadd.f32 $0.0e+00, v7;
	v11 =	vadd.f32 $0.0e+00, v8;
	v8 =	vld [tilespmem:s9+$0x8980];
	s9 =	smov.u32 s10;
	_ =	sdelay $0x1  }
0x36d: {  	v7 =	vadd.f32 v10, v7;
	v9 =	vadd.f32 v9, v11;
	v10 =	vmul.f32 v15, v5  }
0x36e: {  	v11 =	vmul.f32 v15, v13;
	v12 =	vmul.f32 v3, v13  }
0x36f: {  	v3 =	vmul.f32 v3, v5  }
0x370: {  	v35 =	vmul.f32 v4, v6;
	v34 =	vadd.f32 v12, v10;
	v36 =	vmul.f32 v2, v8  }
0x371: {  	v37 =	vmul.f32 v4, v8;
	v2 =	vmul.f32 v2, v6;
	v3 =	vsub.f32 v11, v3  }
0x372: {  	v5 =	vadd.f32 v34, v9;
	v38 =	vadd.f32 v36, v35  }
0x373: {  	s8 =	sshll.u32 s8, $0x5;
	v2 =	vsub.f32 v37, v2;
	v3 =	vadd.f32 v3, v7  }
0x374: {  	s8 =	sand.u32 $0x3FFFFF00, s8;
	v39 =	vadd.f32 v38, v5  }
0x375: {  	s7 =	sor.u32 s7, s8;
	v2 =	vadd.f32 v2, v3  }
0x376: {  	[tilespmem:s7+$0xA880] =	vst v39  }
0x377: {  	[tilespmem:s7+$0xA800] =	vst v2  }
0x378: {  	v2 =	vld [tilespmem:s9+$0x8880]  }
0x379: {  	v3 =	vld [tilespmem:s9+$0x7800]  }
0x37a: {  	v4 =	vld [tilespmem:s9+$0x9880]  }
0x37b: {  	v40 =	vld [tilespmem:s9+$0x6880]  }
0x37c: {  	v41 =	vld [tilespmem:s9+$0x8800]  }
0x37d: {  	v42 =	vld [tilespmem:s9+$0x9800]  }
0x37e: {  	v43 =	vld [tilespmem:s9+$0x6800]  }
0x37f: {  	v44 =	vld [tilespmem:s9+$0x7880]  }
0x380: {  	v46 =	vld [tilespmem:s9+$0x6980]  }
0x381: {  	v47 =	vld [tilespmem:s9+$0x7900]  }
0x382: {  	v13 =	vld [tilespmem:s9+$0x6900]  }
0x383: {  	v16 =	vld [tilespmem:s9+$0x9900]  }
0x384: {  	v49 =	vld [tilespmem:s9+$0x8900];
	v14 =	vmul.f32 v3, v42;
	v15 =	vmul.f32 v43, v41  }
0x385: {  	v51 =	vld [tilespmem:s9+$0x9980];
	v3 =	vmul.f32 v3, v41;
	v48 =	vmul.f32 v43, v42  }
0x386: {  	v45 =	vld [tilespmem:s9+$0x7980];
	v50 =	vmul.f32 v40, v2;
	v17 =	vmul.f32 v44, v4  }
0x387: {  	v52 =	vld [tilespmem:s9+$0x8980];
	v4 =	vmul.f32 v40, v4;
	v2 =	vmul.f32 v44, v2;
	v3 =	vadd.f32 v3, v48  }
0x388: {  	v56 =	vmul.f32 v13, v16;
	v14 =	vsub.f32 v15, v14  }
0x389: {  	v57 =	vmul.f32 v47, v49;
	v2 =	vadd.f32 v2, v4;
	v3 =	vadd.f32 $0.0e+00, v3  }
0x38a: {  	v58 =	vmul.f32 v47, v16;
	v59 =	vmul.f32 v46, v51;
	v53 =	vsub.f32 v50, v17  }
0x38b: {  	v54 =	vadd.f32 $0.0e+00, v14;
	v2 =	vadd.f32 v2, v3;
	v3 =	vmul.f32 v13, v49  }
0x38c: {  	v60 =	vmul.f32 v45, v52;
	v5 =	vmul.f32 v46, v52;
	v6 =	vadd.f32 v57, v56  }
0x38d: {  	v61 =	vmul.f32 v45, v51;
	v55 =	vadd.f32 v53, v54;
	v3 =	vsub.f32 v3, v58  }
0x38e: {  	v62 =	vadd.f32 v60, v59;
	v2 =	vadd.f32 v6, v2  }
0x38f: {  	s2 =	sshll.u32 s2, $0x5;
	v63 =	vsub.f32 v5, v61;
	v3 =	vadd.f32 v3, v55  }
0x390: {  	s2 =	sand.u32 $0x3FFFFF00, s2;
	v2 =	vadd.f32 v62, v2  }
0x391: {  	s0 =	sor.u32 s0, s2;
	v3 =	vadd.f32 v63, v3  }
0x392: {  	[tilespmem:s0+$0xA880] =	vst v2  }
0x393: {  	s28 =	rddreg [dreg:$0xb];
	s29 =	simm.s32 $0xA800;
	s7 =	simm.s32 $0x5;
	[tilespmem:s0+$0xA800] =	vst v3  }
0x394: {  	[hbm4b:s28+s1] =	stream.linear.scatter [tilespmem:s29], [sflag:$0x5], $0x800, $0x38;
	[tilespmem:$0xB080] =	vst v63  }
0x395: {  	_ =	swait.ge [sflag:s7], $0x800  }
0x396: {  	s30 =	rddreg [dreg:$0xd]  }
0x397: {  	s31 =	rddreg [dreg:$0xc];
	s2 =	sadd.s32 $0x1, s30  }
0x398: {  	p0 =	sne.s32 s2, s31  }
.Ltmp17:
0x399: {  	_ = 	snop;
	(pc) =	sbr.rel @p0 .LBB2_1-.Ltmp17, $3  }
0x39a: {  	_ =	sdelay $0x1  }
0x39b: {  	[sflag:s7] =	ssyncset.done $0x0  }
0x39c: {  	[sflag:s7] =	ssyncadd.s32 $0xFFFFF800  }
0x39d: {  	_ =	sfence.sel $0x180000  }
0x39e: {  	[bflag:$0x0] =	sbarrier.arrive $0xFFFF  }
0x39f: {  	_ =	strace $0x90000047  }
0x3a0: {  	s0 =	stileid.u32;
	[bflag:$0x2] =	sbarrier.arrive $0xFFFF  }
0x3a1: {  	p0 =	sne.s32 s0, $0x0;
	s0 =	rddreg [dreg:$0x2]  }
0x3a2: {  	s0 =	sadd.s32 @!p0 $0x100000, s0  }
0x3a3: {  	[sflag:s0] =	ssyncadd.tile.s32 @!p0 $0x1;
	_ =	shalt  }
.Lfunc_end2:
_tile_overlayer_lowered:
.L_overlay_start_2:
0x3a4: {  	(tag) =	ssettag $0x2  }
0x3a5: {  	s0 =	rddreg [dreg:$0x0];
	s2 =	stileid.u32  }
0x3a6: {  	s1 =	rddreg [dreg:$0x1];
	p0 =	sne.s32 s2, $0x0  }
0x3a7: {  	s3 =	rddreg [dreg:$0x2];
	[bflag:$0x3] =	sbarrier.arrive $0xFFFF;
	s2 =	simm.s32 @!p0 $0x1C05  }
0x3a8: {  	[timem:s3], [sflag:s2] =	dma.local @!p0 [hbm:s0], s1  }
0x3a9: {  	s0 =	simm.s32 @!p0 $0x5  }
0x3aa: {  	_ =	swait.ge @!p0 [sflag:s0], s1  }
0x3ab: {  	s1 =	ssub.s32 @!p0 $0x0, s1;
	[sflag:s0] =	ssyncset.done @!p0 $0x0  }
0x3ac: {  	[sflag:s0] =	ssyncadd.s32 @!p0 s1  }
0x3ad: {  	[bflag:$0x3] =	sbarrier.arrive $0xFFFF  }
0x3ae: {  	_ =	shalt  }

</sc_bundles>
